<compile_context>
chip_gen: v7x
topology: tpu7x:2x2x1
jax: 0.10.2.dev20260603
libtpu: 0.0.44.dev20260713+nightly
codegen_flags: <defaults>
</compile_context>

<pallas_src>
import functools

import jax
import jax.numpy as jnp
from jax import lax
from jax.experimental import pallas as pl
from jax.experimental.pallas import tpu as pltpu
from jax.experimental.pallas import tpu_sc as plsc


def _fused_kernel(x_ref, ids_ref, gW1_ref, gb1_ref, gW2_ref,
                  gb2_ref, embT_ref, ct_ref, pW_ref, pb_ref, lng_ref,
                  lnb_ref, out_ref, praw_s, st_s):
    b = pl.program_id(0)
    nb = ids_ref.shape[0]

    @pl.when(b < nb)
    def _batch_step():
        x = x_ref[0]
        h = jnp.tanh(jnp.dot(x, gW1_ref[...],
                             preferred_element_type=jnp.float32)
                     + gb1_ref[...])
        g_col = jnp.dot(h, gW2_ref[...],
                        preferred_element_type=jnp.float32)
        g_row = g_col.T + gb2_ref[...]
        e_row = jnp.exp(g_row)
        n = x.shape[0]
        c = st_s.shape[1]
        ids_row = ids_ref[pl.ds(b, 1), :]
        onehot = lax.broadcasted_iota(jnp.int32, (c, n), 0) == ids_row
        numer = jnp.where(onehot, e_row, 0.0)
        st_s[b] = jnp.sum(numer, axis=1, keepdims=True)
        praw_s[b] = jnp.dot(numer, x,
                            preferred_element_type=jnp.float32)

    @pl.when(b == nb)
    def _proj_step():
        c = st_s.shape[1]
        t = embT_ref.shape[0]
        onehot_tb = (lax.broadcasted_iota(jnp.int32, (t, nb), 0)
                     == ct_ref[...]).astype(jnp.float32)
        ctmT = lax.dot_general(embT_ref[...], onehot_tb,
                               (((0,), (0,)), ((), ())),
                               preferred_element_type=jnp.float32)
        st = jnp.concatenate([st_s[i] for i in range(nb)], axis=1)
        ne = st > 0.0
        scaleT = jnp.where(ne, (1.0 + 0.1 * ctmT) / jnp.where(ne, st, 1.0),
                           0.0)
        any_col = jnp.sum(st, axis=1, keepdims=True) > 0.0
        pooled = jnp.concatenate(
            [praw_s[i] * scaleT[:, i:i + 1] for i in range(nb)], axis=0
        )
        proj = jnp.dot(pooled, pW_ref[...],
                       preferred_element_type=jnp.float32) + pb_ref[...]
        mean = jnp.mean(proj, axis=1, keepdims=True)
        d = proj - mean
        var = jnp.mean(d * d, axis=1, keepdims=True)
        y = d * lax.rsqrt(var + 1e-5) * lng_ref[...] + lnb_ref[...]
        y = jnp.where(y > 0.0, y, jnp.exp(jnp.minimum(y, 0.0)) - 1.0)
        anyBC = jnp.concatenate([any_col] * nb, axis=0)
        y = jnp.where(anyBC, y, 0.0)
        out_ref[...] = y.reshape(nb, c, y.shape[1])


def _make_seg_count(BN, C):
    NC, NS, L = 2, 16, 16
    NW = NC * NS
    P = BN // NW
    mesh = plsc.VectorSubcoreMesh(core_axis_name="c", subcore_axis_name="s")

    CP = C + L
    NB = NW // 2

    @functools.partial(
        pl.kernel,
        mesh=mesh,
        out_type=jax.ShapeDtypeStruct((NB, C), jnp.float32),
        compiler_params=pltpu.CompilerParams(needs_layout_passes=False,
                                             skip_device_barrier=True),
        scratch_types=[
            pltpu.VMEM((P,), jnp.int32),
            pltpu.VMEM((L * (C + L),), jnp.float32),
            pltpu.VMEM((C,), jnp.float32),
            pltpu.VMEM((C,), jnp.float32),
            pltpu.VMEM_SHARED((NS, C), jnp.float32),
        ],
    )
    def seg_count(ids_hbm, out_hbm, ids_v, acc_v, s_v, t_v, sh_v):
        cid = lax.axis_index("c")
        sid = lax.axis_index("s")
        wid = cid * NS + sid
        base = wid * P
        pltpu.sync_copy(ids_hbm.at[pl.ds(base, P)], ids_v)
        zeros = jnp.zeros((L,), jnp.float32)
        for r in range(L * CP // L):
            acc_v[pl.ds(r * L, L)] = zeros
        lane_off = lax.iota(jnp.int32, L) * CP
        one = jnp.ones((L,), jnp.float32)
        for i in range(P // L):
            iv = ids_v[pl.ds(i * L, L)] + lane_off
            av = plsc.load_gather(acc_v, [iv])
            plsc.store_scatter(acc_v, [iv], av + one)
        for j in range(C // L):
            sv = acc_v[pl.ds(j * L, L)]
            for r in range(1, L):
                sv = sv + acc_v[pl.ds(r * CP + j * L, L)]
            s_v[pl.ds(j * L, L)] = sv
        pltpu.sync_copy(s_v, sh_v.at[sid])
        plsc.subcore_barrier()

        @pl.when(sid % 2 == 0)
        def _combine():
            pltpu.sync_copy(sh_v.at[sid + 1], t_v)
            for j in range(C // L):
                s_v[pl.ds(j * L, L)] = (s_v[pl.ds(j * L, L)]
                                        + t_v[pl.ds(j * L, L)])
            pltpu.sync_copy(s_v, out_hbm.at[wid // 2])

    return seg_count, NW


def kernel(x, gW1, gb1, gW2, gb2, emb, pW, pb, ln_g, ln_b, cancer_type,
           channel_ids, pad_mask):
    B, N, H = x.shape
    T, C = emb.shape
    ids_m = jnp.where(pad_mask, C, channel_ids.astype(jnp.int32))

    seg_count, NW = _make_seg_count(B * N, C)
    counts = seg_count(ids_m.reshape(B * N))
    channel_active = counts > 0.0

    tokens = pl.pallas_call(
        _fused_kernel,
        grid=(B + 1,),
        in_specs=[
            pl.BlockSpec((1, N, H), lambda b: (jnp.minimum(b, B - 1), 0, 0)),
            pl.BlockSpec((B, N), lambda b: (0, 0)),
            pl.BlockSpec((H, H // 2), lambda b: (0, 0)),
            pl.BlockSpec((1, H // 2), lambda b: (0, 0)),
            pl.BlockSpec((H // 2, 1), lambda b: (0, 0)),
            pl.BlockSpec((1, 1), lambda b: (0, 0)),
            pl.BlockSpec((T, C), lambda b: (0, 0)),
            pl.BlockSpec((1, B), lambda b: (0, 0)),
            pl.BlockSpec((H, H), lambda b: (0, 0)),
            pl.BlockSpec((1, H), lambda b: (0, 0)),
            pl.BlockSpec((1, H), lambda b: (0, 0)),
            pl.BlockSpec((1, H), lambda b: (0, 0)),
        ],
        out_specs=pl.BlockSpec((B, C, H), lambda b: (0, 0, 0)),
        out_shape=jax.ShapeDtypeStruct((B, C, H), jnp.float32),
        scratch_shapes=[
            pltpu.VMEM((B, C, H), jnp.float32),
            pltpu.VMEM((B, C, 1), jnp.float32),
        ],
    )(x, ids_m, gW1, gb1.reshape(1, -1), gW2, gb2.reshape(1, 1),
      emb, cancer_type.astype(jnp.int32).reshape(1, B), pW,
      pb.reshape(1, -1), ln_g.reshape(1, -1), ln_b.reshape(1, -1))

    return tokens, channel_active

# --- scband reference (transcript-rebuilt; emitter-appended) ---
"""Pipeline reference for scband-block-to-channel-pool-64355789963668 (READ-ONLY COPY).

The authoritative reference and input builder live on the scoring server;
editing this copy changes nothing except your own understanding.
"""

import jax, jax.numpy as jnp
import numpy as np

B, N, H, C, T = 16, 4096, 256, 96, 32

def setup_inputs(seed: int = 0) -> dict:
    key = jax.random.key(seed)
    ks = jax.random.split(key, 12)
    x = jax.random.normal(ks[0], (B, N, H), dtype=jnp.float32)
    cancer_type = jax.random.randint(ks[1], (B,), 0, T)
    channel_ids = jax.random.randint(ks[2], (B, N), 0, C)
    pad_mask = jax.random.randint(ks[3], (B, N), 0, 2).astype(bool)
    s1 = 1.0 / np.sqrt(H); s2 = 1.0 / np.sqrt(H // 2)
    gW1 = jax.random.uniform(ks[4], (H, H // 2), minval=-s1, maxval=s1, dtype=jnp.float32)
    gb1 = jax.random.uniform(ks[5], (H // 2,), minval=-s1, maxval=s1, dtype=jnp.float32)
    gW2 = jax.random.uniform(ks[6], (H // 2, 1), minval=-s2, maxval=s2, dtype=jnp.float32)
    gb2 = jax.random.uniform(ks[7], (1,), minval=-s2, maxval=s2, dtype=jnp.float32)
    emb = jax.random.normal(ks[8], (T, C), dtype=jnp.float32)
    pW = jax.random.uniform(ks[9], (H, H), minval=-s1, maxval=s1, dtype=jnp.float32)
    pb = jax.random.uniform(ks[10], (H,), minval=-s1, maxval=s1, dtype=jnp.float32)
    ln_g = jnp.ones((H,), jnp.float32)
    ln_b = jnp.zeros((H,), jnp.float32)
    return {"x": x, "gW1": gW1, "gb1": gb1, "gW2": gW2, "gb2": gb2,
            "emb": emb, "pW": pW, "pb": pb, "ln_g": ln_g, "ln_b": ln_b,
            "cancer_type": cancer_type, "channel_ids": channel_ids, "pad_mask": pad_mask}

def reference(x, gW1, gb1, gW2, gb2, emb, pW, pb, ln_g, ln_b, cancer_type, channel_ids, pad_mask):
    # block_gate: Linear -> Tanh -> Linear -> squeeze
    h = jnp.tanh(x @ gW1 + gb1)
    gate = (h @ gW2 + gb2)[..., 0]                      # (B, N)
    gate = jnp.where(pad_mask, -jnp.inf, gate)
    ct_mod = emb[cancer_type]                            # (B, C) embedding gather
    ch_arange = jnp.arange(C)[:, None, None]
    ch_mask = (channel_ids[None, :, :] == ch_arange) & (~pad_mask[None, :, :])  # (C, B, N)
    ch_gate = jnp.where(ch_mask, gate[None, :, :], -jnp.inf)
    w = jax.nn.softmax(ch_gate, axis=-1)
    w = jnp.nan_to_num(w, nan=0.0)
    w = w * (1.0 + jnp.transpose(ct_mod)[:, :, None] * 0.1)   # (C, B, N)
    pooled = jnp.einsum('cbn,bnh->cbh', w, x)            # segment-style weighted reduce
    # channel_proj: Linear -> LayerNorm -> ELU (dropout = identity in eval)
    proj = pooled @ pW + pb
    mean = proj.mean(axis=-1, keepdims=True)
    var = proj.var(axis=-1, keepdims=True)
    proj = (proj - mean) / jnp.sqrt(var + 1e-5) * ln_g + ln_b
    proj = jax.nn.elu(proj)
    any_ch = ch_mask.any(axis=(1, 2))                    # (C,) skip channels absent everywhere
    tokens = jnp.where(any_ch[:, None, None], proj, 0.0)
    channel_tokens = jnp.transpose(tokens, (1, 0, 2))    # (B, C, H)
    channel_active = jnp.transpose(ch_mask.any(axis=-1)) # (B, C)
    return channel_tokens, channel_active

if __name__ == "__main__":
    import jax
    _d = setup_inputs()
    print(jax.jit(kernel)(*tuple(_d.values())))

</pallas_src>

<mosaic_0001>
#map = affine_map<(d0, d1) -> (0)>
#map1 = affine_map<(d0, d1) -> (0, 0)>
module attributes {stable_mosaic.version = 14 : i64} {
  func.func @seg_count(%arg0: i32, %arg1: i32, %arg2: memref<65536xi32, #tpu.memory_space<hbm>>, %arg3: memref<16x96xf32, #tpu.memory_space<hbm>>, %arg4: memref<2048xi32, #tpu.memory_space<vmem>>, %arg5: memref<1792xf32, #tpu.memory_space<vmem>>, %arg6: memref<96xf32, #tpu.memory_space<vmem>>, %arg7: memref<96xf32, #tpu.memory_space<vmem>>, %arg8: memref<16x96xf32, #tpu.memory_space<vmem_shared>>) attributes {dimension_semantics = [#tpu.dimension_semantics<core_parallel>, #tpu.dimension_semantics<subcore_parallel>], iteration_bounds = array<i64: 2, 16>, scalar_prefetch = 0 : i64, scratch_operands = 5 : i64, tpu.core_type = #tpu.core_type<sc_vector_subcore>, window_params = [{transform_indices = #map}, {transform_indices = #map1}]} {
    %mul3A = arith.constant 16 : i32
    %mul3A_0 = arith.muli %arg0, %mul3A : i32
    %add3A = arith.addi %mul3A_0, %arg1 : i32
    %mul3A_1 = arith.constant 2048 : i32
    %mul3A_2 = arith.muli %add3A, %mul3A_1 : i32
    "tpu.region"() ({
      %run_scoped3A = tpu.sem_alloc : memref<!tpu.dma_semaphore, #tpu.memory_space<semaphore_mem>>
      %dma_start3A = tpu.memref_slice %arg2[%mul3A_2] : memref<65536xi32, #tpu.memory_space<hbm>> -> memref<2048xi32, #tpu.memory_space<hbm>>
      %dma_start3A_1176 = tpu.memref_slice %arg2[%mul3A_2] : memref<65536xi32, #tpu.memory_space<hbm>> -> memref<2048xi32, #tpu.memory_space<hbm>>
      tpu.enqueue_dma source(%dma_start3A_1176 : memref<2048xi32, #tpu.memory_space<hbm>>) target(%arg4 : memref<2048xi32, #tpu.memory_space<vmem>>) target_semaphore(%run_scoped3A : memref<!tpu.dma_semaphore, #tpu.memory_space<semaphore_mem>>)
      %dma_wait3A = tpu.memref_slice %arg2[%mul3A_2] : memref<65536xi32, #tpu.memory_space<hbm>> -> memref<2048xi32, #tpu.memory_space<hbm>>
      %dma_wait3A_1177 = tpu.memref_slice %arg2[%mul3A_2] : memref<65536xi32, #tpu.memory_space<hbm>> -> memref<2048xi32, #tpu.memory_space<hbm>>
      tpu.wait_dma2 semaphore(%run_scoped3A : memref<!tpu.dma_semaphore, #tpu.memory_space<semaphore_mem>>) src(%dma_wait3A_1177 : memref<2048xi32, #tpu.memory_space<hbm>>) dst(%arg4 : memref<2048xi32, #tpu.memory_space<vmem>>)
      tpu.yield
    }) : () -> ()
    %broadcast_in_dim3A = arith.constant 0.000000e+00 : f32
    %broadcast_in_dim3A_3 = vector.broadcast %broadcast_in_dim3A : f32 to vector<16xf32>
    %swap3A = arith.constant 0 : index
    %swap3A_4 = tpu.vector_load %arg5[%swap3A] {strides = array<i32>} : memref<1792xf32, #tpu.memory_space<vmem>>, vector<16xf32>,
    tpu.vector_store %arg5[%swap3A], %broadcast_in_dim3A_3 {strides = array<i32>} : memref<1792xf32, #tpu.memory_space<vmem>>, vector<16xf32>,
    %swap3A_5 = arith.constant 16 : index
    %swap3A_6 = tpu.vector_load %arg5[%swap3A_5] {strides = array<i32>} : memref<1792xf32, #tpu.memory_space<vmem>>, vector<16xf32>,
    tpu.vector_store %arg5[%swap3A_5], %broadcast_in_dim3A_3 {strides = array<i32>} : memref<1792xf32, #tpu.memory_space<vmem>>, vector<16xf32>,
    %swap3A_7 = arith.constant 32 : index
    %swap3A_8 = tpu.vector_load %arg5[%swap3A_7] {strides = array<i32>} : memref<1792xf32, #tpu.memory_space<vmem>>, vector<16xf32>,
    tpu.vector_store %arg5[%swap3A_7], %broadcast_in_dim3A_3 {strides = array<i32>} : memref<1792xf32, #tpu.memory_space<vmem>>, vector<16xf32>,
    %swap3A_9 = arith.constant 48 : index
    %swap3A_10 = tpu.vector_load %arg5[%swap3A_9] {strides = array<i32>} : memref<1792xf32, #tpu.memory_space<vmem>>, vector<16xf32>,
    tpu.vector_store %arg5[%swap3A_9], %broadcast_in_dim3A_3 {strides = array<i32>} : memref<1792xf32, #tpu.memory_space<vmem>>, vector<16xf32>,
    %swap3A_11 = arith.constant 64 : index
    %swap3A_12 = tpu.vector_load %arg5[%swap3A_11] {strides = array<i32>} : memref<1792xf32, #tpu.memory_space<vmem>>, vector<16xf32>,
    tpu.vector_store %arg5[%swap3A_11], %broadcast_in_dim3A_3 {strides = array<i32>} : memref<1792xf32, #tpu.memory_space<vmem>>, vector<16xf32>,
    %swap3A_13 = arith.constant 80 : index
    %swap3A_14 = tpu.vector_load %arg5[%swap3A_13] {strides = array<i32>} : memref<1792xf32, #tpu.memory_space<vmem>>, vector<16xf32>,
    tpu.vector_store %arg5[%swap3A_13], %broadcast_in_dim3A_3 {strides = array<i32>} : memref<1792xf32, #tpu.memory_space<vmem>>, vector<16xf32>,
    %swap3A_15 = arith.constant 96 : index
    %swap3A_16 = tpu.vector_load %arg5[%swap3A_15] {strides = array<i32>} : memref<1792xf32, #tpu.memory_space<vmem>>, vector<16xf32>,
    tpu.vector_store %arg5[%swap3A_15], %broadcast_in_dim3A_3 {strides = array<i32>} : memref<1792xf32, #tpu.memory_space<vmem>>, vector<16xf32>,
    %swap3A_17 = arith.constant 112 : index
    %swap3A_18 = tpu.vector_load %arg5[%swap3A_17] {strides = array<i32>} : memref<1792xf32, #tpu.memory_space<vmem>>, vector<16xf32>,
    tpu.vector_store %arg5[%swap3A_17], %broadcast_in_dim3A_3 {strides = array<i32>} : memref<1792xf32, #tpu.memory_space<vmem>>, vector<16xf32>,
    %swap3A_19 = arith.constant 128 : index
    %swap3A_20 = tpu.vector_load %arg5[%swap3A_19] {strides = array<i32>} : memref<1792xf32, #tpu.memory_space<vmem>>, vector<16xf32>,
    tpu.vector_store %arg5[%swap3A_19], %broadcast_in_dim3A_3 {strides = array<i32>} : memref<1792xf32, #tpu.memory_space<vmem>>, vector<16xf32>,
    %swap3A_21 = arith.constant 144 : index
    %swap3A_22 = tpu.vector_load %arg5[%swap3A_21] {strides = array<i32>} : memref<1792xf32, #tpu.memory_space<vmem>>, vector<16xf32>,
    tpu.vector_store %arg5[%swap3A_21], %broadcast_in_dim3A_3 {strides = array<i32>} : memref<1792xf32, #tpu.memory_space<vmem>>, vector<16xf32>,
    %swap3A_23 = arith.constant 160 : index
    %swap3A_24 = tpu.vector_load %arg5[%swap3A_23] {strides = array<i32>} : memref<1792xf32, #tpu.memory_space<vmem>>, vector<16xf32>,
    tpu.vector_store %arg5[%swap3A_23], %broadcast_in_dim3A_3 {strides = array<i32>} : memref<1792xf32, #tpu.memory_space<vmem>>, vector<16xf32>,
    %swap3A_25 = arith.constant 176 : index
    %swap3A_26 = tpu.vector_load %arg5[%swap3A_25] {strides = array<i32>} : memref<1792xf32, #tpu.memory_space<vmem>>, vector<16xf32>,
    tpu.vector_store %arg5[%swap3A_25], %broadcast_in_dim3A_3 {strides = array<i32>} : memref<1792xf32, #tpu.memory_space<vmem>>, vector<16xf32>,
    %swap3A_27 = arith.constant 192 : index
    %swap3A_28 = tpu.vector_load %arg5[%swap3A_27] {strides = array<i32>} : memref<1792xf32, #tpu.memory_space<vmem>>, vector<16xf32>,
    tpu.vector_store %arg5[%swap3A_27], %broadcast_in_dim3A_3 {strides = array<i32>} : memref<1792xf32, #tpu.memory_space<vmem>>, vector<16xf32>,
    %swap3A_29 = arith.constant 208 : index
    %swap3A_30 = tpu.vector_load %arg5[%swap3A_29] {strides = array<i32>} : memref<1792xf32, #tpu.memory_space<vmem>>, vector<16xf32>,
    tpu.vector_store %arg5[%swap3A_29], %broadcast_in_dim3A_3 {strides = array<i32>} : memref<1792xf32, #tpu.memory_space<vmem>>, vector<16xf32>,
    %swap3A_31 = arith.constant 224 : index
    %swap3A_32 = tpu.vector_load %arg5[%swap3A_31] {strides = array<i32>} : memref<1792xf32, #tpu.memory_space<vmem>>, vector<16xf32>,
    tpu.vector_store %arg5[%swap3A_31], %broadcast_in_dim3A_3 {strides = array<i32>} : memref<1792xf32, #tpu.memory_space<vmem>>, vector<16xf32>,
    %swap3A_33 = arith.constant 240 : index
    %swap3A_34 = tpu.vector_load %arg5[%swap3A_33] {strides = array<i32>} : memref<1792xf32, #tpu.memory_space<vmem>>, vector<16xf32>,
    tpu.vector_store %arg5[%swap3A_33], %broadcast_in_dim3A_3 {strides = array<i32>} : memref<1792xf32, #tpu.memory_space<vmem>>, vector<16xf32>,
    %swap3A_35 = arith.constant 256 : index
    %swap3A_36 = tpu.vector_load %arg5[%swap3A_35] {strides = array<i32>} : memref<1792xf32, #tpu.memory_space<vmem>>, vector<16xf32>,
    tpu.vector_store %arg5[%swap3A_35], %broadcast_in_dim3A_3 {strides = array<i32>} : memref<1792xf32, #tpu.memory_space<vmem>>, vector<16xf32>,
    %swap3A_37 = arith.constant 272 : index
    %swap3A_38 = tpu.vector_load %arg5[%swap3A_37] {strides = array<i32>} : memref<1792xf32, #tpu.memory_space<vmem>>, vector<16xf32>,
    tpu.vector_store %arg5[%swap3A_37], %broadcast_in_dim3A_3 {strides = array<i32>} : memref<1792xf32, #tpu.memory_space<vmem>>, vector<16xf32>,
    %swap3A_39 = arith.constant 288 : index
    %swap3A_40 = tpu.vector_load %arg5[%swap3A_39] {strides = array<i32>} : memref<1792xf32, #tpu.memory_space<vmem>>, vector<16xf32>,
    tpu.vector_store %arg5[%swap3A_39], %broadcast_in_dim3A_3 {strides = array<i32>} : memref<1792xf32, #tpu.memory_space<vmem>>, vector<16xf32>,
    %swap3A_41 = arith.constant 304 : index
    %swap3A_42 = tpu.vector_load %arg5[%swap3A_41] {strides = array<i32>} : memref<1792xf32, #tpu.memory_space<vmem>>, vector<16xf32>,
    tpu.vector_store %arg5[%swap3A_41], %broadcast_in_dim3A_3 {strides = array<i32>} : memref<1792xf32, #tpu.memory_space<vmem>>, vector<16xf32>,
    %swap3A_43 = arith.constant 320 : index
    %swap3A_44 = tpu.vector_load %arg5[%swap3A_43] {strides = array<i32>} : memref<1792xf32, #tpu.memory_space<vmem>>, vector<16xf32>,
    tpu.vector_store %arg5[%swap3A_43], %broadcast_in_dim3A_3 {strides = array<i32>} : memref<1792xf32, #tpu.memory_space<vmem>>, vector<16xf32>,
    %swap3A_45 = arith.constant 336 : index
    %swap3A_46 = tpu.vector_load %arg5[%swap3A_45] {strides = array<i32>} : memref<1792xf32, #tpu.memory_space<vmem>>, vector<16xf32>,
    tpu.vector_store %arg5[%swap3A_45], %broadcast_in_dim3A_3 {strides = array<i32>} : memref<1792xf32, #tpu.memory_space<vmem>>, vector<16xf32>,
    %swap3A_47 = arith.constant 352 : index
    %swap3A_48 = tpu.vector_load %arg5[%swap3A_47] {strides = array<i32>} : memref<1792xf32, #tpu.memory_space<vmem>>, vector<16xf32>,
    tpu.vector_store %arg5[%swap3A_47], %broadcast_in_dim3A_3 {strides = array<i32>} : memref<1792xf32, #tpu.memory_space<vmem>>, vector<16xf32>,
    %swap3A_49 = arith.constant 368 : index
    %swap3A_50 = tpu.vector_load %arg5[%swap3A_49] {strides = array<i32>} : memref<1792xf32, #tpu.memory_space<vmem>>, vector<16xf32>,
    tpu.vector_store %arg5[%swap3A_49], %broadcast_in_dim3A_3 {strides = array<i32>} : memref<1792xf32, #tpu.memory_space<vmem>>, vector<16xf32>,
    %swap3A_51 = arith.constant 384 : index
    %swap3A_52 = tpu.vector_load %arg5[%swap3A_51] {strides = array<i32>} : memref<1792xf32, #tpu.memory_space<vmem>>, vector<16xf32>,
    tpu.vector_store %arg5[%swap3A_51], %broadcast_in_dim3A_3 {strides = array<i32>} : memref<1792xf32, #tpu.memory_space<vmem>>, vector<16xf32>,
    %swap3A_53 = arith.constant 400 : index
    %swap3A_54 = tpu.vector_load %arg5[%swap3A_53] {strides = array<i32>} : memref<1792xf32, #tpu.memory_space<vmem>>, vector<16xf32>,
    tpu.vector_store %arg5[%swap3A_53], %broadcast_in_dim3A_3 {strides = array<i32>} : memref<1792xf32, #tpu.memory_space<vmem>>, vector<16xf32>,
    %swap3A_55 = arith.constant 416 : index
    %swap3A_56 = tpu.vector_load %arg5[%swap3A_55] {strides = array<i32>} : memref<1792xf32, #tpu.memory_space<vmem>>, vector<16xf32>,
    tpu.vector_store %arg5[%swap3A_55], %broadcast_in_dim3A_3 {strides = array<i32>} : memref<1792xf32, #tpu.memory_space<vmem>>, vector<16xf32>,
    %swap3A_57 = arith.constant 432 : index
    %swap3A_58 = tpu.vector_load %arg5[%swap3A_57] {strides = array<i32>} : memref<1792xf32, #tpu.memory_space<vmem>>, vector<16xf32>,
    tpu.vector_store %arg5[%swap3A_57], %broadcast_in_dim3A_3 {strides = array<i32>} : memref<1792xf32, #tpu.memory_space<vmem>>, vector<16xf32>,
    %swap3A_59 = arith.constant 448 : index
    %swap3A_60 = tpu.vector_load %arg5[%swap3A_59] {strides = array<i32>} : memref<1792xf32, #tpu.memory_space<vmem>>, vector<16xf32>,
    tpu.vector_store %arg5[%swap3A_59], %broadcast_in_dim3A_3 {strides = array<i32>} : memref<1792xf32, #tpu.memory_space<vmem>>, vector<16xf32>,
    %swap3A_61 = arith.constant 464 : index
    %swap3A_62 = tpu.vector_load %arg5[%swap3A_61] {strides = array<i32>} : memref<1792xf32, #tpu.memory_space<vmem>>, vector<16xf32>,
    tpu.vector_store %arg5[%swap3A_61], %broadcast_in_dim3A_3 {strides = array<i32>} : memref<1792xf32, #tpu.memory_space<vmem>>, vector<16xf32>,
    %swap3A_63 = arith.constant 480 : index
    %swap3A_64 = tpu.vector_load %arg5[%swap3A_63] {strides = array<i32>} : memref<1792xf32, #tpu.memory_space<vmem>>, vector<16xf32>,
    tpu.vector_store %arg5[%swap3A_63], %broadcast_in_dim3A_3 {strides = array<i32>} : memref<1792xf32, #tpu.memory_space<vmem>>, vector<16xf32>,
    %swap3A_65 = arith.constant 496 : index
    %swap3A_66 = tpu.vector_load %arg5[%swap3A_65] {strides = array<i32>} : memref<1792xf32, #tpu.memory_space<vmem>>, vector<16xf32>,
    tpu.vector_store %arg5[%swap3A_65], %broadcast_in_dim3A_3 {strides = array<i32>} : memref<1792xf32, #tpu.memory_space<vmem>>, vector<16xf32>,
    %swap3A_67 = arith.constant 512 : index
    %swap3A_68 = tpu.vector_load %arg5[%swap3A_67] {strides = array<i32>} : memref<1792xf32, #tpu.memory_space<vmem>>, vector<16xf32>,
    tpu.vector_store %arg5[%swap3A_67], %broadcast_in_dim3A_3 {strides = array<i32>} : memref<1792xf32, #tpu.memory_space<vmem>>, vector<16xf32>,
    %swap3A_69 = arith.constant 528 : index
    %swap3A_70 = tpu.vector_load %arg5[%swap3A_69] {strides = array<i32>} : memref<1792xf32, #tpu.memory_space<vmem>>, vector<16xf32>,
    tpu.vector_store %arg5[%swap3A_69], %broadcast_in_dim3A_3 {strides = array<i32>} : memref<1792xf32, #tpu.memory_space<vmem>>, vector<16xf32>,
    %swap3A_71 = arith.constant 544 : index
    %swap3A_72 = tpu.vector_load %arg5[%swap3A_71] {strides = array<i32>} : memref<1792xf32, #tpu.memory_space<vmem>>, vector<16xf32>,
    tpu.vector_store %arg5[%swap3A_71], %broadcast_in_dim3A_3 {strides = array<i32>} : memref<1792xf32, #tpu.memory_space<vmem>>, vector<16xf32>,
    %swap3A_73 = arith.constant 560 : index
    %swap3A_74 = tpu.vector_load %arg5[%swap3A_73] {strides = array<i32>} : memref<1792xf32, #tpu.memory_space<vmem>>, vector<16xf32>,
    tpu.vector_store %arg5[%swap3A_73], %broadcast_in_dim3A_3 {strides = array<i32>} : memref<1792xf32, #tpu.memory_space<vmem>>, vector<16xf32>,
    %swap3A_75 = arith.constant 576 : index
    %swap3A_76 = tpu.vector_load %arg5[%swap3A_75] {strides = array<i32>} : memref<1792xf32, #tpu.memory_space<vmem>>, vector<16xf32>,
    tpu.vector_store %arg5[%swap3A_75], %broadcast_in_dim3A_3 {strides = array<i32>} : memref<1792xf32, #tpu.memory_space<vmem>>, vector<16xf32>,
    %swap3A_77 = arith.constant 592 : index
    %swap3A_78 = tpu.vector_load %arg5[%swap3A_77] {strides = array<i32>} : memref<1792xf32, #tpu.memory_space<vmem>>, vector<16xf32>,
    tpu.vector_store %arg5[%swap3A_77], %broadcast_in_dim3A_3 {strides = array<i32>} : memref<1792xf32, #tpu.memory_space<vmem>>, vector<16xf32>,
    %swap3A_79 = arith.constant 608 : index
    %swap3A_80 = tpu.vector_load %arg5[%swap3A_79] {strides = array<i32>} : memref<1792xf32, #tpu.memory_space<vmem>>, vector<16xf32>,
    tpu.vector_store %arg5[%swap3A_79], %broadcast_in_dim3A_3 {strides = array<i32>} : memref<1792xf32, #tpu.memory_space<vmem>>, vector<16xf32>,
    %swap3A_81 = arith.constant 624 : index
    %swap3A_82 = tpu.vector_load %arg5[%swap3A_81] {strides = array<i32>} : memref<1792xf32, #tpu.memory_space<vmem>>, vector<16xf32>,
    tpu.vector_store %arg5[%swap3A_81], %broadcast_in_dim3A_3 {strides = array<i32>} : memref<1792xf32, #tpu.memory_space<vmem>>, vector<16xf32>,
    %swap3A_83 = arith.constant 640 : index
    %swap3A_84 = tpu.vector_load %arg5[%swap3A_83] {strides = array<i32>} : memref<1792xf32, #tpu.memory_space<vmem>>, vector<16xf32>,
    tpu.vector_store %arg5[%swap3A_83], %broadcast_in_dim3A_3 {strides = array<i32>} : memref<1792xf32, #tpu.memory_space<vmem>>, vector<16xf32>,
    %swap3A_85 = arith.constant 656 : index
    %swap3A_86 = tpu.vector_load %arg5[%swap3A_85] {strides = array<i32>} : memref<1792xf32, #tpu.memory_space<vmem>>, vector<16xf32>,
    tpu.vector_store %arg5[%swap3A_85], %broadcast_in_dim3A_3 {strides = array<i32>} : memref<1792xf32, #tpu.memory_space<vmem>>, vector<16xf32>,
    %swap3A_87 = arith.constant 672 : index
    %swap3A_88 = tpu.vector_load %arg5[%swap3A_87] {strides = array<i32>} : memref<1792xf32, #tpu.memory_space<vmem>>, vector<16xf32>,
    tpu.vector_store %arg5[%swap3A_87], %broadcast_in_dim3A_3 {strides = array<i32>} : memref<1792xf32, #tpu.memory_space<vmem>>, vector<16xf32>,
    %swap3A_89 = arith.constant 688 : index
    %swap3A_90 = tpu.vector_load %arg5[%swap3A_89] {strides = array<i32>} : memref<1792xf32, #tpu.memory_space<vmem>>, vector<16xf32>,
    tpu.vector_store %arg5[%swap3A_89], %broadcast_in_dim3A_3 {strides = array<i32>} : memref<1792xf32, #tpu.memory_space<vmem>>, vector<16xf32>,
    %swap3A_91 = arith.constant 704 : index
    %swap3A_92 = tpu.vector_load %arg5[%swap3A_91] {strides = array<i32>} : memref<1792xf32, #tpu.memory_space<vmem>>, vector<16xf32>,
    tpu.vector_store %arg5[%swap3A_91], %broadcast_in_dim3A_3 {strides = array<i32>} : memref<1792xf32, #tpu.memory_space<vmem>>, vector<16xf32>,
    %swap3A_93 = arith.constant 720 : index
    %swap3A_94 = tpu.vector_load %arg5[%swap3A_93] {strides = array<i32>} : memref<1792xf32, #tpu.memory_space<vmem>>, vector<16xf32>,
    tpu.vector_store %arg5[%swap3A_93], %broadcast_in_dim3A_3 {strides = array<i32>} : memref<1792xf32, #tpu.memory_space<vmem>>, vector<16xf32>,
    %swap3A_95 = arith.constant 736 : index
    %swap3A_96 = tpu.vector_load %arg5[%swap3A_95] {strides = array<i32>} : memref<1792xf32, #tpu.memory_space<vmem>>, vector<16xf32>,
    tpu.vector_store %arg5[%swap3A_95], %broadcast_in_dim3A_3 {strides = array<i32>} : memref<1792xf32, #tpu.memory_space<vmem>>, vector<16xf32>,
    %swap3A_97 = arith.constant 752 : index
    %swap3A_98 = tpu.vector_load %arg5[%swap3A_97] {strides = array<i32>} : memref<1792xf32, #tpu.memory_space<vmem>>, vector<16xf32>,
    tpu.vector_store %arg5[%swap3A_97], %broadcast_in_dim3A_3 {strides = array<i32>} : memref<1792xf32, #tpu.memory_space<vmem>>, vector<16xf32>,
    %swap3A_99 = arith.constant 768 : index
    %swap3A_100 = tpu.vector_load %arg5[%swap3A_99] {strides = array<i32>} : memref<1792xf32, #tpu.memory_space<vmem>>, vector<16xf32>,
    tpu.vector_store %arg5[%swap3A_99], %broadcast_in_dim3A_3 {strides = array<i32>} : memref<1792xf32, #tpu.memory_space<vmem>>, vector<16xf32>,
    %swap3A_101 = arith.constant 784 : index
    %swap3A_102 = tpu.vector_load %arg5[%swap3A_101] {strides = array<i32>} : memref<1792xf32, #tpu.memory_space<vmem>>, vector<16xf32>,
    tpu.vector_store %arg5[%swap3A_101], %broadcast_in_dim3A_3 {strides = array<i32>} : memref<1792xf32, #tpu.memory_space<vmem>>, vector<16xf32>,
    %swap3A_103 = arith.constant 800 : index
    %swap3A_104 = tpu.vector_load %arg5[%swap3A_103] {strides = array<i32>} : memref<1792xf32, #tpu.memory_space<vmem>>, vector<16xf32>,
    tpu.vector_store %arg5[%swap3A_103], %broadcast_in_dim3A_3 {strides = array<i32>} : memref<1792xf32, #tpu.memory_space<vmem>>, vector<16xf32>,
    %swap3A_105 = arith.constant 816 : index
    %swap3A_106 = tpu.vector_load %arg5[%swap3A_105] {strides = array<i32>} : memref<1792xf32, #tpu.memory_space<vmem>>, vector<16xf32>,
    tpu.vector_store %arg5[%swap3A_105], %broadcast_in_dim3A_3 {strides = array<i32>} : memref<1792xf32, #tpu.memory_space<vmem>>, vector<16xf32>,
    %swap3A_107 = arith.constant 832 : index
    %swap3A_108 = tpu.vector_load %arg5[%swap3A_107] {strides = array<i32>} : memref<1792xf32, #tpu.memory_space<vmem>>, vector<16xf32>,
    tpu.vector_store %arg5[%swap3A_107], %broadcast_in_dim3A_3 {strides = array<i32>} : memref<1792xf32, #tpu.memory_space<vmem>>, vector<16xf32>,
    %swap3A_109 = arith.constant 848 : index
    %swap3A_110 = tpu.vector_load %arg5[%swap3A_109] {strides = array<i32>} : memref<1792xf32, #tpu.memory_space<vmem>>, vector<16xf32>,
    tpu.vector_store %arg5[%swap3A_109], %broadcast_in_dim3A_3 {strides = array<i32>} : memref<1792xf32, #tpu.memory_space<vmem>>, vector<16xf32>,
    %swap3A_111 = arith.constant 864 : index
    %swap3A_112 = tpu.vector_load %arg5[%swap3A_111] {strides = array<i32>} : memref<1792xf32, #tpu.memory_space<vmem>>, vector<16xf32>,
    tpu.vector_store %arg5[%swap3A_111], %broadcast_in_dim3A_3 {strides = array<i32>} : memref<1792xf32, #tpu.memory_space<vmem>>, vector<16xf32>,
    %swap3A_113 = arith.constant 880 : index
    %swap3A_114 = tpu.vector_load %arg5[%swap3A_113] {strides = array<i32>} : memref<1792xf32, #tpu.memory_space<vmem>>, vector<16xf32>,
    tpu.vector_store %arg5[%swap3A_113], %broadcast_in_dim3A_3 {strides = array<i32>} : memref<1792xf32, #tpu.memory_space<vmem>>, vector<16xf32>,
    %swap3A_115 = arith.constant 896 : index
    %swap3A_116 = tpu.vector_load %arg5[%swap3A_115] {strides = array<i32>} : memref<1792xf32, #tpu.memory_space<vmem>>, vector<16xf32>,
    tpu.vector_store %arg5[%swap3A_115], %broadcast_in_dim3A_3 {strides = array<i32>} : memref<1792xf32, #tpu.memory_space<vmem>>, vector<16xf32>,
    %swap3A_117 = arith.constant 912 : index
    %swap3A_118 = tpu.vector_load %arg5[%swap3A_117] {strides = array<i32>} : memref<1792xf32, #tpu.memory_space<vmem>>, vector<16xf32>,
    tpu.vector_store %arg5[%swap3A_117], %broadcast_in_dim3A_3 {strides = array<i32>} : memref<1792xf32, #tpu.memory_space<vmem>>, vector<16xf32>,
    %swap3A_119 = arith.constant 928 : index
    %swap3A_120 = tpu.vector_load %arg5[%swap3A_119] {strides = array<i32>} : memref<1792xf32, #tpu.memory_space<vmem>>, vector<16xf32>,
    tpu.vector_store %arg5[%swap3A_119], %broadcast_in_dim3A_3 {strides = array<i32>} : memref<1792xf32, #tpu.memory_space<vmem>>, vector<16xf32>,
    %swap3A_121 = arith.constant 944 : index
    %swap3A_122 = tpu.vector_load %arg5[%swap3A_121] {strides = array<i32>} : memref<1792xf32, #tpu.memory_space<vmem>>, vector<16xf32>,
    tpu.vector_store %arg5[%swap3A_121], %broadcast_in_dim3A_3 {strides = array<i32>} : memref<1792xf32, #tpu.memory_space<vmem>>, vector<16xf32>,
    %swap3A_123 = arith.constant 960 : index
    %swap3A_124 = tpu.vector_load %arg5[%swap3A_123] {strides = array<i32>} : memref<1792xf32, #tpu.memory_space<vmem>>, vector<16xf32>,
    tpu.vector_store %arg5[%swap3A_123], %broadcast_in_dim3A_3 {strides = array<i32>} : memref<1792xf32, #tpu.memory_space<vmem>>, vector<16xf32>,
    %swap3A_125 = arith.constant 976 : index
    %swap3A_126 = tpu.vector_load %arg5[%swap3A_125] {strides = array<i32>} : memref<1792xf32, #tpu.memory_space<vmem>>, vector<16xf32>,
    tpu.vector_store %arg5[%swap3A_125], %broadcast_in_dim3A_3 {strides = array<i32>} : memref<1792xf32, #tpu.memory_space<vmem>>, vector<16xf32>,
    %swap3A_127 = arith.constant 992 : index
    %swap3A_128 = tpu.vector_load %arg5[%swap3A_127] {strides = array<i32>} : memref<1792xf32, #tpu.memory_space<vmem>>, vector<16xf32>,
    tpu.vector_store %arg5[%swap3A_127], %broadcast_in_dim3A_3 {strides = array<i32>} : memref<1792xf32, #tpu.memory_space<vmem>>, vector<16xf32>,
    %swap3A_129 = arith.constant 1008 : index
    %swap3A_130 = tpu.vector_load %arg5[%swap3A_129] {strides = array<i32>} : memref<1792xf32, #tpu.memory_space<vmem>>, vector<16xf32>,
    tpu.vector_store %arg5[%swap3A_129], %broadcast_in_dim3A_3 {strides = array<i32>} : memref<1792xf32, #tpu.memory_space<vmem>>, vector<16xf32>,
    %swap3A_131 = arith.constant 1024 : index
    %swap3A_132 = tpu.vector_load %arg5[%swap3A_131] {strides = array<i32>} : memref<1792xf32, #tpu.memory_space<vmem>>, vector<16xf32>,
    tpu.vector_store %arg5[%swap3A_131], %broadcast_in_dim3A_3 {strides = array<i32>} : memref<1792xf32, #tpu.memory_space<vmem>>, vector<16xf32>,
    %swap3A_133 = arith.constant 1040 : index
    %swap3A_134 = tpu.vector_load %arg5[%swap3A_133] {strides = array<i32>} : memref<1792xf32, #tpu.memory_space<vmem>>, vector<16xf32>,
    tpu.vector_store %arg5[%swap3A_133], %broadcast_in_dim3A_3 {strides = array<i32>} : memref<1792xf32, #tpu.memory_space<vmem>>, vector<16xf32>,
    %swap3A_135 = arith.constant 1056 : index
    %swap3A_136 = tpu.vector_load %arg5[%swap3A_135] {strides = array<i32>} : memref<1792xf32, #tpu.memory_space<vmem>>, vector<16xf32>,
    tpu.vector_store %arg5[%swap3A_135], %broadcast_in_dim3A_3 {strides = array<i32>} : memref<1792xf32, #tpu.memory_space<vmem>>, vector<16xf32>,
    %swap3A_137 = arith.constant 1072 : index
    %swap3A_138 = tpu.vector_load %arg5[%swap3A_137] {strides = array<i32>} : memref<1792xf32, #tpu.memory_space<vmem>>, vector<16xf32>,
    tpu.vector_store %arg5[%swap3A_137], %broadcast_in_dim3A_3 {strides = array<i32>} : memref<1792xf32, #tpu.memory_space<vmem>>, vector<16xf32>,
    %swap3A_139 = arith.constant 1088 : index
    %swap3A_140 = tpu.vector_load %arg5[%swap3A_139] {strides = array<i32>} : memref<1792xf32, #tpu.memory_space<vmem>>, vector<16xf32>,
    tpu.vector_store %arg5[%swap3A_139], %broadcast_in_dim3A_3 {strides = array<i32>} : memref<1792xf32, #tpu.memory_space<vmem>>, vector<16xf32>,
    %swap3A_141 = arith.constant 1104 : index
    %swap3A_142 = tpu.vector_load %arg5[%swap3A_141] {strides = array<i32>} : memref<1792xf32, #tpu.memory_space<vmem>>, vector<16xf32>,
    tpu.vector_store %arg5[%swap3A_141], %broadcast_in_dim3A_3 {strides = array<i32>} : memref<1792xf32, #tpu.memory_space<vmem>>, vector<16xf32>,
    %swap3A_143 = arith.constant 1120 : index
    %swap3A_144 = tpu.vector_load %arg5[%swap3A_143] {strides = array<i32>} : memref<1792xf32, #tpu.memory_space<vmem>>, vector<16xf32>,
    tpu.vector_store %arg5[%swap3A_143], %broadcast_in_dim3A_3 {strides = array<i32>} : memref<1792xf32, #tpu.memory_space<vmem>>, vector<16xf32>,
    %swap3A_145 = arith.constant 1136 : index
    %swap3A_146 = tpu.vector_load %arg5[%swap3A_145] {strides = array<i32>} : memref<1792xf32, #tpu.memory_space<vmem>>, vector<16xf32>,
    tpu.vector_store %arg5[%swap3A_145], %broadcast_in_dim3A_3 {strides = array<i32>} : memref<1792xf32, #tpu.memory_space<vmem>>, vector<16xf32>,
    %swap3A_147 = arith.constant 1152 : index
    %swap3A_148 = tpu.vector_load %arg5[%swap3A_147] {strides = array<i32>} : memref<1792xf32, #tpu.memory_space<vmem>>, vector<16xf32>,
    tpu.vector_store %arg5[%swap3A_147], %broadcast_in_dim3A_3 {strides = array<i32>} : memref<1792xf32, #tpu.memory_space<vmem>>, vector<16xf32>,
    %swap3A_149 = arith.constant 1168 : index
    %swap3A_150 = tpu.vector_load %arg5[%swap3A_149] {strides = array<i32>} : memref<1792xf32, #tpu.memory_space<vmem>>, vector<16xf32>,
    tpu.vector_store %arg5[%swap3A_149], %broadcast_in_dim3A_3 {strides = array<i32>} : memref<1792xf32, #tpu.memory_space<vmem>>, vector<16xf32>,
    %swap3A_151 = arith.constant 1184 : index
    %swap3A_152 = tpu.vector_load %arg5[%swap3A_151] {strides = array<i32>} : memref<1792xf32, #tpu.memory_space<vmem>>, vector<16xf32>,
    tpu.vector_store %arg5[%swap3A_151], %broadcast_in_dim3A_3 {strides = array<i32>} : memref<1792xf32, #tpu.memory_space<vmem>>, vector<16xf32>,
    %swap3A_153 = arith.constant 1200 : index
    %swap3A_154 = tpu.vector_load %arg5[%swap3A_153] {strides = array<i32>} : memref<1792xf32, #tpu.memory_space<vmem>>, vector<16xf32>,
    tpu.vector_store %arg5[%swap3A_153], %broadcast_in_dim3A_3 {strides = array<i32>} : memref<1792xf32, #tpu.memory_space<vmem>>, vector<16xf32>,
    %swap3A_155 = arith.constant 1216 : index
    %swap3A_156 = tpu.vector_load %arg5[%swap3A_155] {strides = array<i32>} : memref<1792xf32, #tpu.memory_space<vmem>>, vector<16xf32>,
    tpu.vector_store %arg5[%swap3A_155], %broadcast_in_dim3A_3 {strides = array<i32>} : memref<1792xf32, #tpu.memory_space<vmem>>, vector<16xf32>,
    %swap3A_157 = arith.constant 1232 : index
    %swap3A_158 = tpu.vector_load %arg5[%swap3A_157] {strides = array<i32>} : memref<1792xf32, #tpu.memory_space<vmem>>, vector<16xf32>,
    tpu.vector_store %arg5[%swap3A_157], %broadcast_in_dim3A_3 {strides = array<i32>} : memref<1792xf32, #tpu.memory_space<vmem>>, vector<16xf32>,
    %swap3A_159 = arith.constant 1248 : index
    %swap3A_160 = tpu.vector_load %arg5[%swap3A_159] {strides = array<i32>} : memref<1792xf32, #tpu.memory_space<vmem>>, vector<16xf32>,
    tpu.vector_store %arg5[%swap3A_159], %broadcast_in_dim3A_3 {strides = array<i32>} : memref<1792xf32, #tpu.memory_space<vmem>>, vector<16xf32>,
    %swap3A_161 = arith.constant 1264 : index
    %swap3A_162 = tpu.vector_load %arg5[%swap3A_161] {strides = array<i32>} : memref<1792xf32, #tpu.memory_space<vmem>>, vector<16xf32>,
    tpu.vector_store %arg5[%swap3A_161], %broadcast_in_dim3A_3 {strides = array<i32>} : memref<1792xf32, #tpu.memory_space<vmem>>, vector<16xf32>,
    %swap3A_163 = arith.constant 1280 : index
    %swap3A_164 = tpu.vector_load %arg5[%swap3A_163] {strides = array<i32>} : memref<1792xf32, #tpu.memory_space<vmem>>, vector<16xf32>,
    tpu.vector_store %arg5[%swap3A_163], %broadcast_in_dim3A_3 {strides = array<i32>} : memref<1792xf32, #tpu.memory_space<vmem>>, vector<16xf32>,
    %swap3A_165 = arith.constant 1296 : index
    %swap3A_166 = tpu.vector_load %arg5[%swap3A_165] {strides = array<i32>} : memref<1792xf32, #tpu.memory_space<vmem>>, vector<16xf32>,
    tpu.vector_store %arg5[%swap3A_165], %broadcast_in_dim3A_3 {strides = array<i32>} : memref<1792xf32, #tpu.memory_space<vmem>>, vector<16xf32>,
    %swap3A_167 = arith.constant 1312 : index
    %swap3A_168 = tpu.vector_load %arg5[%swap3A_167] {strides = array<i32>} : memref<1792xf32, #tpu.memory_space<vmem>>, vector<16xf32>,
    tpu.vector_store %arg5[%swap3A_167], %broadcast_in_dim3A_3 {strides = array<i32>} : memref<1792xf32, #tpu.memory_space<vmem>>, vector<16xf32>,
    %swap3A_169 = arith.constant 1328 : index
    %swap3A_170 = tpu.vector_load %arg5[%swap3A_169] {strides = array<i32>} : memref<1792xf32, #tpu.memory_space<vmem>>, vector<16xf32>,
    tpu.vector_store %arg5[%swap3A_169], %broadcast_in_dim3A_3 {strides = array<i32>} : memref<1792xf32, #tpu.memory_space<vmem>>, vector<16xf32>,
    %swap3A_171 = arith.constant 1344 : index
    %swap3A_172 = tpu.vector_load %arg5[%swap3A_171] {strides = array<i32>} : memref<1792xf32, #tpu.memory_space<vmem>>, vector<16xf32>,
    tpu.vector_store %arg5[%swap3A_171], %broadcast_in_dim3A_3 {strides = array<i32>} : memref<1792xf32, #tpu.memory_space<vmem>>, vector<16xf32>,
    %swap3A_173 = arith.constant 1360 : index
    %swap3A_174 = tpu.vector_load %arg5[%swap3A_173] {strides = array<i32>} : memref<1792xf32, #tpu.memory_space<vmem>>, vector<16xf32>,
    tpu.vector_store %arg5[%swap3A_173], %broadcast_in_dim3A_3 {strides = array<i32>} : memref<1792xf32, #tpu.memory_space<vmem>>, vector<16xf32>,
    %swap3A_175 = arith.constant 1376 : index
    %swap3A_176 = tpu.vector_load %arg5[%swap3A_175] {strides = array<i32>} : memref<1792xf32, #tpu.memory_space<vmem>>, vector<16xf32>,
    tpu.vector_store %arg5[%swap3A_175], %broadcast_in_dim3A_3 {strides = array<i32>} : memref<1792xf32, #tpu.memory_space<vmem>>, vector<16xf32>,
    %swap3A_177 = arith.constant 1392 : index
    %swap3A_178 = tpu.vector_load %arg5[%swap3A_177] {strides = array<i32>} : memref<1792xf32, #tpu.memory_space<vmem>>, vector<16xf32>,
    tpu.vector_store %arg5[%swap3A_177], %broadcast_in_dim3A_3 {strides = array<i32>} : memref<1792xf32, #tpu.memory_space<vmem>>, vector<16xf32>,
    %swap3A_179 = arith.constant 1408 : index
    %swap3A_180 = tpu.vector_load %arg5[%swap3A_179] {strides = array<i32>} : memref<1792xf32, #tpu.memory_space<vmem>>, vector<16xf32>,
    tpu.vector_store %arg5[%swap3A_179], %broadcast_in_dim3A_3 {strides = array<i32>} : memref<1792xf32, #tpu.memory_space<vmem>>, vector<16xf32>,
    %swap3A_181 = arith.constant 1424 : index
    %swap3A_182 = tpu.vector_load %arg5[%swap3A_181] {strides = array<i32>} : memref<1792xf32, #tpu.memory_space<vmem>>, vector<16xf32>,
    tpu.vector_store %arg5[%swap3A_181], %broadcast_in_dim3A_3 {strides = array<i32>} : memref<1792xf32, #tpu.memory_space<vmem>>, vector<16xf32>,
    %swap3A_183 = arith.constant 1440 : index
    %swap3A_184 = tpu.vector_load %arg5[%swap3A_183] {strides = array<i32>} : memref<1792xf32, #tpu.memory_space<vmem>>, vector<16xf32>,
    tpu.vector_store %arg5[%swap3A_183], %broadcast_in_dim3A_3 {strides = array<i32>} : memref<1792xf32, #tpu.memory_space<vmem>>, vector<16xf32>,
    %swap3A_185 = arith.constant 1456 : index
    %swap3A_186 = tpu.vector_load %arg5[%swap3A_185] {strides = array<i32>} : memref<1792xf32, #tpu.memory_space<vmem>>, vector<16xf32>,
    tpu.vector_store %arg5[%swap3A_185], %broadcast_in_dim3A_3 {strides = array<i32>} : memref<1792xf32, #tpu.memory_space<vmem>>, vector<16xf32>,
    %swap3A_187 = arith.constant 1472 : index
    %swap3A_188 = tpu.vector_load %arg5[%swap3A_187] {strides = array<i32>} : memref<1792xf32, #tpu.memory_space<vmem>>, vector<16xf32>,
    tpu.vector_store %arg5[%swap3A_187], %broadcast_in_dim3A_3 {strides = array<i32>} : memref<1792xf32, #tpu.memory_space<vmem>>, vector<16xf32>,
    %swap3A_189 = arith.constant 1488 : index
    %swap3A_190 = tpu.vector_load %arg5[%swap3A_189] {strides = array<i32>} : memref<1792xf32, #tpu.memory_space<vmem>>, vector<16xf32>,
    tpu.vector_store %arg5[%swap3A_189], %broadcast_in_dim3A_3 {strides = array<i32>} : memref<1792xf32, #tpu.memory_space<vmem>>, vector<16xf32>,
    %swap3A_191 = arith.constant 1504 : index
    %swap3A_192 = tpu.vector_load %arg5[%swap3A_191] {strides = array<i32>} : memref<1792xf32, #tpu.memory_space<vmem>>, vector<16xf32>,
    tpu.vector_store %arg5[%swap3A_191], %broadcast_in_dim3A_3 {strides = array<i32>} : memref<1792xf32, #tpu.memory_space<vmem>>, vector<16xf32>,
    %swap3A_193 = arith.constant 1520 : index
    %swap3A_194 = tpu.vector_load %arg5[%swap3A_193] {strides = array<i32>} : memref<1792xf32, #tpu.memory_space<vmem>>, vector<16xf32>,
    tpu.vector_store %arg5[%swap3A_193], %broadcast_in_dim3A_3 {strides = array<i32>} : memref<1792xf32, #tpu.memory_space<vmem>>, vector<16xf32>,
    %swap3A_195 = arith.constant 1536 : index
    %swap3A_196 = tpu.vector_load %arg5[%swap3A_195] {strides = array<i32>} : memref<1792xf32, #tpu.memory_space<vmem>>, vector<16xf32>,
    tpu.vector_store %arg5[%swap3A_195], %broadcast_in_dim3A_3 {strides = array<i32>} : memref<1792xf32, #tpu.memory_space<vmem>>, vector<16xf32>,
    %swap3A_197 = arith.constant 1552 : index
    %swap3A_198 = tpu.vector_load %arg5[%swap3A_197] {strides = array<i32>} : memref<1792xf32, #tpu.memory_space<vmem>>, vector<16xf32>,
    tpu.vector_store %arg5[%swap3A_197], %broadcast_in_dim3A_3 {strides = array<i32>} : memref<1792xf32, #tpu.memory_space<vmem>>, vector<16xf32>,
    %swap3A_199 = arith.constant 1568 : index
    %swap3A_200 = tpu.vector_load %arg5[%swap3A_199] {strides = array<i32>} : memref<1792xf32, #tpu.memory_space<vmem>>, vector<16xf32>,
    tpu.vector_store %arg5[%swap3A_199], %broadcast_in_dim3A_3 {strides = array<i32>} : memref<1792xf32, #tpu.memory_space<vmem>>, vector<16xf32>,
    %swap3A_201 = arith.constant 1584 : index
    %swap3A_202 = tpu.vector_load %arg5[%swap3A_201] {strides = array<i32>} : memref<1792xf32, #tpu.memory_space<vmem>>, vector<16xf32>,
    tpu.vector_store %arg5[%swap3A_201], %broadcast_in_dim3A_3 {strides = array<i32>} : memref<1792xf32, #tpu.memory_space<vmem>>, vector<16xf32>,
    %swap3A_203 = arith.constant 1600 : index
    %swap3A_204 = tpu.vector_load %arg5[%swap3A_203] {strides = array<i32>} : memref<1792xf32, #tpu.memory_space<vmem>>, vector<16xf32>,
    tpu.vector_store %arg5[%swap3A_203], %broadcast_in_dim3A_3 {strides = array<i32>} : memref<1792xf32, #tpu.memory_space<vmem>>, vector<16xf32>,
    %swap3A_205 = arith.constant 1616 : index
    %swap3A_206 = tpu.vector_load %arg5[%swap3A_205] {strides = array<i32>} : memref<1792xf32, #tpu.memory_space<vmem>>, vector<16xf32>,
    tpu.vector_store %arg5[%swap3A_205], %broadcast_in_dim3A_3 {strides = array<i32>} : memref<1792xf32, #tpu.memory_space<vmem>>, vector<16xf32>,
    %swap3A_207 = arith.constant 1632 : index
    %swap3A_208 = tpu.vector_load %arg5[%swap3A_207] {strides = array<i32>} : memref<1792xf32, #tpu.memory_space<vmem>>, vector<16xf32>,
    tpu.vector_store %arg5[%swap3A_207], %broadcast_in_dim3A_3 {strides = array<i32>} : memref<1792xf32, #tpu.memory_space<vmem>>, vector<16xf32>,
    %swap3A_209 = arith.constant 1648 : index
    %swap3A_210 = tpu.vector_load %arg5[%swap3A_209] {strides = array<i32>} : memref<1792xf32, #tpu.memory_space<vmem>>, vector<16xf32>,
    tpu.vector_store %arg5[%swap3A_209], %broadcast_in_dim3A_3 {strides = array<i32>} : memref<1792xf32, #tpu.memory_space<vmem>>, vector<16xf32>,
    %swap3A_211 = arith.constant 1664 : index
    %swap3A_212 = tpu.vector_load %arg5[%swap3A_211] {strides = array<i32>} : memref<1792xf32, #tpu.memory_space<vmem>>, vector<16xf32>,
    tpu.vector_store %arg5[%swap3A_211], %broadcast_in_dim3A_3 {strides = array<i32>} : memref<1792xf32, #tpu.memory_space<vmem>>, vector<16xf32>,
    %swap3A_213 = arith.constant 1680 : index
    %swap3A_214 = tpu.vector_load %arg5[%swap3A_213] {strides = array<i32>} : memref<1792xf32, #tpu.memory_space<vmem>>, vector<16xf32>,
    tpu.vector_store %arg5[%swap3A_213], %broadcast_in_dim3A_3 {strides = array<i32>} : memref<1792xf32, #tpu.memory_space<vmem>>, vector<16xf32>,
    %swap3A_215 = arith.constant 1696 : index
    %swap3A_216 = tpu.vector_load %arg5[%swap3A_215] {strides = array<i32>} : memref<1792xf32, #tpu.memory_space<vmem>>, vector<16xf32>,
    tpu.vector_store %arg5[%swap3A_215], %broadcast_in_dim3A_3 {strides = array<i32>} : memref<1792xf32, #tpu.memory_space<vmem>>, vector<16xf32>,
    %swap3A_217 = arith.constant 1712 : index
    %swap3A_218 = tpu.vector_load %arg5[%swap3A_217] {strides = array<i32>} : memref<1792xf32, #tpu.memory_space<vmem>>, vector<16xf32>,
    tpu.vector_store %arg5[%swap3A_217], %broadcast_in_dim3A_3 {strides = array<i32>} : memref<1792xf32, #tpu.memory_space<vmem>>, vector<16xf32>,
    %swap3A_219 = arith.constant 1728 : index
    %swap3A_220 = tpu.vector_load %arg5[%swap3A_219] {strides = array<i32>} : memref<1792xf32, #tpu.memory_space<vmem>>, vector<16xf32>,
    tpu.vector_store %arg5[%swap3A_219], %broadcast_in_dim3A_3 {strides = array<i32>} : memref<1792xf32, #tpu.memory_space<vmem>>, vector<16xf32>,
    %swap3A_221 = arith.constant 1744 : index
    %swap3A_222 = tpu.vector_load %arg5[%swap3A_221] {strides = array<i32>} : memref<1792xf32, #tpu.memory_space<vmem>>, vector<16xf32>,
    tpu.vector_store %arg5[%swap3A_221], %broadcast_in_dim3A_3 {strides = array<i32>} : memref<1792xf32, #tpu.memory_space<vmem>>, vector<16xf32>,
    %swap3A_223 = arith.constant 1760 : index
    %swap3A_224 = tpu.vector_load %arg5[%swap3A_223] {strides = array<i32>} : memref<1792xf32, #tpu.memory_space<vmem>>, vector<16xf32>,
    tpu.vector_store %arg5[%swap3A_223], %broadcast_in_dim3A_3 {strides = array<i32>} : memref<1792xf32, #tpu.memory_space<vmem>>, vector<16xf32>,
    %swap3A_225 = arith.constant 1776 : index
    %swap3A_226 = tpu.vector_load %arg5[%swap3A_225] {strides = array<i32>} : memref<1792xf32, #tpu.memory_space<vmem>>, vector<16xf32>,
    tpu.vector_store %arg5[%swap3A_225], %broadcast_in_dim3A_3 {strides = array<i32>} : memref<1792xf32, #tpu.memory_space<vmem>>, vector<16xf32>,
    %iota3A = tpu.iota {dimensions = array<i32: 0>} : vector<16xi32>
    %mul3A_227 = arith.constant 112 : i32
    %mul3A_228 = vector.broadcast %mul3A_227 : i32 to vector<16xi32>
    %mul3A_229 = arith.muli %iota3A, %mul3A_228 : vector<16xi32>
    %broadcast_in_dim3A_230 = arith.constant 1.000000e+00 : f32
    %broadcast_in_dim3A_231 = vector.broadcast %broadcast_in_dim3A_230 : f32 to vector<16xf32>
    %get3A = arith.constant 0 : index
    %get3A_232 = tpu.vector_load %arg4[%get3A] {strides = array<i32>} : memref<2048xi32, #tpu.memory_space<vmem>>, vector<16xi32>,
    %add3A_233 = arith.addi %get3A_232, %mul3A_229 : vector<16xi32>
    %gather3A = tpu.vector_load_idx %arg5[%add3A_233] : memref<1792xf32, #tpu.memory_space<vmem>>[vector<16xi32>], vector<16xf32>,
    %add3A_234 = arith.addf %gather3A, %broadcast_in_dim3A_231 : vector<16xf32>
    tpu.vector_store_idx %arg5[%add3A_233], %add3A_234 : memref<1792xf32, #tpu.memory_space<vmem>>[vector<16xi32>], vector<16xf32>,
    %get3A_235 = arith.constant 16 : index
    %get3A_236 = tpu.vector_load %arg4[%get3A_235] {strides = array<i32>} : memref<2048xi32, #tpu.memory_space<vmem>>, vector<16xi32>,
    %add3A_237 = arith.addi %get3A_236, %mul3A_229 : vector<16xi32>
    %gather3A_238 = tpu.vector_load_idx %arg5[%add3A_237] : memref<1792xf32, #tpu.memory_space<vmem>>[vector<16xi32>], vector<16xf32>,
    %add3A_239 = arith.addf %gather3A_238, %broadcast_in_dim3A_231 : vector<16xf32>
    tpu.vector_store_idx %arg5[%add3A_237], %add3A_239 : memref<1792xf32, #tpu.memory_space<vmem>>[vector<16xi32>], vector<16xf32>,
    %get3A_240 = arith.constant 32 : index
    %get3A_241 = tpu.vector_load %arg4[%get3A_240] {strides = array<i32>} : memref<2048xi32, #tpu.memory_space<vmem>>, vector<16xi32>,
    %add3A_242 = arith.addi %get3A_241, %mul3A_229 : vector<16xi32>
    %gather3A_243 = tpu.vector_load_idx %arg5[%add3A_242] : memref<1792xf32, #tpu.memory_space<vmem>>[vector<16xi32>], vector<16xf32>,
    %add3A_244 = arith.addf %gather3A_243, %broadcast_in_dim3A_231 : vector<16xf32>
    tpu.vector_store_idx %arg5[%add3A_242], %add3A_244 : memref<1792xf32, #tpu.memory_space<vmem>>[vector<16xi32>], vector<16xf32>,
    %get3A_245 = arith.constant 48 : index
    %get3A_246 = tpu.vector_load %arg4[%get3A_245] {strides = array<i32>} : memref<2048xi32, #tpu.memory_space<vmem>>, vector<16xi32>,
    %add3A_247 = arith.addi %get3A_246, %mul3A_229 : vector<16xi32>
    %gather3A_248 = tpu.vector_load_idx %arg5[%add3A_247] : memref<1792xf32, #tpu.memory_space<vmem>>[vector<16xi32>], vector<16xf32>,
    %add3A_249 = arith.addf %gather3A_248, %broadcast_in_dim3A_231 : vector<16xf32>
    tpu.vector_store_idx %arg5[%add3A_247], %add3A_249 : memref<1792xf32, #tpu.memory_space<vmem>>[vector<16xi32>], vector<16xf32>,
    %get3A_250 = arith.constant 64 : index
    %get3A_251 = tpu.vector_load %arg4[%get3A_250] {strides = array<i32>} : memref<2048xi32, #tpu.memory_space<vmem>>, vector<16xi32>,
    %add3A_252 = arith.addi %get3A_251, %mul3A_229 : vector<16xi32>
    %gather3A_253 = tpu.vector_load_idx %arg5[%add3A_252] : memref<1792xf32, #tpu.memory_space<vmem>>[vector<16xi32>], vector<16xf32>,
    %add3A_254 = arith.addf %gather3A_253, %broadcast_in_dim3A_231 : vector<16xf32>
    tpu.vector_store_idx %arg5[%add3A_252], %add3A_254 : memref<1792xf32, #tpu.memory_space<vmem>>[vector<16xi32>], vector<16xf32>,
    %get3A_255 = arith.constant 80 : index
    %get3A_256 = tpu.vector_load %arg4[%get3A_255] {strides = array<i32>} : memref<2048xi32, #tpu.memory_space<vmem>>, vector<16xi32>,
    %add3A_257 = arith.addi %get3A_256, %mul3A_229 : vector<16xi32>
    %gather3A_258 = tpu.vector_load_idx %arg5[%add3A_257] : memref<1792xf32, #tpu.memory_space<vmem>>[vector<16xi32>], vector<16xf32>,
    %add3A_259 = arith.addf %gather3A_258, %broadcast_in_dim3A_231 : vector<16xf32>
    tpu.vector_store_idx %arg5[%add3A_257], %add3A_259 : memref<1792xf32, #tpu.memory_space<vmem>>[vector<16xi32>], vector<16xf32>,
    %get3A_260 = arith.constant 96 : index
    %get3A_261 = tpu.vector_load %arg4[%get3A_260] {strides = array<i32>} : memref<2048xi32, #tpu.memory_space<vmem>>, vector<16xi32>,
    %add3A_262 = arith.addi %get3A_261, %mul3A_229 : vector<16xi32>
    %gather3A_263 = tpu.vector_load_idx %arg5[%add3A_262] : memref<1792xf32, #tpu.memory_space<vmem>>[vector<16xi32>], vector<16xf32>,
    %add3A_264 = arith.addf %gather3A_263, %broadcast_in_dim3A_231 : vector<16xf32>
    tpu.vector_store_idx %arg5[%add3A_262], %add3A_264 : memref<1792xf32, #tpu.memory_space<vmem>>[vector<16xi32>], vector<16xf32>,
    %get3A_265 = arith.constant 112 : index
    %get3A_266 = tpu.vector_load %arg4[%get3A_265] {strides = array<i32>} : memref<2048xi32, #tpu.memory_space<vmem>>, vector<16xi32>,
    %add3A_267 = arith.addi %get3A_266, %mul3A_229 : vector<16xi32>
    %gather3A_268 = tpu.vector_load_idx %arg5[%add3A_267] : memref<1792xf32, #tpu.memory_space<vmem>>[vector<16xi32>], vector<16xf32>,
    %add3A_269 = arith.addf %gather3A_268, %broadcast_in_dim3A_231 : vector<16xf32>
    tpu.vector_store_idx %arg5[%add3A_267], %add3A_269 : memref<1792xf32, #tpu.memory_space<vmem>>[vector<16xi32>], vector<16xf32>,
    %get3A_270 = arith.constant 128 : index
    %get3A_271 = tpu.vector_load %arg4[%get3A_270] {strides = array<i32>} : memref<2048xi32, #tpu.memory_space<vmem>>, vector<16xi32>,
    %add3A_272 = arith.addi %get3A_271, %mul3A_229 : vector<16xi32>
    %gather3A_273 = tpu.vector_load_idx %arg5[%add3A_272] : memref<1792xf32, #tpu.memory_space<vmem>>[vector<16xi32>], vector<16xf32>,
    %add3A_274 = arith.addf %gather3A_273, %broadcast_in_dim3A_231 : vector<16xf32>
    tpu.vector_store_idx %arg5[%add3A_272], %add3A_274 : memref<1792xf32, #tpu.memory_space<vmem>>[vector<16xi32>], vector<16xf32>,
    %get3A_275 = arith.constant 144 : index
    %get3A_276 = tpu.vector_load %arg4[%get3A_275] {strides = array<i32>} : memref<2048xi32, #tpu.memory_space<vmem>>, vector<16xi32>,
    %add3A_277 = arith.addi %get3A_276, %mul3A_229 : vector<16xi32>
    %gather3A_278 = tpu.vector_load_idx %arg5[%add3A_277] : memref<1792xf32, #tpu.memory_space<vmem>>[vector<16xi32>], vector<16xf32>,
    %add3A_279 = arith.addf %gather3A_278, %broadcast_in_dim3A_231 : vector<16xf32>
    tpu.vector_store_idx %arg5[%add3A_277], %add3A_279 : memref<1792xf32, #tpu.memory_space<vmem>>[vector<16xi32>], vector<16xf32>,
    %get3A_280 = arith.constant 160 : index
    %get3A_281 = tpu.vector_load %arg4[%get3A_280] {strides = array<i32>} : memref<2048xi32, #tpu.memory_space<vmem>>, vector<16xi32>,
    %add3A_282 = arith.addi %get3A_281, %mul3A_229 : vector<16xi32>
    %gather3A_283 = tpu.vector_load_idx %arg5[%add3A_282] : memref<1792xf32, #tpu.memory_space<vmem>>[vector<16xi32>], vector<16xf32>,
    %add3A_284 = arith.addf %gather3A_283, %broadcast_in_dim3A_231 : vector<16xf32>
    tpu.vector_store_idx %arg5[%add3A_282], %add3A_284 : memref<1792xf32, #tpu.memory_space<vmem>>[vector<16xi32>], vector<16xf32>,
    %get3A_285 = arith.constant 176 : index
    %get3A_286 = tpu.vector_load %arg4[%get3A_285] {strides = array<i32>} : memref<2048xi32, #tpu.memory_space<vmem>>, vector<16xi32>,
    %add3A_287 = arith.addi %get3A_286, %mul3A_229 : vector<16xi32>
    %gather3A_288 = tpu.vector_load_idx %arg5[%add3A_287] : memref<1792xf32, #tpu.memory_space<vmem>>[vector<16xi32>], vector<16xf32>,
    %add3A_289 = arith.addf %gather3A_288, %broadcast_in_dim3A_231 : vector<16xf32>
    tpu.vector_store_idx %arg5[%add3A_287], %add3A_289 : memref<1792xf32, #tpu.memory_space<vmem>>[vector<16xi32>], vector<16xf32>,
    %get3A_290 = arith.constant 192 : index
    %get3A_291 = tpu.vector_load %arg4[%get3A_290] {strides = array<i32>} : memref<2048xi32, #tpu.memory_space<vmem>>, vector<16xi32>,
    %add3A_292 = arith.addi %get3A_291, %mul3A_229 : vector<16xi32>
    %gather3A_293 = tpu.vector_load_idx %arg5[%add3A_292] : memref<1792xf32, #tpu.memory_space<vmem>>[vector<16xi32>], vector<16xf32>,
    %add3A_294 = arith.addf %gather3A_293, %broadcast_in_dim3A_231 : vector<16xf32>
    tpu.vector_store_idx %arg5[%add3A_292], %add3A_294 : memref<1792xf32, #tpu.memory_space<vmem>>[vector<16xi32>], vector<16xf32>,
    %get3A_295 = arith.constant 208 : index
    %get3A_296 = tpu.vector_load %arg4[%get3A_295] {strides = array<i32>} : memref<2048xi32, #tpu.memory_space<vmem>>, vector<16xi32>,
    %add3A_297 = arith.addi %get3A_296, %mul3A_229 : vector<16xi32>
    %gather3A_298 = tpu.vector_load_idx %arg5[%add3A_297] : memref<1792xf32, #tpu.memory_space<vmem>>[vector<16xi32>], vector<16xf32>,
    %add3A_299 = arith.addf %gather3A_298, %broadcast_in_dim3A_231 : vector<16xf32>
    tpu.vector_store_idx %arg5[%add3A_297], %add3A_299 : memref<1792xf32, #tpu.memory_space<vmem>>[vector<16xi32>], vector<16xf32>,
    %get3A_300 = arith.constant 224 : index
    %get3A_301 = tpu.vector_load %arg4[%get3A_300] {strides = array<i32>} : memref<2048xi32, #tpu.memory_space<vmem>>, vector<16xi32>,
    %add3A_302 = arith.addi %get3A_301, %mul3A_229 : vector<16xi32>
    %gather3A_303 = tpu.vector_load_idx %arg5[%add3A_302] : memref<1792xf32, #tpu.memory_space<vmem>>[vector<16xi32>], vector<16xf32>,
    %add3A_304 = arith.addf %gather3A_303, %broadcast_in_dim3A_231 : vector<16xf32>
    tpu.vector_store_idx %arg5[%add3A_302], %add3A_304 : memref<1792xf32, #tpu.memory_space<vmem>>[vector<16xi32>], vector<16xf32>,
    %get3A_305 = arith.constant 240 : index
    %get3A_306 = tpu.vector_load %arg4[%get3A_305] {strides = array<i32>} : memref<2048xi32, #tpu.memory_space<vmem>>, vector<16xi32>,
    %add3A_307 = arith.addi %get3A_306, %mul3A_229 : vector<16xi32>
    %gather3A_308 = tpu.vector_load_idx %arg5[%add3A_307] : memref<1792xf32, #tpu.memory_space<vmem>>[vector<16xi32>], vector<16xf32>,
    %add3A_309 = arith.addf %gather3A_308, %broadcast_in_dim3A_231 : vector<16xf32>
    tpu.vector_store_idx %arg5[%add3A_307], %add3A_309 : memref<1792xf32, #tpu.memory_space<vmem>>[vector<16xi32>], vector<16xf32>,
    %get3A_310 = arith.constant 256 : index
    %get3A_311 = tpu.vector_load %arg4[%get3A_310] {strides = array<i32>} : memref<2048xi32, #tpu.memory_space<vmem>>, vector<16xi32>,
    %add3A_312 = arith.addi %get3A_311, %mul3A_229 : vector<16xi32>
    %gather3A_313 = tpu.vector_load_idx %arg5[%add3A_312] : memref<1792xf32, #tpu.memory_space<vmem>>[vector<16xi32>], vector<16xf32>,
    %add3A_314 = arith.addf %gather3A_313, %broadcast_in_dim3A_231 : vector<16xf32>
    tpu.vector_store_idx %arg5[%add3A_312], %add3A_314 : memref<1792xf32, #tpu.memory_space<vmem>>[vector<16xi32>], vector<16xf32>,
    %get3A_315 = arith.constant 272 : index
    %get3A_316 = tpu.vector_load %arg4[%get3A_315] {strides = array<i32>} : memref<2048xi32, #tpu.memory_space<vmem>>, vector<16xi32>,
    %add3A_317 = arith.addi %get3A_316, %mul3A_229 : vector<16xi32>
    %gather3A_318 = tpu.vector_load_idx %arg5[%add3A_317] : memref<1792xf32, #tpu.memory_space<vmem>>[vector<16xi32>], vector<16xf32>,
    %add3A_319 = arith.addf %gather3A_318, %broadcast_in_dim3A_231 : vector<16xf32>
    tpu.vector_store_idx %arg5[%add3A_317], %add3A_319 : memref<1792xf32, #tpu.memory_space<vmem>>[vector<16xi32>], vector<16xf32>,
    %get3A_320 = arith.constant 288 : index
    %get3A_321 = tpu.vector_load %arg4[%get3A_320] {strides = array<i32>} : memref<2048xi32, #tpu.memory_space<vmem>>, vector<16xi32>,
    %add3A_322 = arith.addi %get3A_321, %mul3A_229 : vector<16xi32>
    %gather3A_323 = tpu.vector_load_idx %arg5[%add3A_322] : memref<1792xf32, #tpu.memory_space<vmem>>[vector<16xi32>], vector<16xf32>,
    %add3A_324 = arith.addf %gather3A_323, %broadcast_in_dim3A_231 : vector<16xf32>
    tpu.vector_store_idx %arg5[%add3A_322], %add3A_324 : memref<1792xf32, #tpu.memory_space<vmem>>[vector<16xi32>], vector<16xf32>,
    %get3A_325 = arith.constant 304 : index
    %get3A_326 = tpu.vector_load %arg4[%get3A_325] {strides = array<i32>} : memref<2048xi32, #tpu.memory_space<vmem>>, vector<16xi32>,
    %add3A_327 = arith.addi %get3A_326, %mul3A_229 : vector<16xi32>
    %gather3A_328 = tpu.vector_load_idx %arg5[%add3A_327] : memref<1792xf32, #tpu.memory_space<vmem>>[vector<16xi32>], vector<16xf32>,
    %add3A_329 = arith.addf %gather3A_328, %broadcast_in_dim3A_231 : vector<16xf32>
    tpu.vector_store_idx %arg5[%add3A_327], %add3A_329 : memref<1792xf32, #tpu.memory_space<vmem>>[vector<16xi32>], vector<16xf32>,
    %get3A_330 = arith.constant 320 : index
    %get3A_331 = tpu.vector_load %arg4[%get3A_330] {strides = array<i32>} : memref<2048xi32, #tpu.memory_space<vmem>>, vector<16xi32>,
    %add3A_332 = arith.addi %get3A_331, %mul3A_229 : vector<16xi32>
    %gather3A_333 = tpu.vector_load_idx %arg5[%add3A_332] : memref<1792xf32, #tpu.memory_space<vmem>>[vector<16xi32>], vector<16xf32>,
    %add3A_334 = arith.addf %gather3A_333, %broadcast_in_dim3A_231 : vector<16xf32>
    tpu.vector_store_idx %arg5[%add3A_332], %add3A_334 : memref<1792xf32, #tpu.memory_space<vmem>>[vector<16xi32>], vector<16xf32>,
    %get3A_335 = arith.constant 336 : index
    %get3A_336 = tpu.vector_load %arg4[%get3A_335] {strides = array<i32>} : memref<2048xi32, #tpu.memory_space<vmem>>, vector<16xi32>,
    %add3A_337 = arith.addi %get3A_336, %mul3A_229 : vector<16xi32>
    %gather3A_338 = tpu.vector_load_idx %arg5[%add3A_337] : memref<1792xf32, #tpu.memory_space<vmem>>[vector<16xi32>], vector<16xf32>,
    %add3A_339 = arith.addf %gather3A_338, %broadcast_in_dim3A_231 : vector<16xf32>
    tpu.vector_store_idx %arg5[%add3A_337], %add3A_339 : memref<1792xf32, #tpu.memory_space<vmem>>[vector<16xi32>], vector<16xf32>,
    %get3A_340 = arith.constant 352 : index
    %get3A_341 = tpu.vector_load %arg4[%get3A_340] {strides = array<i32>} : memref<2048xi32, #tpu.memory_space<vmem>>, vector<16xi32>,
    %add3A_342 = arith.addi %get3A_341, %mul3A_229 : vector<16xi32>
    %gather3A_343 = tpu.vector_load_idx %arg5[%add3A_342] : memref<1792xf32, #tpu.memory_space<vmem>>[vector<16xi32>], vector<16xf32>,
    %add3A_344 = arith.addf %gather3A_343, %broadcast_in_dim3A_231 : vector<16xf32>
    tpu.vector_store_idx %arg5[%add3A_342], %add3A_344 : memref<1792xf32, #tpu.memory_space<vmem>>[vector<16xi32>], vector<16xf32>,
    %get3A_345 = arith.constant 368 : index
    %get3A_346 = tpu.vector_load %arg4[%get3A_345] {strides = array<i32>} : memref<2048xi32, #tpu.memory_space<vmem>>, vector<16xi32>,
    %add3A_347 = arith.addi %get3A_346, %mul3A_229 : vector<16xi32>
    %gather3A_348 = tpu.vector_load_idx %arg5[%add3A_347] : memref<1792xf32, #tpu.memory_space<vmem>>[vector<16xi32>], vector<16xf32>,
    %add3A_349 = arith.addf %gather3A_348, %broadcast_in_dim3A_231 : vector<16xf32>
    tpu.vector_store_idx %arg5[%add3A_347], %add3A_349 : memref<1792xf32, #tpu.memory_space<vmem>>[vector<16xi32>], vector<16xf32>,
    %get3A_350 = arith.constant 384 : index
    %get3A_351 = tpu.vector_load %arg4[%get3A_350] {strides = array<i32>} : memref<2048xi32, #tpu.memory_space<vmem>>, vector<16xi32>,
    %add3A_352 = arith.addi %get3A_351, %mul3A_229 : vector<16xi32>
    %gather3A_353 = tpu.vector_load_idx %arg5[%add3A_352] : memref<1792xf32, #tpu.memory_space<vmem>>[vector<16xi32>], vector<16xf32>,
    %add3A_354 = arith.addf %gather3A_353, %broadcast_in_dim3A_231 : vector<16xf32>
    tpu.vector_store_idx %arg5[%add3A_352], %add3A_354 : memref<1792xf32, #tpu.memory_space<vmem>>[vector<16xi32>], vector<16xf32>,
    %get3A_355 = arith.constant 400 : index
    %get3A_356 = tpu.vector_load %arg4[%get3A_355] {strides = array<i32>} : memref<2048xi32, #tpu.memory_space<vmem>>, vector<16xi32>,
    %add3A_357 = arith.addi %get3A_356, %mul3A_229 : vector<16xi32>
    %gather3A_358 = tpu.vector_load_idx %arg5[%add3A_357] : memref<1792xf32, #tpu.memory_space<vmem>>[vector<16xi32>], vector<16xf32>,
    %add3A_359 = arith.addf %gather3A_358, %broadcast_in_dim3A_231 : vector<16xf32>
    tpu.vector_store_idx %arg5[%add3A_357], %add3A_359 : memref<1792xf32, #tpu.memory_space<vmem>>[vector<16xi32>], vector<16xf32>,
    %get3A_360 = arith.constant 416 : index
    %get3A_361 = tpu.vector_load %arg4[%get3A_360] {strides = array<i32>} : memref<2048xi32, #tpu.memory_space<vmem>>, vector<16xi32>,
    %add3A_362 = arith.addi %get3A_361, %mul3A_229 : vector<16xi32>
    %gather3A_363 = tpu.vector_load_idx %arg5[%add3A_362] : memref<1792xf32, #tpu.memory_space<vmem>>[vector<16xi32>], vector<16xf32>,
    %add3A_364 = arith.addf %gather3A_363, %broadcast_in_dim3A_231 : vector<16xf32>
    tpu.vector_store_idx %arg5[%add3A_362], %add3A_364 : memref<1792xf32, #tpu.memory_space<vmem>>[vector<16xi32>], vector<16xf32>,
    %get3A_365 = arith.constant 432 : index
    %get3A_366 = tpu.vector_load %arg4[%get3A_365] {strides = array<i32>} : memref<2048xi32, #tpu.memory_space<vmem>>, vector<16xi32>,
    %add3A_367 = arith.addi %get3A_366, %mul3A_229 : vector<16xi32>
    %gather3A_368 = tpu.vector_load_idx %arg5[%add3A_367] : memref<1792xf32, #tpu.memory_space<vmem>>[vector<16xi32>], vector<16xf32>,
    %add3A_369 = arith.addf %gather3A_368, %broadcast_in_dim3A_231 : vector<16xf32>
    tpu.vector_store_idx %arg5[%add3A_367], %add3A_369 : memref<1792xf32, #tpu.memory_space<vmem>>[vector<16xi32>], vector<16xf32>,
    %get3A_370 = arith.constant 448 : index
    %get3A_371 = tpu.vector_load %arg4[%get3A_370] {strides = array<i32>} : memref<2048xi32, #tpu.memory_space<vmem>>, vector<16xi32>,
    %add3A_372 = arith.addi %get3A_371, %mul3A_229 : vector<16xi32>
    %gather3A_373 = tpu.vector_load_idx %arg5[%add3A_372] : memref<1792xf32, #tpu.memory_space<vmem>>[vector<16xi32>], vector<16xf32>,
    %add3A_374 = arith.addf %gather3A_373, %broadcast_in_dim3A_231 : vector<16xf32>
    tpu.vector_store_idx %arg5[%add3A_372], %add3A_374 : memref<1792xf32, #tpu.memory_space<vmem>>[vector<16xi32>], vector<16xf32>,
    %get3A_375 = arith.constant 464 : index
    %get3A_376 = tpu.vector_load %arg4[%get3A_375] {strides = array<i32>} : memref<2048xi32, #tpu.memory_space<vmem>>, vector<16xi32>,
    %add3A_377 = arith.addi %get3A_376, %mul3A_229 : vector<16xi32>
    %gather3A_378 = tpu.vector_load_idx %arg5[%add3A_377] : memref<1792xf32, #tpu.memory_space<vmem>>[vector<16xi32>], vector<16xf32>,
    %add3A_379 = arith.addf %gather3A_378, %broadcast_in_dim3A_231 : vector<16xf32>
    tpu.vector_store_idx %arg5[%add3A_377], %add3A_379 : memref<1792xf32, #tpu.memory_space<vmem>>[vector<16xi32>], vector<16xf32>,
    %get3A_380 = arith.constant 480 : index
    %get3A_381 = tpu.vector_load %arg4[%get3A_380] {strides = array<i32>} : memref<2048xi32, #tpu.memory_space<vmem>>, vector<16xi32>,
    %add3A_382 = arith.addi %get3A_381, %mul3A_229 : vector<16xi32>
    %gather3A_383 = tpu.vector_load_idx %arg5[%add3A_382] : memref<1792xf32, #tpu.memory_space<vmem>>[vector<16xi32>], vector<16xf32>,
    %add3A_384 = arith.addf %gather3A_383, %broadcast_in_dim3A_231 : vector<16xf32>
    tpu.vector_store_idx %arg5[%add3A_382], %add3A_384 : memref<1792xf32, #tpu.memory_space<vmem>>[vector<16xi32>], vector<16xf32>,
    %get3A_385 = arith.constant 496 : index
    %get3A_386 = tpu.vector_load %arg4[%get3A_385] {strides = array<i32>} : memref<2048xi32, #tpu.memory_space<vmem>>, vector<16xi32>,
    %add3A_387 = arith.addi %get3A_386, %mul3A_229 : vector<16xi32>
    %gather3A_388 = tpu.vector_load_idx %arg5[%add3A_387] : memref<1792xf32, #tpu.memory_space<vmem>>[vector<16xi32>], vector<16xf32>,
    %add3A_389 = arith.addf %gather3A_388, %broadcast_in_dim3A_231 : vector<16xf32>
    tpu.vector_store_idx %arg5[%add3A_387], %add3A_389 : memref<1792xf32, #tpu.memory_space<vmem>>[vector<16xi32>], vector<16xf32>,
    %get3A_390 = arith.constant 512 : index
    %get3A_391 = tpu.vector_load %arg4[%get3A_390] {strides = array<i32>} : memref<2048xi32, #tpu.memory_space<vmem>>, vector<16xi32>,
    %add3A_392 = arith.addi %get3A_391, %mul3A_229 : vector<16xi32>
    %gather3A_393 = tpu.vector_load_idx %arg5[%add3A_392] : memref<1792xf32, #tpu.memory_space<vmem>>[vector<16xi32>], vector<16xf32>,
    %add3A_394 = arith.addf %gather3A_393, %broadcast_in_dim3A_231 : vector<16xf32>
    tpu.vector_store_idx %arg5[%add3A_392], %add3A_394 : memref<1792xf32, #tpu.memory_space<vmem>>[vector<16xi32>], vector<16xf32>,
    %get3A_395 = arith.constant 528 : index
    %get3A_396 = tpu.vector_load %arg4[%get3A_395] {strides = array<i32>} : memref<2048xi32, #tpu.memory_space<vmem>>, vector<16xi32>,
    %add3A_397 = arith.addi %get3A_396, %mul3A_229 : vector<16xi32>
    %gather3A_398 = tpu.vector_load_idx %arg5[%add3A_397] : memref<1792xf32, #tpu.memory_space<vmem>>[vector<16xi32>], vector<16xf32>,
    %add3A_399 = arith.addf %gather3A_398, %broadcast_in_dim3A_231 : vector<16xf32>
    tpu.vector_store_idx %arg5[%add3A_397], %add3A_399 : memref<1792xf32, #tpu.memory_space<vmem>>[vector<16xi32>], vector<16xf32>,
    %get3A_400 = arith.constant 544 : index
    %get3A_401 = tpu.vector_load %arg4[%get3A_400] {strides = array<i32>} : memref<2048xi32, #tpu.memory_space<vmem>>, vector<16xi32>,
    %add3A_402 = arith.addi %get3A_401, %mul3A_229 : vector<16xi32>
    %gather3A_403 = tpu.vector_load_idx %arg5[%add3A_402] : memref<1792xf32, #tpu.memory_space<vmem>>[vector<16xi32>], vector<16xf32>,
    %add3A_404 = arith.addf %gather3A_403, %broadcast_in_dim3A_231 : vector<16xf32>
    tpu.vector_store_idx %arg5[%add3A_402], %add3A_404 : memref<1792xf32, #tpu.memory_space<vmem>>[vector<16xi32>], vector<16xf32>,
    %get3A_405 = arith.constant 560 : index
    %get3A_406 = tpu.vector_load %arg4[%get3A_405] {strides = array<i32>} : memref<2048xi32, #tpu.memory_space<vmem>>, vector<16xi32>,
    %add3A_407 = arith.addi %get3A_406, %mul3A_229 : vector<16xi32>
    %gather3A_408 = tpu.vector_load_idx %arg5[%add3A_407] : memref<1792xf32, #tpu.memory_space<vmem>>[vector<16xi32>], vector<16xf32>,
    %add3A_409 = arith.addf %gather3A_408, %broadcast_in_dim3A_231 : vector<16xf32>
    tpu.vector_store_idx %arg5[%add3A_407], %add3A_409 : memref<1792xf32, #tpu.memory_space<vmem>>[vector<16xi32>], vector<16xf32>,
    %get3A_410 = arith.constant 576 : index
    %get3A_411 = tpu.vector_load %arg4[%get3A_410] {strides = array<i32>} : memref<2048xi32, #tpu.memory_space<vmem>>, vector<16xi32>,
    %add3A_412 = arith.addi %get3A_411, %mul3A_229 : vector<16xi32>
    %gather3A_413 = tpu.vector_load_idx %arg5[%add3A_412] : memref<1792xf32, #tpu.memory_space<vmem>>[vector<16xi32>], vector<16xf32>,
    %add3A_414 = arith.addf %gather3A_413, %broadcast_in_dim3A_231 : vector<16xf32>
    tpu.vector_store_idx %arg5[%add3A_412], %add3A_414 : memref<1792xf32, #tpu.memory_space<vmem>>[vector<16xi32>], vector<16xf32>,
    %get3A_415 = arith.constant 592 : index
    %get3A_416 = tpu.vector_load %arg4[%get3A_415] {strides = array<i32>} : memref<2048xi32, #tpu.memory_space<vmem>>, vector<16xi32>,
    %add3A_417 = arith.addi %get3A_416, %mul3A_229 : vector<16xi32>
    %gather3A_418 = tpu.vector_load_idx %arg5[%add3A_417] : memref<1792xf32, #tpu.memory_space<vmem>>[vector<16xi32>], vector<16xf32>,
    %add3A_419 = arith.addf %gather3A_418, %broadcast_in_dim3A_231 : vector<16xf32>
    tpu.vector_store_idx %arg5[%add3A_417], %add3A_419 : memref<1792xf32, #tpu.memory_space<vmem>>[vector<16xi32>], vector<16xf32>,
    %get3A_420 = arith.constant 608 : index
    %get3A_421 = tpu.vector_load %arg4[%get3A_420] {strides = array<i32>} : memref<2048xi32, #tpu.memory_space<vmem>>, vector<16xi32>,
    %add3A_422 = arith.addi %get3A_421, %mul3A_229 : vector<16xi32>
    %gather3A_423 = tpu.vector_load_idx %arg5[%add3A_422] : memref<1792xf32, #tpu.memory_space<vmem>>[vector<16xi32>], vector<16xf32>,
    %add3A_424 = arith.addf %gather3A_423, %broadcast_in_dim3A_231 : vector<16xf32>
    tpu.vector_store_idx %arg5[%add3A_422], %add3A_424 : memref<1792xf32, #tpu.memory_space<vmem>>[vector<16xi32>], vector<16xf32>,
    %get3A_425 = arith.constant 624 : index
    %get3A_426 = tpu.vector_load %arg4[%get3A_425] {strides = array<i32>} : memref<2048xi32, #tpu.memory_space<vmem>>, vector<16xi32>,
    %add3A_427 = arith.addi %get3A_426, %mul3A_229 : vector<16xi32>
    %gather3A_428 = tpu.vector_load_idx %arg5[%add3A_427] : memref<1792xf32, #tpu.memory_space<vmem>>[vector<16xi32>], vector<16xf32>,
    %add3A_429 = arith.addf %gather3A_428, %broadcast_in_dim3A_231 : vector<16xf32>
    tpu.vector_store_idx %arg5[%add3A_427], %add3A_429 : memref<1792xf32, #tpu.memory_space<vmem>>[vector<16xi32>], vector<16xf32>,
    %get3A_430 = arith.constant 640 : index
    %get3A_431 = tpu.vector_load %arg4[%get3A_430] {strides = array<i32>} : memref<2048xi32, #tpu.memory_space<vmem>>, vector<16xi32>,
    %add3A_432 = arith.addi %get3A_431, %mul3A_229 : vector<16xi32>
    %gather3A_433 = tpu.vector_load_idx %arg5[%add3A_432] : memref<1792xf32, #tpu.memory_space<vmem>>[vector<16xi32>], vector<16xf32>,
    %add3A_434 = arith.addf %gather3A_433, %broadcast_in_dim3A_231 : vector<16xf32>
    tpu.vector_store_idx %arg5[%add3A_432], %add3A_434 : memref<1792xf32, #tpu.memory_space<vmem>>[vector<16xi32>], vector<16xf32>,
    %get3A_435 = arith.constant 656 : index
    %get3A_436 = tpu.vector_load %arg4[%get3A_435] {strides = array<i32>} : memref<2048xi32, #tpu.memory_space<vmem>>, vector<16xi32>,
    %add3A_437 = arith.addi %get3A_436, %mul3A_229 : vector<16xi32>
    %gather3A_438 = tpu.vector_load_idx %arg5[%add3A_437] : memref<1792xf32, #tpu.memory_space<vmem>>[vector<16xi32>], vector<16xf32>,
    %add3A_439 = arith.addf %gather3A_438, %broadcast_in_dim3A_231 : vector<16xf32>
    tpu.vector_store_idx %arg5[%add3A_437], %add3A_439 : memref<1792xf32, #tpu.memory_space<vmem>>[vector<16xi32>], vector<16xf32>,
    %get3A_440 = arith.constant 672 : index
    %get3A_441 = tpu.vector_load %arg4[%get3A_440] {strides = array<i32>} : memref<2048xi32, #tpu.memory_space<vmem>>, vector<16xi32>,
    %add3A_442 = arith.addi %get3A_441, %mul3A_229 : vector<16xi32>
    %gather3A_443 = tpu.vector_load_idx %arg5[%add3A_442] : memref<1792xf32, #tpu.memory_space<vmem>>[vector<16xi32>], vector<16xf32>,
    %add3A_444 = arith.addf %gather3A_443, %broadcast_in_dim3A_231 : vector<16xf32>
    tpu.vector_store_idx %arg5[%add3A_442], %add3A_444 : memref<1792xf32, #tpu.memory_space<vmem>>[vector<16xi32>], vector<16xf32>,
    %get3A_445 = arith.constant 688 : index
    %get3A_446 = tpu.vector_load %arg4[%get3A_445] {strides = array<i32>} : memref<2048xi32, #tpu.memory_space<vmem>>, vector<16xi32>,
    %add3A_447 = arith.addi %get3A_446, %mul3A_229 : vector<16xi32>
    %gather3A_448 = tpu.vector_load_idx %arg5[%add3A_447] : memref<1792xf32, #tpu.memory_space<vmem>>[vector<16xi32>], vector<16xf32>,
    %add3A_449 = arith.addf %gather3A_448, %broadcast_in_dim3A_231 : vector<16xf32>
    tpu.vector_store_idx %arg5[%add3A_447], %add3A_449 : memref<1792xf32, #tpu.memory_space<vmem>>[vector<16xi32>], vector<16xf32>,
    %get3A_450 = arith.constant 704 : index
    %get3A_451 = tpu.vector_load %arg4[%get3A_450] {strides = array<i32>} : memref<2048xi32, #tpu.memory_space<vmem>>, vector<16xi32>,
    %add3A_452 = arith.addi %get3A_451, %mul3A_229 : vector<16xi32>
    %gather3A_453 = tpu.vector_load_idx %arg5[%add3A_452] : memref<1792xf32, #tpu.memory_space<vmem>>[vector<16xi32>], vector<16xf32>,
    %add3A_454 = arith.addf %gather3A_453, %broadcast_in_dim3A_231 : vector<16xf32>
    tpu.vector_store_idx %arg5[%add3A_452], %add3A_454 : memref<1792xf32, #tpu.memory_space<vmem>>[vector<16xi32>], vector<16xf32>,
    %get3A_455 = arith.constant 720 : index
    %get3A_456 = tpu.vector_load %arg4[%get3A_455] {strides = array<i32>} : memref<2048xi32, #tpu.memory_space<vmem>>, vector<16xi32>,
    %add3A_457 = arith.addi %get3A_456, %mul3A_229 : vector<16xi32>
    %gather3A_458 = tpu.vector_load_idx %arg5[%add3A_457] : memref<1792xf32, #tpu.memory_space<vmem>>[vector<16xi32>], vector<16xf32>,
    %add3A_459 = arith.addf %gather3A_458, %broadcast_in_dim3A_231 : vector<16xf32>
    tpu.vector_store_idx %arg5[%add3A_457], %add3A_459 : memref<1792xf32, #tpu.memory_space<vmem>>[vector<16xi32>], vector<16xf32>,
    %get3A_460 = arith.constant 736 : index
    %get3A_461 = tpu.vector_load %arg4[%get3A_460] {strides = array<i32>} : memref<2048xi32, #tpu.memory_space<vmem>>, vector<16xi32>,
    %add3A_462 = arith.addi %get3A_461, %mul3A_229 : vector<16xi32>
    %gather3A_463 = tpu.vector_load_idx %arg5[%add3A_462] : memref<1792xf32, #tpu.memory_space<vmem>>[vector<16xi32>], vector<16xf32>,
    %add3A_464 = arith.addf %gather3A_463, %broadcast_in_dim3A_231 : vector<16xf32>
    tpu.vector_store_idx %arg5[%add3A_462], %add3A_464 : memref<1792xf32, #tpu.memory_space<vmem>>[vector<16xi32>], vector<16xf32>,
    %get3A_465 = arith.constant 752 : index
    %get3A_466 = tpu.vector_load %arg4[%get3A_465] {strides = array<i32>} : memref<2048xi32, #tpu.memory_space<vmem>>, vector<16xi32>,
    %add3A_467 = arith.addi %get3A_466, %mul3A_229 : vector<16xi32>
    %gather3A_468 = tpu.vector_load_idx %arg5[%add3A_467] : memref<1792xf32, #tpu.memory_space<vmem>>[vector<16xi32>], vector<16xf32>,
    %add3A_469 = arith.addf %gather3A_468, %broadcast_in_dim3A_231 : vector<16xf32>
    tpu.vector_store_idx %arg5[%add3A_467], %add3A_469 : memref<1792xf32, #tpu.memory_space<vmem>>[vector<16xi32>], vector<16xf32>,
    %get3A_470 = arith.constant 768 : index
    %get3A_471 = tpu.vector_load %arg4[%get3A_470] {strides = array<i32>} : memref<2048xi32, #tpu.memory_space<vmem>>, vector<16xi32>,
    %add3A_472 = arith.addi %get3A_471, %mul3A_229 : vector<16xi32>
    %gather3A_473 = tpu.vector_load_idx %arg5[%add3A_472] : memref<1792xf32, #tpu.memory_space<vmem>>[vector<16xi32>], vector<16xf32>,
    %add3A_474 = arith.addf %gather3A_473, %broadcast_in_dim3A_231 : vector<16xf32>
    tpu.vector_store_idx %arg5[%add3A_472], %add3A_474 : memref<1792xf32, #tpu.memory_space<vmem>>[vector<16xi32>], vector<16xf32>,
    %get3A_475 = arith.constant 784 : index
    %get3A_476 = tpu.vector_load %arg4[%get3A_475] {strides = array<i32>} : memref<2048xi32, #tpu.memory_space<vmem>>, vector<16xi32>,
    %add3A_477 = arith.addi %get3A_476, %mul3A_229 : vector<16xi32>
    %gather3A_478 = tpu.vector_load_idx %arg5[%add3A_477] : memref<1792xf32, #tpu.memory_space<vmem>>[vector<16xi32>], vector<16xf32>,
    %add3A_479 = arith.addf %gather3A_478, %broadcast_in_dim3A_231 : vector<16xf32>
    tpu.vector_store_idx %arg5[%add3A_477], %add3A_479 : memref<1792xf32, #tpu.memory_space<vmem>>[vector<16xi32>], vector<16xf32>,
    %get3A_480 = arith.constant 800 : index
    %get3A_481 = tpu.vector_load %arg4[%get3A_480] {strides = array<i32>} : memref<2048xi32, #tpu.memory_space<vmem>>, vector<16xi32>,
    %add3A_482 = arith.addi %get3A_481, %mul3A_229 : vector<16xi32>
    %gather3A_483 = tpu.vector_load_idx %arg5[%add3A_482] : memref<1792xf32, #tpu.memory_space<vmem>>[vector<16xi32>], vector<16xf32>,
    %add3A_484 = arith.addf %gather3A_483, %broadcast_in_dim3A_231 : vector<16xf32>
    tpu.vector_store_idx %arg5[%add3A_482], %add3A_484 : memref<1792xf32, #tpu.memory_space<vmem>>[vector<16xi32>], vector<16xf32>,
    %get3A_485 = arith.constant 816 : index
    %get3A_486 = tpu.vector_load %arg4[%get3A_485] {strides = array<i32>} : memref<2048xi32, #tpu.memory_space<vmem>>, vector<16xi32>,
    %add3A_487 = arith.addi %get3A_486, %mul3A_229 : vector<16xi32>
    %gather3A_488 = tpu.vector_load_idx %arg5[%add3A_487] : memref<1792xf32, #tpu.memory_space<vmem>>[vector<16xi32>], vector<16xf32>,
    %add3A_489 = arith.addf %gather3A_488, %broadcast_in_dim3A_231 : vector<16xf32>
    tpu.vector_store_idx %arg5[%add3A_487], %add3A_489 : memref<1792xf32, #tpu.memory_space<vmem>>[vector<16xi32>], vector<16xf32>,
    %get3A_490 = arith.constant 832 : index
    %get3A_491 = tpu.vector_load %arg4[%get3A_490] {strides = array<i32>} : memref<2048xi32, #tpu.memory_space<vmem>>, vector<16xi32>,
    %add3A_492 = arith.addi %get3A_491, %mul3A_229 : vector<16xi32>
    %gather3A_493 = tpu.vector_load_idx %arg5[%add3A_492] : memref<1792xf32, #tpu.memory_space<vmem>>[vector<16xi32>], vector<16xf32>,
    %add3A_494 = arith.addf %gather3A_493, %broadcast_in_dim3A_231 : vector<16xf32>
    tpu.vector_store_idx %arg5[%add3A_492], %add3A_494 : memref<1792xf32, #tpu.memory_space<vmem>>[vector<16xi32>], vector<16xf32>,
    %get3A_495 = arith.constant 848 : index
    %get3A_496 = tpu.vector_load %arg4[%get3A_495] {strides = array<i32>} : memref<2048xi32, #tpu.memory_space<vmem>>, vector<16xi32>,
    %add3A_497 = arith.addi %get3A_496, %mul3A_229 : vector<16xi32>
    %gather3A_498 = tpu.vector_load_idx %arg5[%add3A_497] : memref<1792xf32, #tpu.memory_space<vmem>>[vector<16xi32>], vector<16xf32>,
    %add3A_499 = arith.addf %gather3A_498, %broadcast_in_dim3A_231 : vector<16xf32>
    tpu.vector_store_idx %arg5[%add3A_497], %add3A_499 : memref<1792xf32, #tpu.memory_space<vmem>>[vector<16xi32>], vector<16xf32>,
    %get3A_500 = arith.constant 864 : index
    %get3A_501 = tpu.vector_load %arg4[%get3A_500] {strides = array<i32>} : memref<2048xi32, #tpu.memory_space<vmem>>, vector<16xi32>,
    %add3A_502 = arith.addi %get3A_501, %mul3A_229 : vector<16xi32>
    %gather3A_503 = tpu.vector_load_idx %arg5[%add3A_502] : memref<1792xf32, #tpu.memory_space<vmem>>[vector<16xi32>], vector<16xf32>,
    %add3A_504 = arith.addf %gather3A_503, %broadcast_in_dim3A_231 : vector<16xf32>
    tpu.vector_store_idx %arg5[%add3A_502], %add3A_504 : memref<1792xf32, #tpu.memory_space<vmem>>[vector<16xi32>], vector<16xf32>,
    %get3A_505 = arith.constant 880 : index
    %get3A_506 = tpu.vector_load %arg4[%get3A_505] {strides = array<i32>} : memref<2048xi32, #tpu.memory_space<vmem>>, vector<16xi32>,
    %add3A_507 = arith.addi %get3A_506, %mul3A_229 : vector<16xi32>
    %gather3A_508 = tpu.vector_load_idx %arg5[%add3A_507] : memref<1792xf32, #tpu.memory_space<vmem>>[vector<16xi32>], vector<16xf32>,
    %add3A_509 = arith.addf %gather3A_508, %broadcast_in_dim3A_231 : vector<16xf32>
    tpu.vector_store_idx %arg5[%add3A_507], %add3A_509 : memref<1792xf32, #tpu.memory_space<vmem>>[vector<16xi32>], vector<16xf32>,
    %get3A_510 = arith.constant 896 : index
    %get3A_511 = tpu.vector_load %arg4[%get3A_510] {strides = array<i32>} : memref<2048xi32, #tpu.memory_space<vmem>>, vector<16xi32>,
    %add3A_512 = arith.addi %get3A_511, %mul3A_229 : vector<16xi32>
    %gather3A_513 = tpu.vector_load_idx %arg5[%add3A_512] : memref<1792xf32, #tpu.memory_space<vmem>>[vector<16xi32>], vector<16xf32>,
    %add3A_514 = arith.addf %gather3A_513, %broadcast_in_dim3A_231 : vector<16xf32>
    tpu.vector_store_idx %arg5[%add3A_512], %add3A_514 : memref<1792xf32, #tpu.memory_space<vmem>>[vector<16xi32>], vector<16xf32>,
    %get3A_515 = arith.constant 912 : index
    %get3A_516 = tpu.vector_load %arg4[%get3A_515] {strides = array<i32>} : memref<2048xi32, #tpu.memory_space<vmem>>, vector<16xi32>,
    %add3A_517 = arith.addi %get3A_516, %mul3A_229 : vector<16xi32>
    %gather3A_518 = tpu.vector_load_idx %arg5[%add3A_517] : memref<1792xf32, #tpu.memory_space<vmem>>[vector<16xi32>], vector<16xf32>,
    %add3A_519 = arith.addf %gather3A_518, %broadcast_in_dim3A_231 : vector<16xf32>
    tpu.vector_store_idx %arg5[%add3A_517], %add3A_519 : memref<1792xf32, #tpu.memory_space<vmem>>[vector<16xi32>], vector<16xf32>,
    %get3A_520 = arith.constant 928 : index
    %get3A_521 = tpu.vector_load %arg4[%get3A_520] {strides = array<i32>} : memref<2048xi32, #tpu.memory_space<vmem>>, vector<16xi32>,
    %add3A_522 = arith.addi %get3A_521, %mul3A_229 : vector<16xi32>
    %gather3A_523 = tpu.vector_load_idx %arg5[%add3A_522] : memref<1792xf32, #tpu.memory_space<vmem>>[vector<16xi32>], vector<16xf32>,
    %add3A_524 = arith.addf %gather3A_523, %broadcast_in_dim3A_231 : vector<16xf32>
    tpu.vector_store_idx %arg5[%add3A_522], %add3A_524 : memref<1792xf32, #tpu.memory_space<vmem>>[vector<16xi32>], vector<16xf32>,
    %get3A_525 = arith.constant 944 : index
    %get3A_526 = tpu.vector_load %arg4[%get3A_525] {strides = array<i32>} : memref<2048xi32, #tpu.memory_space<vmem>>, vector<16xi32>,
    %add3A_527 = arith.addi %get3A_526, %mul3A_229 : vector<16xi32>
    %gather3A_528 = tpu.vector_load_idx %arg5[%add3A_527] : memref<1792xf32, #tpu.memory_space<vmem>>[vector<16xi32>], vector<16xf32>,
    %add3A_529 = arith.addf %gather3A_528, %broadcast_in_dim3A_231 : vector<16xf32>
    tpu.vector_store_idx %arg5[%add3A_527], %add3A_529 : memref<1792xf32, #tpu.memory_space<vmem>>[vector<16xi32>], vector<16xf32>,
    %get3A_530 = arith.constant 960 : index
    %get3A_531 = tpu.vector_load %arg4[%get3A_530] {strides = array<i32>} : memref<2048xi32, #tpu.memory_space<vmem>>, vector<16xi32>,
    %add3A_532 = arith.addi %get3A_531, %mul3A_229 : vector<16xi32>
    %gather3A_533 = tpu.vector_load_idx %arg5[%add3A_532] : memref<1792xf32, #tpu.memory_space<vmem>>[vector<16xi32>], vector<16xf32>,
    %add3A_534 = arith.addf %gather3A_533, %broadcast_in_dim3A_231 : vector<16xf32>
    tpu.vector_store_idx %arg5[%add3A_532], %add3A_534 : memref<1792xf32, #tpu.memory_space<vmem>>[vector<16xi32>], vector<16xf32>,
    %get3A_535 = arith.constant 976 : index
    %get3A_536 = tpu.vector_load %arg4[%get3A_535] {strides = array<i32>} : memref<2048xi32, #tpu.memory_space<vmem>>, vector<16xi32>,
    %add3A_537 = arith.addi %get3A_536, %mul3A_229 : vector<16xi32>
    %gather3A_538 = tpu.vector_load_idx %arg5[%add3A_537] : memref<1792xf32, #tpu.memory_space<vmem>>[vector<16xi32>], vector<16xf32>,
    %add3A_539 = arith.addf %gather3A_538, %broadcast_in_dim3A_231 : vector<16xf32>
    tpu.vector_store_idx %arg5[%add3A_537], %add3A_539 : memref<1792xf32, #tpu.memory_space<vmem>>[vector<16xi32>], vector<16xf32>,
    %get3A_540 = arith.constant 992 : index
    %get3A_541 = tpu.vector_load %arg4[%get3A_540] {strides = array<i32>} : memref<2048xi32, #tpu.memory_space<vmem>>, vector<16xi32>,
    %add3A_542 = arith.addi %get3A_541, %mul3A_229 : vector<16xi32>
    %gather3A_543 = tpu.vector_load_idx %arg5[%add3A_542] : memref<1792xf32, #tpu.memory_space<vmem>>[vector<16xi32>], vector<16xf32>,
    %add3A_544 = arith.addf %gather3A_543, %broadcast_in_dim3A_231 : vector<16xf32>
    tpu.vector_store_idx %arg5[%add3A_542], %add3A_544 : memref<1792xf32, #tpu.memory_space<vmem>>[vector<16xi32>], vector<16xf32>,
    %get3A_545 = arith.constant 1008 : index
    %get3A_546 = tpu.vector_load %arg4[%get3A_545] {strides = array<i32>} : memref<2048xi32, #tpu.memory_space<vmem>>, vector<16xi32>,
    %add3A_547 = arith.addi %get3A_546, %mul3A_229 : vector<16xi32>
    %gather3A_548 = tpu.vector_load_idx %arg5[%add3A_547] : memref<1792xf32, #tpu.memory_space<vmem>>[vector<16xi32>], vector<16xf32>,
    %add3A_549 = arith.addf %gather3A_548, %broadcast_in_dim3A_231 : vector<16xf32>
    tpu.vector_store_idx %arg5[%add3A_547], %add3A_549 : memref<1792xf32, #tpu.memory_space<vmem>>[vector<16xi32>], vector<16xf32>,
    %get3A_550 = arith.constant 1024 : index
    %get3A_551 = tpu.vector_load %arg4[%get3A_550] {strides = array<i32>} : memref<2048xi32, #tpu.memory_space<vmem>>, vector<16xi32>,
    %add3A_552 = arith.addi %get3A_551, %mul3A_229 : vector<16xi32>
    %gather3A_553 = tpu.vector_load_idx %arg5[%add3A_552] : memref<1792xf32, #tpu.memory_space<vmem>>[vector<16xi32>], vector<16xf32>,
    %add3A_554 = arith.addf %gather3A_553, %broadcast_in_dim3A_231 : vector<16xf32>
    tpu.vector_store_idx %arg5[%add3A_552], %add3A_554 : memref<1792xf32, #tpu.memory_space<vmem>>[vector<16xi32>], vector<16xf32>,
    %get3A_555 = arith.constant 1040 : index
    %get3A_556 = tpu.vector_load %arg4[%get3A_555] {strides = array<i32>} : memref<2048xi32, #tpu.memory_space<vmem>>, vector<16xi32>,
    %add3A_557 = arith.addi %get3A_556, %mul3A_229 : vector<16xi32>
    %gather3A_558 = tpu.vector_load_idx %arg5[%add3A_557] : memref<1792xf32, #tpu.memory_space<vmem>>[vector<16xi32>], vector<16xf32>,
    %add3A_559 = arith.addf %gather3A_558, %broadcast_in_dim3A_231 : vector<16xf32>
    tpu.vector_store_idx %arg5[%add3A_557], %add3A_559 : memref<1792xf32, #tpu.memory_space<vmem>>[vector<16xi32>], vector<16xf32>,
    %get3A_560 = arith.constant 1056 : index
    %get3A_561 = tpu.vector_load %arg4[%get3A_560] {strides = array<i32>} : memref<2048xi32, #tpu.memory_space<vmem>>, vector<16xi32>,
    %add3A_562 = arith.addi %get3A_561, %mul3A_229 : vector<16xi32>
    %gather3A_563 = tpu.vector_load_idx %arg5[%add3A_562] : memref<1792xf32, #tpu.memory_space<vmem>>[vector<16xi32>], vector<16xf32>,
    %add3A_564 = arith.addf %gather3A_563, %broadcast_in_dim3A_231 : vector<16xf32>
    tpu.vector_store_idx %arg5[%add3A_562], %add3A_564 : memref<1792xf32, #tpu.memory_space<vmem>>[vector<16xi32>], vector<16xf32>,
    %get3A_565 = arith.constant 1072 : index
    %get3A_566 = tpu.vector_load %arg4[%get3A_565] {strides = array<i32>} : memref<2048xi32, #tpu.memory_space<vmem>>, vector<16xi32>,
    %add3A_567 = arith.addi %get3A_566, %mul3A_229 : vector<16xi32>
    %gather3A_568 = tpu.vector_load_idx %arg5[%add3A_567] : memref<1792xf32, #tpu.memory_space<vmem>>[vector<16xi32>], vector<16xf32>,
    %add3A_569 = arith.addf %gather3A_568, %broadcast_in_dim3A_231 : vector<16xf32>
    tpu.vector_store_idx %arg5[%add3A_567], %add3A_569 : memref<1792xf32, #tpu.memory_space<vmem>>[vector<16xi32>], vector<16xf32>,
    %get3A_570 = arith.constant 1088 : index
    %get3A_571 = tpu.vector_load %arg4[%get3A_570] {strides = array<i32>} : memref<2048xi32, #tpu.memory_space<vmem>>, vector<16xi32>,
    %add3A_572 = arith.addi %get3A_571, %mul3A_229 : vector<16xi32>
    %gather3A_573 = tpu.vector_load_idx %arg5[%add3A_572] : memref<1792xf32, #tpu.memory_space<vmem>>[vector<16xi32>], vector<16xf32>,
    %add3A_574 = arith.addf %gather3A_573, %broadcast_in_dim3A_231 : vector<16xf32>
    tpu.vector_store_idx %arg5[%add3A_572], %add3A_574 : memref<1792xf32, #tpu.memory_space<vmem>>[vector<16xi32>], vector<16xf32>,
    %get3A_575 = arith.constant 1104 : index
    %get3A_576 = tpu.vector_load %arg4[%get3A_575] {strides = array<i32>} : memref<2048xi32, #tpu.memory_space<vmem>>, vector<16xi32>,
    %add3A_577 = arith.addi %get3A_576, %mul3A_229 : vector<16xi32>
    %gather3A_578 = tpu.vector_load_idx %arg5[%add3A_577] : memref<1792xf32, #tpu.memory_space<vmem>>[vector<16xi32>], vector<16xf32>,
    %add3A_579 = arith.addf %gather3A_578, %broadcast_in_dim3A_231 : vector<16xf32>
    tpu.vector_store_idx %arg5[%add3A_577], %add3A_579 : memref<1792xf32, #tpu.memory_space<vmem>>[vector<16xi32>], vector<16xf32>,
    %get3A_580 = arith.constant 1120 : index
    %get3A_581 = tpu.vector_load %arg4[%get3A_580] {strides = array<i32>} : memref<2048xi32, #tpu.memory_space<vmem>>, vector<16xi32>,
    %add3A_582 = arith.addi %get3A_581, %mul3A_229 : vector<16xi32>
    %gather3A_583 = tpu.vector_load_idx %arg5[%add3A_582] : memref<1792xf32, #tpu.memory_space<vmem>>[vector<16xi32>], vector<16xf32>,
    %add3A_584 = arith.addf %gather3A_583, %broadcast_in_dim3A_231 : vector<16xf32>
    tpu.vector_store_idx %arg5[%add3A_582], %add3A_584 : memref<1792xf32, #tpu.memory_space<vmem>>[vector<16xi32>], vector<16xf32>,
    %get3A_585 = arith.constant 1136 : index
    %get3A_586 = tpu.vector_load %arg4[%get3A_585] {strides = array<i32>} : memref<2048xi32, #tpu.memory_space<vmem>>, vector<16xi32>,
    %add3A_587 = arith.addi %get3A_586, %mul3A_229 : vector<16xi32>
    %gather3A_588 = tpu.vector_load_idx %arg5[%add3A_587] : memref<1792xf32, #tpu.memory_space<vmem>>[vector<16xi32>], vector<16xf32>,
    %add3A_589 = arith.addf %gather3A_588, %broadcast_in_dim3A_231 : vector<16xf32>
    tpu.vector_store_idx %arg5[%add3A_587], %add3A_589 : memref<1792xf32, #tpu.memory_space<vmem>>[vector<16xi32>], vector<16xf32>,
    %get3A_590 = arith.constant 1152 : index
    %get3A_591 = tpu.vector_load %arg4[%get3A_590] {strides = array<i32>} : memref<2048xi32, #tpu.memory_space<vmem>>, vector<16xi32>,
    %add3A_592 = arith.addi %get3A_591, %mul3A_229 : vector<16xi32>
    %gather3A_593 = tpu.vector_load_idx %arg5[%add3A_592] : memref<1792xf32, #tpu.memory_space<vmem>>[vector<16xi32>], vector<16xf32>,
    %add3A_594 = arith.addf %gather3A_593, %broadcast_in_dim3A_231 : vector<16xf32>
    tpu.vector_store_idx %arg5[%add3A_592], %add3A_594 : memref<1792xf32, #tpu.memory_space<vmem>>[vector<16xi32>], vector<16xf32>,
    %get3A_595 = arith.constant 1168 : index
    %get3A_596 = tpu.vector_load %arg4[%get3A_595] {strides = array<i32>} : memref<2048xi32, #tpu.memory_space<vmem>>, vector<16xi32>,
    %add3A_597 = arith.addi %get3A_596, %mul3A_229 : vector<16xi32>
    %gather3A_598 = tpu.vector_load_idx %arg5[%add3A_597] : memref<1792xf32, #tpu.memory_space<vmem>>[vector<16xi32>], vector<16xf32>,
    %add3A_599 = arith.addf %gather3A_598, %broadcast_in_dim3A_231 : vector<16xf32>
    tpu.vector_store_idx %arg5[%add3A_597], %add3A_599 : memref<1792xf32, #tpu.memory_space<vmem>>[vector<16xi32>], vector<16xf32>,
    %get3A_600 = arith.constant 1184 : index
    %get3A_601 = tpu.vector_load %arg4[%get3A_600] {strides = array<i32>} : memref<2048xi32, #tpu.memory_space<vmem>>, vector<16xi32>,
    %add3A_602 = arith.addi %get3A_601, %mul3A_229 : vector<16xi32>
    %gather3A_603 = tpu.vector_load_idx %arg5[%add3A_602] : memref<1792xf32, #tpu.memory_space<vmem>>[vector<16xi32>], vector<16xf32>,
    %add3A_604 = arith.addf %gather3A_603, %broadcast_in_dim3A_231 : vector<16xf32>
    tpu.vector_store_idx %arg5[%add3A_602], %add3A_604 : memref<1792xf32, #tpu.memory_space<vmem>>[vector<16xi32>], vector<16xf32>,
    %get3A_605 = arith.constant 1200 : index
    %get3A_606 = tpu.vector_load %arg4[%get3A_605] {strides = array<i32>} : memref<2048xi32, #tpu.memory_space<vmem>>, vector<16xi32>,
    %add3A_607 = arith.addi %get3A_606, %mul3A_229 : vector<16xi32>
    %gather3A_608 = tpu.vector_load_idx %arg5[%add3A_607] : memref<1792xf32, #tpu.memory_space<vmem>>[vector<16xi32>], vector<16xf32>,
    %add3A_609 = arith.addf %gather3A_608, %broadcast_in_dim3A_231 : vector<16xf32>
    tpu.vector_store_idx %arg5[%add3A_607], %add3A_609 : memref<1792xf32, #tpu.memory_space<vmem>>[vector<16xi32>], vector<16xf32>,
    %get3A_610 = arith.constant 1216 : index
    %get3A_611 = tpu.vector_load %arg4[%get3A_610] {strides = array<i32>} : memref<2048xi32, #tpu.memory_space<vmem>>, vector<16xi32>,
    %add3A_612 = arith.addi %get3A_611, %mul3A_229 : vector<16xi32>
    %gather3A_613 = tpu.vector_load_idx %arg5[%add3A_612] : memref<1792xf32, #tpu.memory_space<vmem>>[vector<16xi32>], vector<16xf32>,
    %add3A_614 = arith.addf %gather3A_613, %broadcast_in_dim3A_231 : vector<16xf32>
    tpu.vector_store_idx %arg5[%add3A_612], %add3A_614 : memref<1792xf32, #tpu.memory_space<vmem>>[vector<16xi32>], vector<16xf32>,
    %get3A_615 = arith.constant 1232 : index
    %get3A_616 = tpu.vector_load %arg4[%get3A_615] {strides = array<i32>} : memref<2048xi32, #tpu.memory_space<vmem>>, vector<16xi32>,
    %add3A_617 = arith.addi %get3A_616, %mul3A_229 : vector<16xi32>
    %gather3A_618 = tpu.vector_load_idx %arg5[%add3A_617] : memref<1792xf32, #tpu.memory_space<vmem>>[vector<16xi32>], vector<16xf32>,
    %add3A_619 = arith.addf %gather3A_618, %broadcast_in_dim3A_231 : vector<16xf32>
    tpu.vector_store_idx %arg5[%add3A_617], %add3A_619 : memref<1792xf32, #tpu.memory_space<vmem>>[vector<16xi32>], vector<16xf32>,
    %get3A_620 = arith.constant 1248 : index
    %get3A_621 = tpu.vector_load %arg4[%get3A_620] {strides = array<i32>} : memref<2048xi32, #tpu.memory_space<vmem>>, vector<16xi32>,
    %add3A_622 = arith.addi %get3A_621, %mul3A_229 : vector<16xi32>
    %gather3A_623 = tpu.vector_load_idx %arg5[%add3A_622] : memref<1792xf32, #tpu.memory_space<vmem>>[vector<16xi32>], vector<16xf32>,
    %add3A_624 = arith.addf %gather3A_623, %broadcast_in_dim3A_231 : vector<16xf32>
    tpu.vector_store_idx %arg5[%add3A_622], %add3A_624 : memref<1792xf32, #tpu.memory_space<vmem>>[vector<16xi32>], vector<16xf32>,
    %get3A_625 = arith.constant 1264 : index
    %get3A_626 = tpu.vector_load %arg4[%get3A_625] {strides = array<i32>} : memref<2048xi32, #tpu.memory_space<vmem>>, vector<16xi32>,
    %add3A_627 = arith.addi %get3A_626, %mul3A_229 : vector<16xi32>
    %gather3A_628 = tpu.vector_load_idx %arg5[%add3A_627] : memref<1792xf32, #tpu.memory_space<vmem>>[vector<16xi32>], vector<16xf32>,
    %add3A_629 = arith.addf %gather3A_628, %broadcast_in_dim3A_231 : vector<16xf32>
    tpu.vector_store_idx %arg5[%add3A_627], %add3A_629 : memref<1792xf32, #tpu.memory_space<vmem>>[vector<16xi32>], vector<16xf32>,
    %get3A_630 = arith.constant 1280 : index
    %get3A_631 = tpu.vector_load %arg4[%get3A_630] {strides = array<i32>} : memref<2048xi32, #tpu.memory_space<vmem>>, vector<16xi32>,
    %add3A_632 = arith.addi %get3A_631, %mul3A_229 : vector<16xi32>
    %gather3A_633 = tpu.vector_load_idx %arg5[%add3A_632] : memref<1792xf32, #tpu.memory_space<vmem>>[vector<16xi32>], vector<16xf32>,
    %add3A_634 = arith.addf %gather3A_633, %broadcast_in_dim3A_231 : vector<16xf32>
    tpu.vector_store_idx %arg5[%add3A_632], %add3A_634 : memref<1792xf32, #tpu.memory_space<vmem>>[vector<16xi32>], vector<16xf32>,
    %get3A_635 = arith.constant 1296 : index
    %get3A_636 = tpu.vector_load %arg4[%get3A_635] {strides = array<i32>} : memref<2048xi32, #tpu.memory_space<vmem>>, vector<16xi32>,
    %add3A_637 = arith.addi %get3A_636, %mul3A_229 : vector<16xi32>
    %gather3A_638 = tpu.vector_load_idx %arg5[%add3A_637] : memref<1792xf32, #tpu.memory_space<vmem>>[vector<16xi32>], vector<16xf32>,
    %add3A_639 = arith.addf %gather3A_638, %broadcast_in_dim3A_231 : vector<16xf32>
    tpu.vector_store_idx %arg5[%add3A_637], %add3A_639 : memref<1792xf32, #tpu.memory_space<vmem>>[vector<16xi32>], vector<16xf32>,
    %get3A_640 = arith.constant 1312 : index
    %get3A_641 = tpu.vector_load %arg4[%get3A_640] {strides = array<i32>} : memref<2048xi32, #tpu.memory_space<vmem>>, vector<16xi32>,
    %add3A_642 = arith.addi %get3A_641, %mul3A_229 : vector<16xi32>
    %gather3A_643 = tpu.vector_load_idx %arg5[%add3A_642] : memref<1792xf32, #tpu.memory_space<vmem>>[vector<16xi32>], vector<16xf32>,
    %add3A_644 = arith.addf %gather3A_643, %broadcast_in_dim3A_231 : vector<16xf32>
    tpu.vector_store_idx %arg5[%add3A_642], %add3A_644 : memref<1792xf32, #tpu.memory_space<vmem>>[vector<16xi32>], vector<16xf32>,
    %get3A_645 = arith.constant 1328 : index
    %get3A_646 = tpu.vector_load %arg4[%get3A_645] {strides = array<i32>} : memref<2048xi32, #tpu.memory_space<vmem>>, vector<16xi32>,
    %add3A_647 = arith.addi %get3A_646, %mul3A_229 : vector<16xi32>
    %gather3A_648 = tpu.vector_load_idx %arg5[%add3A_647] : memref<1792xf32, #tpu.memory_space<vmem>>[vector<16xi32>], vector<16xf32>,
    %add3A_649 = arith.addf %gather3A_648, %broadcast_in_dim3A_231 : vector<16xf32>
    tpu.vector_store_idx %arg5[%add3A_647], %add3A_649 : memref<1792xf32, #tpu.memory_space<vmem>>[vector<16xi32>], vector<16xf32>,
    %get3A_650 = arith.constant 1344 : index
    %get3A_651 = tpu.vector_load %arg4[%get3A_650] {strides = array<i32>} : memref<2048xi32, #tpu.memory_space<vmem>>, vector<16xi32>,
    %add3A_652 = arith.addi %get3A_651, %mul3A_229 : vector<16xi32>
    %gather3A_653 = tpu.vector_load_idx %arg5[%add3A_652] : memref<1792xf32, #tpu.memory_space<vmem>>[vector<16xi32>], vector<16xf32>,
    %add3A_654 = arith.addf %gather3A_653, %broadcast_in_dim3A_231 : vector<16xf32>
    tpu.vector_store_idx %arg5[%add3A_652], %add3A_654 : memref<1792xf32, #tpu.memory_space<vmem>>[vector<16xi32>], vector<16xf32>,
    %get3A_655 = arith.constant 1360 : index
    %get3A_656 = tpu.vector_load %arg4[%get3A_655] {strides = array<i32>} : memref<2048xi32, #tpu.memory_space<vmem>>, vector<16xi32>,
    %add3A_657 = arith.addi %get3A_656, %mul3A_229 : vector<16xi32>
    %gather3A_658 = tpu.vector_load_idx %arg5[%add3A_657] : memref<1792xf32, #tpu.memory_space<vmem>>[vector<16xi32>], vector<16xf32>,
    %add3A_659 = arith.addf %gather3A_658, %broadcast_in_dim3A_231 : vector<16xf32>
    tpu.vector_store_idx %arg5[%add3A_657], %add3A_659 : memref<1792xf32, #tpu.memory_space<vmem>>[vector<16xi32>], vector<16xf32>,
    %get3A_660 = arith.constant 1376 : index
    %get3A_661 = tpu.vector_load %arg4[%get3A_660] {strides = array<i32>} : memref<2048xi32, #tpu.memory_space<vmem>>, vector<16xi32>,
    %add3A_662 = arith.addi %get3A_661, %mul3A_229 : vector<16xi32>
    %gather3A_663 = tpu.vector_load_idx %arg5[%add3A_662] : memref<1792xf32, #tpu.memory_space<vmem>>[vector<16xi32>], vector<16xf32>,
    %add3A_664 = arith.addf %gather3A_663, %broadcast_in_dim3A_231 : vector<16xf32>
    tpu.vector_store_idx %arg5[%add3A_662], %add3A_664 : memref<1792xf32, #tpu.memory_space<vmem>>[vector<16xi32>], vector<16xf32>,
    %get3A_665 = arith.constant 1392 : index
    %get3A_666 = tpu.vector_load %arg4[%get3A_665] {strides = array<i32>} : memref<2048xi32, #tpu.memory_space<vmem>>, vector<16xi32>,
    %add3A_667 = arith.addi %get3A_666, %mul3A_229 : vector<16xi32>
    %gather3A_668 = tpu.vector_load_idx %arg5[%add3A_667] : memref<1792xf32, #tpu.memory_space<vmem>>[vector<16xi32>], vector<16xf32>,
    %add3A_669 = arith.addf %gather3A_668, %broadcast_in_dim3A_231 : vector<16xf32>
    tpu.vector_store_idx %arg5[%add3A_667], %add3A_669 : memref<1792xf32, #tpu.memory_space<vmem>>[vector<16xi32>], vector<16xf32>,
    %get3A_670 = arith.constant 1408 : index
    %get3A_671 = tpu.vector_load %arg4[%get3A_670] {strides = array<i32>} : memref<2048xi32, #tpu.memory_space<vmem>>, vector<16xi32>,
    %add3A_672 = arith.addi %get3A_671, %mul3A_229 : vector<16xi32>
    %gather3A_673 = tpu.vector_load_idx %arg5[%add3A_672] : memref<1792xf32, #tpu.memory_space<vmem>>[vector<16xi32>], vector<16xf32>,
    %add3A_674 = arith.addf %gather3A_673, %broadcast_in_dim3A_231 : vector<16xf32>
    tpu.vector_store_idx %arg5[%add3A_672], %add3A_674 : memref<1792xf32, #tpu.memory_space<vmem>>[vector<16xi32>], vector<16xf32>,
    %get3A_675 = arith.constant 1424 : index
    %get3A_676 = tpu.vector_load %arg4[%get3A_675] {strides = array<i32>} : memref<2048xi32, #tpu.memory_space<vmem>>, vector<16xi32>,
    %add3A_677 = arith.addi %get3A_676, %mul3A_229 : vector<16xi32>
    %gather3A_678 = tpu.vector_load_idx %arg5[%add3A_677] : memref<1792xf32, #tpu.memory_space<vmem>>[vector<16xi32>], vector<16xf32>,
    %add3A_679 = arith.addf %gather3A_678, %broadcast_in_dim3A_231 : vector<16xf32>
    tpu.vector_store_idx %arg5[%add3A_677], %add3A_679 : memref<1792xf32, #tpu.memory_space<vmem>>[vector<16xi32>], vector<16xf32>,
    %get3A_680 = arith.constant 1440 : index
    %get3A_681 = tpu.vector_load %arg4[%get3A_680] {strides = array<i32>} : memref<2048xi32, #tpu.memory_space<vmem>>, vector<16xi32>,
    %add3A_682 = arith.addi %get3A_681, %mul3A_229 : vector<16xi32>
    %gather3A_683 = tpu.vector_load_idx %arg5[%add3A_682] : memref<1792xf32, #tpu.memory_space<vmem>>[vector<16xi32>], vector<16xf32>,
    %add3A_684 = arith.addf %gather3A_683, %broadcast_in_dim3A_231 : vector<16xf32>
    tpu.vector_store_idx %arg5[%add3A_682], %add3A_684 : memref<1792xf32, #tpu.memory_space<vmem>>[vector<16xi32>], vector<16xf32>,
    %get3A_685 = arith.constant 1456 : index
    %get3A_686 = tpu.vector_load %arg4[%get3A_685] {strides = array<i32>} : memref<2048xi32, #tpu.memory_space<vmem>>, vector<16xi32>,
    %add3A_687 = arith.addi %get3A_686, %mul3A_229 : vector<16xi32>
    %gather3A_688 = tpu.vector_load_idx %arg5[%add3A_687] : memref<1792xf32, #tpu.memory_space<vmem>>[vector<16xi32>], vector<16xf32>,
    %add3A_689 = arith.addf %gather3A_688, %broadcast_in_dim3A_231 : vector<16xf32>
    tpu.vector_store_idx %arg5[%add3A_687], %add3A_689 : memref<1792xf32, #tpu.memory_space<vmem>>[vector<16xi32>], vector<16xf32>,
    %get3A_690 = arith.constant 1472 : index
    %get3A_691 = tpu.vector_load %arg4[%get3A_690] {strides = array<i32>} : memref<2048xi32, #tpu.memory_space<vmem>>, vector<16xi32>,
    %add3A_692 = arith.addi %get3A_691, %mul3A_229 : vector<16xi32>
    %gather3A_693 = tpu.vector_load_idx %arg5[%add3A_692] : memref<1792xf32, #tpu.memory_space<vmem>>[vector<16xi32>], vector<16xf32>,
    %add3A_694 = arith.addf %gather3A_693, %broadcast_in_dim3A_231 : vector<16xf32>
    tpu.vector_store_idx %arg5[%add3A_692], %add3A_694 : memref<1792xf32, #tpu.memory_space<vmem>>[vector<16xi32>], vector<16xf32>,
    %get3A_695 = arith.constant 1488 : index
    %get3A_696 = tpu.vector_load %arg4[%get3A_695] {strides = array<i32>} : memref<2048xi32, #tpu.memory_space<vmem>>, vector<16xi32>,
    %add3A_697 = arith.addi %get3A_696, %mul3A_229 : vector<16xi32>
    %gather3A_698 = tpu.vector_load_idx %arg5[%add3A_697] : memref<1792xf32, #tpu.memory_space<vmem>>[vector<16xi32>], vector<16xf32>,
    %add3A_699 = arith.addf %gather3A_698, %broadcast_in_dim3A_231 : vector<16xf32>
    tpu.vector_store_idx %arg5[%add3A_697], %add3A_699 : memref<1792xf32, #tpu.memory_space<vmem>>[vector<16xi32>], vector<16xf32>,
    %get3A_700 = arith.constant 1504 : index
    %get3A_701 = tpu.vector_load %arg4[%get3A_700] {strides = array<i32>} : memref<2048xi32, #tpu.memory_space<vmem>>, vector<16xi32>,
    %add3A_702 = arith.addi %get3A_701, %mul3A_229 : vector<16xi32>
    %gather3A_703 = tpu.vector_load_idx %arg5[%add3A_702] : memref<1792xf32, #tpu.memory_space<vmem>>[vector<16xi32>], vector<16xf32>,
    %add3A_704 = arith.addf %gather3A_703, %broadcast_in_dim3A_231 : vector<16xf32>
    tpu.vector_store_idx %arg5[%add3A_702], %add3A_704 : memref<1792xf32, #tpu.memory_space<vmem>>[vector<16xi32>], vector<16xf32>,
    %get3A_705 = arith.constant 1520 : index
    %get3A_706 = tpu.vector_load %arg4[%get3A_705] {strides = array<i32>} : memref<2048xi32, #tpu.memory_space<vmem>>, vector<16xi32>,
    %add3A_707 = arith.addi %get3A_706, %mul3A_229 : vector<16xi32>
    %gather3A_708 = tpu.vector_load_idx %arg5[%add3A_707] : memref<1792xf32, #tpu.memory_space<vmem>>[vector<16xi32>], vector<16xf32>,
    %add3A_709 = arith.addf %gather3A_708, %broadcast_in_dim3A_231 : vector<16xf32>
    tpu.vector_store_idx %arg5[%add3A_707], %add3A_709 : memref<1792xf32, #tpu.memory_space<vmem>>[vector<16xi32>], vector<16xf32>,
    %get3A_710 = arith.constant 1536 : index
    %get3A_711 = tpu.vector_load %arg4[%get3A_710] {strides = array<i32>} : memref<2048xi32, #tpu.memory_space<vmem>>, vector<16xi32>,
    %add3A_712 = arith.addi %get3A_711, %mul3A_229 : vector<16xi32>
    %gather3A_713 = tpu.vector_load_idx %arg5[%add3A_712] : memref<1792xf32, #tpu.memory_space<vmem>>[vector<16xi32>], vector<16xf32>,
    %add3A_714 = arith.addf %gather3A_713, %broadcast_in_dim3A_231 : vector<16xf32>
    tpu.vector_store_idx %arg5[%add3A_712], %add3A_714 : memref<1792xf32, #tpu.memory_space<vmem>>[vector<16xi32>], vector<16xf32>,
    %get3A_715 = arith.constant 1552 : index
    %get3A_716 = tpu.vector_load %arg4[%get3A_715] {strides = array<i32>} : memref<2048xi32, #tpu.memory_space<vmem>>, vector<16xi32>,
    %add3A_717 = arith.addi %get3A_716, %mul3A_229 : vector<16xi32>
    %gather3A_718 = tpu.vector_load_idx %arg5[%add3A_717] : memref<1792xf32, #tpu.memory_space<vmem>>[vector<16xi32>], vector<16xf32>,
    %add3A_719 = arith.addf %gather3A_718, %broadcast_in_dim3A_231 : vector<16xf32>
    tpu.vector_store_idx %arg5[%add3A_717], %add3A_719 : memref<1792xf32, #tpu.memory_space<vmem>>[vector<16xi32>], vector<16xf32>,
    %get3A_720 = arith.constant 1568 : index
    %get3A_721 = tpu.vector_load %arg4[%get3A_720] {strides = array<i32>} : memref<2048xi32, #tpu.memory_space<vmem>>, vector<16xi32>,
    %add3A_722 = arith.addi %get3A_721, %mul3A_229 : vector<16xi32>
    %gather3A_723 = tpu.vector_load_idx %arg5[%add3A_722] : memref<1792xf32, #tpu.memory_space<vmem>>[vector<16xi32>], vector<16xf32>,
    %add3A_724 = arith.addf %gather3A_723, %broadcast_in_dim3A_231 : vector<16xf32>
    tpu.vector_store_idx %arg5[%add3A_722], %add3A_724 : memref<1792xf32, #tpu.memory_space<vmem>>[vector<16xi32>], vector<16xf32>,
    %get3A_725 = arith.constant 1584 : index
    %get3A_726 = tpu.vector_load %arg4[%get3A_725] {strides = array<i32>} : memref<2048xi32, #tpu.memory_space<vmem>>, vector<16xi32>,
    %add3A_727 = arith.addi %get3A_726, %mul3A_229 : vector<16xi32>
    %gather3A_728 = tpu.vector_load_idx %arg5[%add3A_727] : memref<1792xf32, #tpu.memory_space<vmem>>[vector<16xi32>], vector<16xf32>,
    %add3A_729 = arith.addf %gather3A_728, %broadcast_in_dim3A_231 : vector<16xf32>
    tpu.vector_store_idx %arg5[%add3A_727], %add3A_729 : memref<1792xf32, #tpu.memory_space<vmem>>[vector<16xi32>], vector<16xf32>,
    %get3A_730 = arith.constant 1600 : index
    %get3A_731 = tpu.vector_load %arg4[%get3A_730] {strides = array<i32>} : memref<2048xi32, #tpu.memory_space<vmem>>, vector<16xi32>,
    %add3A_732 = arith.addi %get3A_731, %mul3A_229 : vector<16xi32>
    %gather3A_733 = tpu.vector_load_idx %arg5[%add3A_732] : memref<1792xf32, #tpu.memory_space<vmem>>[vector<16xi32>], vector<16xf32>,
    %add3A_734 = arith.addf %gather3A_733, %broadcast_in_dim3A_231 : vector<16xf32>
    tpu.vector_store_idx %arg5[%add3A_732], %add3A_734 : memref<1792xf32, #tpu.memory_space<vmem>>[vector<16xi32>], vector<16xf32>,
    %get3A_735 = arith.constant 1616 : index
    %get3A_736 = tpu.vector_load %arg4[%get3A_735] {strides = array<i32>} : memref<2048xi32, #tpu.memory_space<vmem>>, vector<16xi32>,
    %add3A_737 = arith.addi %get3A_736, %mul3A_229 : vector<16xi32>
    %gather3A_738 = tpu.vector_load_idx %arg5[%add3A_737] : memref<1792xf32, #tpu.memory_space<vmem>>[vector<16xi32>], vector<16xf32>,
    %add3A_739 = arith.addf %gather3A_738, %broadcast_in_dim3A_231 : vector<16xf32>
    tpu.vector_store_idx %arg5[%add3A_737], %add3A_739 : memref<1792xf32, #tpu.memory_space<vmem>>[vector<16xi32>], vector<16xf32>,
    %get3A_740 = arith.constant 1632 : index
    %get3A_741 = tpu.vector_load %arg4[%get3A_740] {strides = array<i32>} : memref<2048xi32, #tpu.memory_space<vmem>>, vector<16xi32>,
    %add3A_742 = arith.addi %get3A_741, %mul3A_229 : vector<16xi32>
    %gather3A_743 = tpu.vector_load_idx %arg5[%add3A_742] : memref<1792xf32, #tpu.memory_space<vmem>>[vector<16xi32>], vector<16xf32>,
    %add3A_744 = arith.addf %gather3A_743, %broadcast_in_dim3A_231 : vector<16xf32>
    tpu.vector_store_idx %arg5[%add3A_742], %add3A_744 : memref<1792xf32, #tpu.memory_space<vmem>>[vector<16xi32>], vector<16xf32>,
    %get3A_745 = arith.constant 1648 : index
    %get3A_746 = tpu.vector_load %arg4[%get3A_745] {strides = array<i32>} : memref<2048xi32, #tpu.memory_space<vmem>>, vector<16xi32>,
    %add3A_747 = arith.addi %get3A_746, %mul3A_229 : vector<16xi32>
    %gather3A_748 = tpu.vector_load_idx %arg5[%add3A_747] : memref<1792xf32, #tpu.memory_space<vmem>>[vector<16xi32>], vector<16xf32>,
    %add3A_749 = arith.addf %gather3A_748, %broadcast_in_dim3A_231 : vector<16xf32>
    tpu.vector_store_idx %arg5[%add3A_747], %add3A_749 : memref<1792xf32, #tpu.memory_space<vmem>>[vector<16xi32>], vector<16xf32>,
    %get3A_750 = arith.constant 1664 : index
    %get3A_751 = tpu.vector_load %arg4[%get3A_750] {strides = array<i32>} : memref<2048xi32, #tpu.memory_space<vmem>>, vector<16xi32>,
    %add3A_752 = arith.addi %get3A_751, %mul3A_229 : vector<16xi32>
    %gather3A_753 = tpu.vector_load_idx %arg5[%add3A_752] : memref<1792xf32, #tpu.memory_space<vmem>>[vector<16xi32>], vector<16xf32>,
    %add3A_754 = arith.addf %gather3A_753, %broadcast_in_dim3A_231 : vector<16xf32>
    tpu.vector_store_idx %arg5[%add3A_752], %add3A_754 : memref<1792xf32, #tpu.memory_space<vmem>>[vector<16xi32>], vector<16xf32>,
    %get3A_755 = arith.constant 1680 : index
    %get3A_756 = tpu.vector_load %arg4[%get3A_755] {strides = array<i32>} : memref<2048xi32, #tpu.memory_space<vmem>>, vector<16xi32>,
    %add3A_757 = arith.addi %get3A_756, %mul3A_229 : vector<16xi32>
    %gather3A_758 = tpu.vector_load_idx %arg5[%add3A_757] : memref<1792xf32, #tpu.memory_space<vmem>>[vector<16xi32>], vector<16xf32>,
    %add3A_759 = arith.addf %gather3A_758, %broadcast_in_dim3A_231 : vector<16xf32>
    tpu.vector_store_idx %arg5[%add3A_757], %add3A_759 : memref<1792xf32, #tpu.memory_space<vmem>>[vector<16xi32>], vector<16xf32>,
    %get3A_760 = arith.constant 1696 : index
    %get3A_761 = tpu.vector_load %arg4[%get3A_760] {strides = array<i32>} : memref<2048xi32, #tpu.memory_space<vmem>>, vector<16xi32>,
    %add3A_762 = arith.addi %get3A_761, %mul3A_229 : vector<16xi32>
    %gather3A_763 = tpu.vector_load_idx %arg5[%add3A_762] : memref<1792xf32, #tpu.memory_space<vmem>>[vector<16xi32>], vector<16xf32>,
    %add3A_764 = arith.addf %gather3A_763, %broadcast_in_dim3A_231 : vector<16xf32>
    tpu.vector_store_idx %arg5[%add3A_762], %add3A_764 : memref<1792xf32, #tpu.memory_space<vmem>>[vector<16xi32>], vector<16xf32>,
    %get3A_765 = arith.constant 1712 : index
    %get3A_766 = tpu.vector_load %arg4[%get3A_765] {strides = array<i32>} : memref<2048xi32, #tpu.memory_space<vmem>>, vector<16xi32>,
    %add3A_767 = arith.addi %get3A_766, %mul3A_229 : vector<16xi32>
    %gather3A_768 = tpu.vector_load_idx %arg5[%add3A_767] : memref<1792xf32, #tpu.memory_space<vmem>>[vector<16xi32>], vector<16xf32>,
    %add3A_769 = arith.addf %gather3A_768, %broadcast_in_dim3A_231 : vector<16xf32>
    tpu.vector_store_idx %arg5[%add3A_767], %add3A_769 : memref<1792xf32, #tpu.memory_space<vmem>>[vector<16xi32>], vector<16xf32>,
    %get3A_770 = arith.constant 1728 : index
    %get3A_771 = tpu.vector_load %arg4[%get3A_770] {strides = array<i32>} : memref<2048xi32, #tpu.memory_space<vmem>>, vector<16xi32>,
    %add3A_772 = arith.addi %get3A_771, %mul3A_229 : vector<16xi32>
    %gather3A_773 = tpu.vector_load_idx %arg5[%add3A_772] : memref<1792xf32, #tpu.memory_space<vmem>>[vector<16xi32>], vector<16xf32>,
    %add3A_774 = arith.addf %gather3A_773, %broadcast_in_dim3A_231 : vector<16xf32>
    tpu.vector_store_idx %arg5[%add3A_772], %add3A_774 : memref<1792xf32, #tpu.memory_space<vmem>>[vector<16xi32>], vector<16xf32>,
    %get3A_775 = arith.constant 1744 : index
    %get3A_776 = tpu.vector_load %arg4[%get3A_775] {strides = array<i32>} : memref<2048xi32, #tpu.memory_space<vmem>>, vector<16xi32>,
    %add3A_777 = arith.addi %get3A_776, %mul3A_229 : vector<16xi32>
    %gather3A_778 = tpu.vector_load_idx %arg5[%add3A_777] : memref<1792xf32, #tpu.memory_space<vmem>>[vector<16xi32>], vector<16xf32>,
    %add3A_779 = arith.addf %gather3A_778, %broadcast_in_dim3A_231 : vector<16xf32>
    tpu.vector_store_idx %arg5[%add3A_777], %add3A_779 : memref<1792xf32, #tpu.memory_space<vmem>>[vector<16xi32>], vector<16xf32>,
    %get3A_780 = arith.constant 1760 : index
    %get3A_781 = tpu.vector_load %arg4[%get3A_780] {strides = array<i32>} : memref<2048xi32, #tpu.memory_space<vmem>>, vector<16xi32>,
    %add3A_782 = arith.addi %get3A_781, %mul3A_229 : vector<16xi32>
    %gather3A_783 = tpu.vector_load_idx %arg5[%add3A_782] : memref<1792xf32, #tpu.memory_space<vmem>>[vector<16xi32>], vector<16xf32>,
    %add3A_784 = arith.addf %gather3A_783, %broadcast_in_dim3A_231 : vector<16xf32>
    tpu.vector_store_idx %arg5[%add3A_782], %add3A_784 : memref<1792xf32, #tpu.memory_space<vmem>>[vector<16xi32>], vector<16xf32>,
    %get3A_785 = arith.constant 1776 : index
    %get3A_786 = tpu.vector_load %arg4[%get3A_785] {strides = array<i32>} : memref<2048xi32, #tpu.memory_space<vmem>>, vector<16xi32>,
    %add3A_787 = arith.addi %get3A_786, %mul3A_229 : vector<16xi32>
    %gather3A_788 = tpu.vector_load_idx %arg5[%add3A_787] : memref<1792xf32, #tpu.memory_space<vmem>>[vector<16xi32>], vector<16xf32>,
    %add3A_789 = arith.addf %gather3A_788, %broadcast_in_dim3A_231 : vector<16xf32>
    tpu.vector_store_idx %arg5[%add3A_787], %add3A_789 : memref<1792xf32, #tpu.memory_space<vmem>>[vector<16xi32>], vector<16xf32>,
    %get3A_790 = arith.constant 1792 : index
    %get3A_791 = tpu.vector_load %arg4[%get3A_790] {strides = array<i32>} : memref<2048xi32, #tpu.memory_space<vmem>>, vector<16xi32>,
    %add3A_792 = arith.addi %get3A_791, %mul3A_229 : vector<16xi32>
    %gather3A_793 = tpu.vector_load_idx %arg5[%add3A_792] : memref<1792xf32, #tpu.memory_space<vmem>>[vector<16xi32>], vector<16xf32>,
    %add3A_794 = arith.addf %gather3A_793, %broadcast_in_dim3A_231 : vector<16xf32>
    tpu.vector_store_idx %arg5[%add3A_792], %add3A_794 : memref<1792xf32, #tpu.memory_space<vmem>>[vector<16xi32>], vector<16xf32>,
    %get3A_795 = arith.constant 1808 : index
    %get3A_796 = tpu.vector_load %arg4[%get3A_795] {strides = array<i32>} : memref<2048xi32, #tpu.memory_space<vmem>>, vector<16xi32>,
    %add3A_797 = arith.addi %get3A_796, %mul3A_229 : vector<16xi32>
    %gather3A_798 = tpu.vector_load_idx %arg5[%add3A_797] : memref<1792xf32, #tpu.memory_space<vmem>>[vector<16xi32>], vector<16xf32>,
    %add3A_799 = arith.addf %gather3A_798, %broadcast_in_dim3A_231 : vector<16xf32>
    tpu.vector_store_idx %arg5[%add3A_797], %add3A_799 : memref<1792xf32, #tpu.memory_space<vmem>>[vector<16xi32>], vector<16xf32>,
    %get3A_800 = arith.constant 1824 : index
    %get3A_801 = tpu.vector_load %arg4[%get3A_800] {strides = array<i32>} : memref<2048xi32, #tpu.memory_space<vmem>>, vector<16xi32>,
    %add3A_802 = arith.addi %get3A_801, %mul3A_229 : vector<16xi32>
    %gather3A_803 = tpu.vector_load_idx %arg5[%add3A_802] : memref<1792xf32, #tpu.memory_space<vmem>>[vector<16xi32>], vector<16xf32>,
    %add3A_804 = arith.addf %gather3A_803, %broadcast_in_dim3A_231 : vector<16xf32>
    tpu.vector_store_idx %arg5[%add3A_802], %add3A_804 : memref<1792xf32, #tpu.memory_space<vmem>>[vector<16xi32>], vector<16xf32>,
    %get3A_805 = arith.constant 1840 : index
    %get3A_806 = tpu.vector_load %arg4[%get3A_805] {strides = array<i32>} : memref<2048xi32, #tpu.memory_space<vmem>>, vector<16xi32>,
    %add3A_807 = arith.addi %get3A_806, %mul3A_229 : vector<16xi32>
    %gather3A_808 = tpu.vector_load_idx %arg5[%add3A_807] : memref<1792xf32, #tpu.memory_space<vmem>>[vector<16xi32>], vector<16xf32>,
    %add3A_809 = arith.addf %gather3A_808, %broadcast_in_dim3A_231 : vector<16xf32>
    tpu.vector_store_idx %arg5[%add3A_807], %add3A_809 : memref<1792xf32, #tpu.memory_space<vmem>>[vector<16xi32>], vector<16xf32>,
    %get3A_810 = arith.constant 1856 : index
    %get3A_811 = tpu.vector_load %arg4[%get3A_810] {strides = array<i32>} : memref<2048xi32, #tpu.memory_space<vmem>>, vector<16xi32>,
    %add3A_812 = arith.addi %get3A_811, %mul3A_229 : vector<16xi32>
    %gather3A_813 = tpu.vector_load_idx %arg5[%add3A_812] : memref<1792xf32, #tpu.memory_space<vmem>>[vector<16xi32>], vector<16xf32>,
    %add3A_814 = arith.addf %gather3A_813, %broadcast_in_dim3A_231 : vector<16xf32>
    tpu.vector_store_idx %arg5[%add3A_812], %add3A_814 : memref<1792xf32, #tpu.memory_space<vmem>>[vector<16xi32>], vector<16xf32>,
    %get3A_815 = arith.constant 1872 : index
    %get3A_816 = tpu.vector_load %arg4[%get3A_815] {strides = array<i32>} : memref<2048xi32, #tpu.memory_space<vmem>>, vector<16xi32>,
    %add3A_817 = arith.addi %get3A_816, %mul3A_229 : vector<16xi32>
    %gather3A_818 = tpu.vector_load_idx %arg5[%add3A_817] : memref<1792xf32, #tpu.memory_space<vmem>>[vector<16xi32>], vector<16xf32>,
    %add3A_819 = arith.addf %gather3A_818, %broadcast_in_dim3A_231 : vector<16xf32>
    tpu.vector_store_idx %arg5[%add3A_817], %add3A_819 : memref<1792xf32, #tpu.memory_space<vmem>>[vector<16xi32>], vector<16xf32>,
    %get3A_820 = arith.constant 1888 : index
    %get3A_821 = tpu.vector_load %arg4[%get3A_820] {strides = array<i32>} : memref<2048xi32, #tpu.memory_space<vmem>>, vector<16xi32>,
    %add3A_822 = arith.addi %get3A_821, %mul3A_229 : vector<16xi32>
    %gather3A_823 = tpu.vector_load_idx %arg5[%add3A_822] : memref<1792xf32, #tpu.memory_space<vmem>>[vector<16xi32>], vector<16xf32>,
    %add3A_824 = arith.addf %gather3A_823, %broadcast_in_dim3A_231 : vector<16xf32>
    tpu.vector_store_idx %arg5[%add3A_822], %add3A_824 : memref<1792xf32, #tpu.memory_space<vmem>>[vector<16xi32>], vector<16xf32>,
    %get3A_825 = arith.constant 1904 : index
    %get3A_826 = tpu.vector_load %arg4[%get3A_825] {strides = array<i32>} : memref<2048xi32, #tpu.memory_space<vmem>>, vector<16xi32>,
    %add3A_827 = arith.addi %get3A_826, %mul3A_229 : vector<16xi32>
    %gather3A_828 = tpu.vector_load_idx %arg5[%add3A_827] : memref<1792xf32, #tpu.memory_space<vmem>>[vector<16xi32>], vector<16xf32>,
    %add3A_829 = arith.addf %gather3A_828, %broadcast_in_dim3A_231 : vector<16xf32>
    tpu.vector_store_idx %arg5[%add3A_827], %add3A_829 : memref<1792xf32, #tpu.memory_space<vmem>>[vector<16xi32>], vector<16xf32>,
    %get3A_830 = arith.constant 1920 : index
    %get3A_831 = tpu.vector_load %arg4[%get3A_830] {strides = array<i32>} : memref<2048xi32, #tpu.memory_space<vmem>>, vector<16xi32>,
    %add3A_832 = arith.addi %get3A_831, %mul3A_229 : vector<16xi32>
    %gather3A_833 = tpu.vector_load_idx %arg5[%add3A_832] : memref<1792xf32, #tpu.memory_space<vmem>>[vector<16xi32>], vector<16xf32>,
    %add3A_834 = arith.addf %gather3A_833, %broadcast_in_dim3A_231 : vector<16xf32>
    tpu.vector_store_idx %arg5[%add3A_832], %add3A_834 : memref<1792xf32, #tpu.memory_space<vmem>>[vector<16xi32>], vector<16xf32>,
    %get3A_835 = arith.constant 1936 : index
    %get3A_836 = tpu.vector_load %arg4[%get3A_835] {strides = array<i32>} : memref<2048xi32, #tpu.memory_space<vmem>>, vector<16xi32>,
    %add3A_837 = arith.addi %get3A_836, %mul3A_229 : vector<16xi32>
    %gather3A_838 = tpu.vector_load_idx %arg5[%add3A_837] : memref<1792xf32, #tpu.memory_space<vmem>>[vector<16xi32>], vector<16xf32>,
    %add3A_839 = arith.addf %gather3A_838, %broadcast_in_dim3A_231 : vector<16xf32>
    tpu.vector_store_idx %arg5[%add3A_837], %add3A_839 : memref<1792xf32, #tpu.memory_space<vmem>>[vector<16xi32>], vector<16xf32>,
    %get3A_840 = arith.constant 1952 : index
    %get3A_841 = tpu.vector_load %arg4[%get3A_840] {strides = array<i32>} : memref<2048xi32, #tpu.memory_space<vmem>>, vector<16xi32>,
    %add3A_842 = arith.addi %get3A_841, %mul3A_229 : vector<16xi32>
    %gather3A_843 = tpu.vector_load_idx %arg5[%add3A_842] : memref<1792xf32, #tpu.memory_space<vmem>>[vector<16xi32>], vector<16xf32>,
    %add3A_844 = arith.addf %gather3A_843, %broadcast_in_dim3A_231 : vector<16xf32>
    tpu.vector_store_idx %arg5[%add3A_842], %add3A_844 : memref<1792xf32, #tpu.memory_space<vmem>>[vector<16xi32>], vector<16xf32>,
    %get3A_845 = arith.constant 1968 : index
    %get3A_846 = tpu.vector_load %arg4[%get3A_845] {strides = array<i32>} : memref<2048xi32, #tpu.memory_space<vmem>>, vector<16xi32>,
    %add3A_847 = arith.addi %get3A_846, %mul3A_229 : vector<16xi32>
    %gather3A_848 = tpu.vector_load_idx %arg5[%add3A_847] : memref<1792xf32, #tpu.memory_space<vmem>>[vector<16xi32>], vector<16xf32>,
    %add3A_849 = arith.addf %gather3A_848, %broadcast_in_dim3A_231 : vector<16xf32>
    tpu.vector_store_idx %arg5[%add3A_847], %add3A_849 : memref<1792xf32, #tpu.memory_space<vmem>>[vector<16xi32>], vector<16xf32>,
    %get3A_850 = arith.constant 1984 : index
    %get3A_851 = tpu.vector_load %arg4[%get3A_850] {strides = array<i32>} : memref<2048xi32, #tpu.memory_space<vmem>>, vector<16xi32>,
    %add3A_852 = arith.addi %get3A_851, %mul3A_229 : vector<16xi32>
    %gather3A_853 = tpu.vector_load_idx %arg5[%add3A_852] : memref<1792xf32, #tpu.memory_space<vmem>>[vector<16xi32>], vector<16xf32>,
    %add3A_854 = arith.addf %gather3A_853, %broadcast_in_dim3A_231 : vector<16xf32>
    tpu.vector_store_idx %arg5[%add3A_852], %add3A_854 : memref<1792xf32, #tpu.memory_space<vmem>>[vector<16xi32>], vector<16xf32>,
    %get3A_855 = arith.constant 2000 : index
    %get3A_856 = tpu.vector_load %arg4[%get3A_855] {strides = array<i32>} : memref<2048xi32, #tpu.memory_space<vmem>>, vector<16xi32>,
    %add3A_857 = arith.addi %get3A_856, %mul3A_229 : vector<16xi32>
    %gather3A_858 = tpu.vector_load_idx %arg5[%add3A_857] : memref<1792xf32, #tpu.memory_space<vmem>>[vector<16xi32>], vector<16xf32>,
    %add3A_859 = arith.addf %gather3A_858, %broadcast_in_dim3A_231 : vector<16xf32>
    tpu.vector_store_idx %arg5[%add3A_857], %add3A_859 : memref<1792xf32, #tpu.memory_space<vmem>>[vector<16xi32>], vector<16xf32>,
    %get3A_860 = arith.constant 2016 : index
    %get3A_861 = tpu.vector_load %arg4[%get3A_860] {strides = array<i32>} : memref<2048xi32, #tpu.memory_space<vmem>>, vector<16xi32>,
    %add3A_862 = arith.addi %get3A_861, %mul3A_229 : vector<16xi32>
    %gather3A_863 = tpu.vector_load_idx %arg5[%add3A_862] : memref<1792xf32, #tpu.memory_space<vmem>>[vector<16xi32>], vector<16xf32>,
    %add3A_864 = arith.addf %gather3A_863, %broadcast_in_dim3A_231 : vector<16xf32>
    tpu.vector_store_idx %arg5[%add3A_862], %add3A_864 : memref<1792xf32, #tpu.memory_space<vmem>>[vector<16xi32>], vector<16xf32>,
    %get3A_865 = arith.constant 2032 : index
    %get3A_866 = tpu.vector_load %arg4[%get3A_865] {strides = array<i32>} : memref<2048xi32, #tpu.memory_space<vmem>>, vector<16xi32>,
    %add3A_867 = arith.addi %get3A_866, %mul3A_229 : vector<16xi32>
    %gather3A_868 = tpu.vector_load_idx %arg5[%add3A_867] : memref<1792xf32, #tpu.memory_space<vmem>>[vector<16xi32>], vector<16xf32>,
    %add3A_869 = arith.addf %gather3A_868, %broadcast_in_dim3A_231 : vector<16xf32>
    tpu.vector_store_idx %arg5[%add3A_867], %add3A_869 : memref<1792xf32, #tpu.memory_space<vmem>>[vector<16xi32>], vector<16xf32>,
    %get3A_870 = arith.constant 0 : index
    %get3A_871 = tpu.vector_load %arg5[%get3A_870] {strides = array<i32>} : memref<1792xf32, #tpu.memory_space<vmem>>, vector<16xf32>,
    %get3A_872 = arith.constant 112 : index
    %get3A_873 = tpu.vector_load %arg5[%get3A_872] {strides = array<i32>} : memref<1792xf32, #tpu.memory_space<vmem>>, vector<16xf32>,
    %add3A_874 = arith.addf %get3A_871, %get3A_873 : vector<16xf32>
    %get3A_875 = arith.constant 224 : index
    %get3A_876 = tpu.vector_load %arg5[%get3A_875] {strides = array<i32>} : memref<1792xf32, #tpu.memory_space<vmem>>, vector<16xf32>,
    %add3A_877 = arith.addf %add3A_874, %get3A_876 : vector<16xf32>
    %get3A_878 = arith.constant 336 : index
    %get3A_879 = tpu.vector_load %arg5[%get3A_878] {strides = array<i32>} : memref<1792xf32, #tpu.memory_space<vmem>>, vector<16xf32>,
    %add3A_880 = arith.addf %add3A_877, %get3A_879 : vector<16xf32>
    %get3A_881 = arith.constant 448 : index
    %get3A_882 = tpu.vector_load %arg5[%get3A_881] {strides = array<i32>} : memref<1792xf32, #tpu.memory_space<vmem>>, vector<16xf32>,
    %add3A_883 = arith.addf %add3A_880, %get3A_882 : vector<16xf32>
    %get3A_884 = arith.constant 560 : index
    %get3A_885 = tpu.vector_load %arg5[%get3A_884] {strides = array<i32>} : memref<1792xf32, #tpu.memory_space<vmem>>, vector<16xf32>,
    %add3A_886 = arith.addf %add3A_883, %get3A_885 : vector<16xf32>
    %get3A_887 = arith.constant 672 : index
    %get3A_888 = tpu.vector_load %arg5[%get3A_887] {strides = array<i32>} : memref<1792xf32, #tpu.memory_space<vmem>>, vector<16xf32>,
    %add3A_889 = arith.addf %add3A_886, %get3A_888 : vector<16xf32>
    %get3A_890 = arith.constant 784 : index
    %get3A_891 = tpu.vector_load %arg5[%get3A_890] {strides = array<i32>} : memref<1792xf32, #tpu.memory_space<vmem>>, vector<16xf32>,
    %add3A_892 = arith.addf %add3A_889, %get3A_891 : vector<16xf32>
    %get3A_893 = arith.constant 896 : index
    %get3A_894 = tpu.vector_load %arg5[%get3A_893] {strides = array<i32>} : memref<1792xf32, #tpu.memory_space<vmem>>, vector<16xf32>,
    %add3A_895 = arith.addf %add3A_892, %get3A_894 : vector<16xf32>
    %get3A_896 = arith.constant 1008 : index
    %get3A_897 = tpu.vector_load %arg5[%get3A_896] {strides = array<i32>} : memref<1792xf32, #tpu.memory_space<vmem>>, vector<16xf32>,
    %add3A_898 = arith.addf %add3A_895, %get3A_897 : vector<16xf32>
    %get3A_899 = arith.constant 1120 : index
    %get3A_900 = tpu.vector_load %arg5[%get3A_899] {strides = array<i32>} : memref<1792xf32, #tpu.memory_space<vmem>>, vector<16xf32>,
    %add3A_901 = arith.addf %add3A_898, %get3A_900 : vector<16xf32>
    %get3A_902 = arith.constant 1232 : index
    %get3A_903 = tpu.vector_load %arg5[%get3A_902] {strides = array<i32>} : memref<1792xf32, #tpu.memory_space<vmem>>, vector<16xf32>,
    %add3A_904 = arith.addf %add3A_901, %get3A_903 : vector<16xf32>
    %get3A_905 = arith.constant 1344 : index
    %get3A_906 = tpu.vector_load %arg5[%get3A_905] {strides = array<i32>} : memref<1792xf32, #tpu.memory_space<vmem>>, vector<16xf32>,
    %add3A_907 = arith.addf %add3A_904, %get3A_906 : vector<16xf32>
    %get3A_908 = arith.constant 1456 : index
    %get3A_909 = tpu.vector_load %arg5[%get3A_908] {strides = array<i32>} : memref<1792xf32, #tpu.memory_space<vmem>>, vector<16xf32>,
    %add3A_910 = arith.addf %add3A_907, %get3A_909 : vector<16xf32>
    %get3A_911 = arith.constant 1568 : index
    %get3A_912 = tpu.vector_load %arg5[%get3A_911] {strides = array<i32>} : memref<1792xf32, #tpu.memory_space<vmem>>, vector<16xf32>,
    %add3A_913 = arith.addf %add3A_910, %get3A_912 : vector<16xf32>
    %get3A_914 = arith.constant 1680 : index
    %get3A_915 = tpu.vector_load %arg5[%get3A_914] {strides = array<i32>} : memref<1792xf32, #tpu.memory_space<vmem>>, vector<16xf32>,
    %add3A_916 = arith.addf %add3A_913, %get3A_915 : vector<16xf32>
    %swap3A_917 = arith.constant 0 : index
    %swap3A_918 = tpu.vector_load %arg6[%swap3A_917] {strides = array<i32>} : memref<96xf32, #tpu.memory_space<vmem>>, vector<16xf32>,
    tpu.vector_store %arg6[%swap3A_917], %add3A_916 {strides = array<i32>} : memref<96xf32, #tpu.memory_space<vmem>>, vector<16xf32>,
    %get3A_919 = arith.constant 16 : index
    %get3A_920 = tpu.vector_load %arg5[%get3A_919] {strides = array<i32>} : memref<1792xf32, #tpu.memory_space<vmem>>, vector<16xf32>,
    %get3A_921 = arith.constant 128 : index
    %get3A_922 = tpu.vector_load %arg5[%get3A_921] {strides = array<i32>} : memref<1792xf32, #tpu.memory_space<vmem>>, vector<16xf32>,
    %add3A_923 = arith.addf %get3A_920, %get3A_922 : vector<16xf32>
    %get3A_924 = arith.constant 240 : index
    %get3A_925 = tpu.vector_load %arg5[%get3A_924] {strides = array<i32>} : memref<1792xf32, #tpu.memory_space<vmem>>, vector<16xf32>,
    %add3A_926 = arith.addf %add3A_923, %get3A_925 : vector<16xf32>
    %get3A_927 = arith.constant 352 : index
    %get3A_928 = tpu.vector_load %arg5[%get3A_927] {strides = array<i32>} : memref<1792xf32, #tpu.memory_space<vmem>>, vector<16xf32>,
    %add3A_929 = arith.addf %add3A_926, %get3A_928 : vector<16xf32>
    %get3A_930 = arith.constant 464 : index
    %get3A_931 = tpu.vector_load %arg5[%get3A_930] {strides = array<i32>} : memref<1792xf32, #tpu.memory_space<vmem>>, vector<16xf32>,
    %add3A_932 = arith.addf %add3A_929, %get3A_931 : vector<16xf32>
    %get3A_933 = arith.constant 576 : index
    %get3A_934 = tpu.vector_load %arg5[%get3A_933] {strides = array<i32>} : memref<1792xf32, #tpu.memory_space<vmem>>, vector<16xf32>,
    %add3A_935 = arith.addf %add3A_932, %get3A_934 : vector<16xf32>
    %get3A_936 = arith.constant 688 : index
    %get3A_937 = tpu.vector_load %arg5[%get3A_936] {strides = array<i32>} : memref<1792xf32, #tpu.memory_space<vmem>>, vector<16xf32>,
    %add3A_938 = arith.addf %add3A_935, %get3A_937 : vector<16xf32>
    %get3A_939 = arith.constant 800 : index
    %get3A_940 = tpu.vector_load %arg5[%get3A_939] {strides = array<i32>} : memref<1792xf32, #tpu.memory_space<vmem>>, vector<16xf32>,
    %add3A_941 = arith.addf %add3A_938, %get3A_940 : vector<16xf32>
    %get3A_942 = arith.constant 912 : index
    %get3A_943 = tpu.vector_load %arg5[%get3A_942] {strides = array<i32>} : memref<1792xf32, #tpu.memory_space<vmem>>, vector<16xf32>,
    %add3A_944 = arith.addf %add3A_941, %get3A_943 : vector<16xf32>
    %get3A_945 = arith.constant 1024 : index
    %get3A_946 = tpu.vector_load %arg5[%get3A_945] {strides = array<i32>} : memref<1792xf32, #tpu.memory_space<vmem>>, vector<16xf32>,
    %add3A_947 = arith.addf %add3A_944, %get3A_946 : vector<16xf32>
    %get3A_948 = arith.constant 1136 : index
    %get3A_949 = tpu.vector_load %arg5[%get3A_948] {strides = array<i32>} : memref<1792xf32, #tpu.memory_space<vmem>>, vector<16xf32>,
    %add3A_950 = arith.addf %add3A_947, %get3A_949 : vector<16xf32>
    %get3A_951 = arith.constant 1248 : index
    %get3A_952 = tpu.vector_load %arg5[%get3A_951] {strides = array<i32>} : memref<1792xf32, #tpu.memory_space<vmem>>, vector<16xf32>,
    %add3A_953 = arith.addf %add3A_950, %get3A_952 : vector<16xf32>
    %get3A_954 = arith.constant 1360 : index
    %get3A_955 = tpu.vector_load %arg5[%get3A_954] {strides = array<i32>} : memref<1792xf32, #tpu.memory_space<vmem>>, vector<16xf32>,
    %add3A_956 = arith.addf %add3A_953, %get3A_955 : vector<16xf32>
    %get3A_957 = arith.constant 1472 : index
    %get3A_958 = tpu.vector_load %arg5[%get3A_957] {strides = array<i32>} : memref<1792xf32, #tpu.memory_space<vmem>>, vector<16xf32>,
    %add3A_959 = arith.addf %add3A_956, %get3A_958 : vector<16xf32>
    %get3A_960 = arith.constant 1584 : index
    %get3A_961 = tpu.vector_load %arg5[%get3A_960] {strides = array<i32>} : memref<1792xf32, #tpu.memory_space<vmem>>, vector<16xf32>,
    %add3A_962 = arith.addf %add3A_959, %get3A_961 : vector<16xf32>
    %get3A_963 = arith.constant 1696 : index
    %get3A_964 = tpu.vector_load %arg5[%get3A_963] {strides = array<i32>} : memref<1792xf32, #tpu.memory_space<vmem>>, vector<16xf32>,
    %add3A_965 = arith.addf %add3A_962, %get3A_964 : vector<16xf32>
    %swap3A_966 = arith.constant 16 : index
    %swap3A_967 = tpu.vector_load %arg6[%swap3A_966] {strides = array<i32>} : memref<96xf32, #tpu.memory_space<vmem>>, vector<16xf32>,
    tpu.vector_store %arg6[%swap3A_966], %add3A_965 {strides = array<i32>} : memref<96xf32, #tpu.memory_space<vmem>>, vector<16xf32>,
    %get3A_968 = arith.constant 32 : index
    %get3A_969 = tpu.vector_load %arg5[%get3A_968] {strides = array<i32>} : memref<1792xf32, #tpu.memory_space<vmem>>, vector<16xf32>,
    %get3A_970 = arith.constant 144 : index
    %get3A_971 = tpu.vector_load %arg5[%get3A_970] {strides = array<i32>} : memref<1792xf32, #tpu.memory_space<vmem>>, vector<16xf32>,
    %add3A_972 = arith.addf %get3A_969, %get3A_971 : vector<16xf32>
    %get3A_973 = arith.constant 256 : index
    %get3A_974 = tpu.vector_load %arg5[%get3A_973] {strides = array<i32>} : memref<1792xf32, #tpu.memory_space<vmem>>, vector<16xf32>,
    %add3A_975 = arith.addf %add3A_972, %get3A_974 : vector<16xf32>
    %get3A_976 = arith.constant 368 : index
    %get3A_977 = tpu.vector_load %arg5[%get3A_976] {strides = array<i32>} : memref<1792xf32, #tpu.memory_space<vmem>>, vector<16xf32>,
    %add3A_978 = arith.addf %add3A_975, %get3A_977 : vector<16xf32>
    %get3A_979 = arith.constant 480 : index
    %get3A_980 = tpu.vector_load %arg5[%get3A_979] {strides = array<i32>} : memref<1792xf32, #tpu.memory_space<vmem>>, vector<16xf32>,
    %add3A_981 = arith.addf %add3A_978, %get3A_980 : vector<16xf32>
    %get3A_982 = arith.constant 592 : index
    %get3A_983 = tpu.vector_load %arg5[%get3A_982] {strides = array<i32>} : memref<1792xf32, #tpu.memory_space<vmem>>, vector<16xf32>,
    %add3A_984 = arith.addf %add3A_981, %get3A_983 : vector<16xf32>
    %get3A_985 = arith.constant 704 : index
    %get3A_986 = tpu.vector_load %arg5[%get3A_985] {strides = array<i32>} : memref<1792xf32, #tpu.memory_space<vmem>>, vector<16xf32>,
    %add3A_987 = arith.addf %add3A_984, %get3A_986 : vector<16xf32>
    %get3A_988 = arith.constant 816 : index
    %get3A_989 = tpu.vector_load %arg5[%get3A_988] {strides = array<i32>} : memref<1792xf32, #tpu.memory_space<vmem>>, vector<16xf32>,
    %add3A_990 = arith.addf %add3A_987, %get3A_989 : vector<16xf32>
    %get3A_991 = arith.constant 928 : index
    %get3A_992 = tpu.vector_load %arg5[%get3A_991] {strides = array<i32>} : memref<1792xf32, #tpu.memory_space<vmem>>, vector<16xf32>,
    %add3A_993 = arith.addf %add3A_990, %get3A_992 : vector<16xf32>
    %get3A_994 = arith.constant 1040 : index
    %get3A_995 = tpu.vector_load %arg5[%get3A_994] {strides = array<i32>} : memref<1792xf32, #tpu.memory_space<vmem>>, vector<16xf32>,
    %add3A_996 = arith.addf %add3A_993, %get3A_995 : vector<16xf32>
    %get3A_997 = arith.constant 1152 : index
    %get3A_998 = tpu.vector_load %arg5[%get3A_997] {strides = array<i32>} : memref<1792xf32, #tpu.memory_space<vmem>>, vector<16xf32>,
    %add3A_999 = arith.addf %add3A_996, %get3A_998 : vector<16xf32>
    %get3A_1000 = arith.constant 1264 : index
    %get3A_1001 = tpu.vector_load %arg5[%get3A_1000] {strides = array<i32>} : memref<1792xf32, #tpu.memory_space<vmem>>, vector<16xf32>,
    %add3A_1002 = arith.addf %add3A_999, %get3A_1001 : vector<16xf32>
    %get3A_1003 = arith.constant 1376 : index
    %get3A_1004 = tpu.vector_load %arg5[%get3A_1003] {strides = array<i32>} : memref<1792xf32, #tpu.memory_space<vmem>>, vector<16xf32>,
    %add3A_1005 = arith.addf %add3A_1002, %get3A_1004 : vector<16xf32>
    %get3A_1006 = arith.constant 1488 : index
    %get3A_1007 = tpu.vector_load %arg5[%get3A_1006] {strides = array<i32>} : memref<1792xf32, #tpu.memory_space<vmem>>, vector<16xf32>,
    %add3A_1008 = arith.addf %add3A_1005, %get3A_1007 : vector<16xf32>
    %get3A_1009 = arith.constant 1600 : index
    %get3A_1010 = tpu.vector_load %arg5[%get3A_1009] {strides = array<i32>} : memref<1792xf32, #tpu.memory_space<vmem>>, vector<16xf32>,
    %add3A_1011 = arith.addf %add3A_1008, %get3A_1010 : vector<16xf32>
    %get3A_1012 = arith.constant 1712 : index
    %get3A_1013 = tpu.vector_load %arg5[%get3A_1012] {strides = array<i32>} : memref<1792xf32, #tpu.memory_space<vmem>>, vector<16xf32>,
    %add3A_1014 = arith.addf %add3A_1011, %get3A_1013 : vector<16xf32>
    %swap3A_1015 = arith.constant 32 : index
    %swap3A_1016 = tpu.vector_load %arg6[%swap3A_1015] {strides = array<i32>} : memref<96xf32, #tpu.memory_space<vmem>>, vector<16xf32>,
    tpu.vector_store %arg6[%swap3A_1015], %add3A_1014 {strides = array<i32>} : memref<96xf32, #tpu.memory_space<vmem>>, vector<16xf32>,
    %get3A_1017 = arith.constant 48 : index
    %get3A_1018 = tpu.vector_load %arg5[%get3A_1017] {strides = array<i32>} : memref<1792xf32, #tpu.memory_space<vmem>>, vector<16xf32>,
    %get3A_1019 = arith.constant 160 : index
    %get3A_1020 = tpu.vector_load %arg5[%get3A_1019] {strides = array<i32>} : memref<1792xf32, #tpu.memory_space<vmem>>, vector<16xf32>,
    %add3A_1021 = arith.addf %get3A_1018, %get3A_1020 : vector<16xf32>
    %get3A_1022 = arith.constant 272 : index
    %get3A_1023 = tpu.vector_load %arg5[%get3A_1022] {strides = array<i32>} : memref<1792xf32, #tpu.memory_space<vmem>>, vector<16xf32>,
    %add3A_1024 = arith.addf %add3A_1021, %get3A_1023 : vector<16xf32>
    %get3A_1025 = arith.constant 384 : index
    %get3A_1026 = tpu.vector_load %arg5[%get3A_1025] {strides = array<i32>} : memref<1792xf32, #tpu.memory_space<vmem>>, vector<16xf32>,
    %add3A_1027 = arith.addf %add3A_1024, %get3A_1026 : vector<16xf32>
    %get3A_1028 = arith.constant 496 : index
    %get3A_1029 = tpu.vector_load %arg5[%get3A_1028] {strides = array<i32>} : memref<1792xf32, #tpu.memory_space<vmem>>, vector<16xf32>,
    %add3A_1030 = arith.addf %add3A_1027, %get3A_1029 : vector<16xf32>
    %get3A_1031 = arith.constant 608 : index
    %get3A_1032 = tpu.vector_load %arg5[%get3A_1031] {strides = array<i32>} : memref<1792xf32, #tpu.memory_space<vmem>>, vector<16xf32>,
    %add3A_1033 = arith.addf %add3A_1030, %get3A_1032 : vector<16xf32>
    %get3A_1034 = arith.constant 720 : index
    %get3A_1035 = tpu.vector_load %arg5[%get3A_1034] {strides = array<i32>} : memref<1792xf32, #tpu.memory_space<vmem>>, vector<16xf32>,
    %add3A_1036 = arith.addf %add3A_1033, %get3A_1035 : vector<16xf32>
    %get3A_1037 = arith.constant 832 : index
    %get3A_1038 = tpu.vector_load %arg5[%get3A_1037] {strides = array<i32>} : memref<1792xf32, #tpu.memory_space<vmem>>, vector<16xf32>,
    %add3A_1039 = arith.addf %add3A_1036, %get3A_1038 : vector<16xf32>
    %get3A_1040 = arith.constant 944 : index
    %get3A_1041 = tpu.vector_load %arg5[%get3A_1040] {strides = array<i32>} : memref<1792xf32, #tpu.memory_space<vmem>>, vector<16xf32>,
    %add3A_1042 = arith.addf %add3A_1039, %get3A_1041 : vector<16xf32>
    %get3A_1043 = arith.constant 1056 : index
    %get3A_1044 = tpu.vector_load %arg5[%get3A_1043] {strides = array<i32>} : memref<1792xf32, #tpu.memory_space<vmem>>, vector<16xf32>,
    %add3A_1045 = arith.addf %add3A_1042, %get3A_1044 : vector<16xf32>
    %get3A_1046 = arith.constant 1168 : index
    %get3A_1047 = tpu.vector_load %arg5[%get3A_1046] {strides = array<i32>} : memref<1792xf32, #tpu.memory_space<vmem>>, vector<16xf32>,
    %add3A_1048 = arith.addf %add3A_1045, %get3A_1047 : vector<16xf32>
    %get3A_1049 = arith.constant 1280 : index
    %get3A_1050 = tpu.vector_load %arg5[%get3A_1049] {strides = array<i32>} : memref<1792xf32, #tpu.memory_space<vmem>>, vector<16xf32>,
    %add3A_1051 = arith.addf %add3A_1048, %get3A_1050 : vector<16xf32>
    %get3A_1052 = arith.constant 1392 : index
    %get3A_1053 = tpu.vector_load %arg5[%get3A_1052] {strides = array<i32>} : memref<1792xf32, #tpu.memory_space<vmem>>, vector<16xf32>,
    %add3A_1054 = arith.addf %add3A_1051, %get3A_1053 : vector<16xf32>
    %get3A_1055 = arith.constant 1504 : index
    %get3A_1056 = tpu.vector_load %arg5[%get3A_1055] {strides = array<i32>} : memref<1792xf32, #tpu.memory_space<vmem>>, vector<16xf32>,
    %add3A_1057 = arith.addf %add3A_1054, %get3A_1056 : vector<16xf32>
    %get3A_1058 = arith.constant 1616 : index
    %get3A_1059 = tpu.vector_load %arg5[%get3A_1058] {strides = array<i32>} : memref<1792xf32, #tpu.memory_space<vmem>>, vector<16xf32>,
    %add3A_1060 = arith.addf %add3A_1057, %get3A_1059 : vector<16xf32>
    %get3A_1061 = arith.constant 1728 : index
    %get3A_1062 = tpu.vector_load %arg5[%get3A_1061] {strides = array<i32>} : memref<1792xf32, #tpu.memory_space<vmem>>, vector<16xf32>,
    %add3A_1063 = arith.addf %add3A_1060, %get3A_1062 : vector<16xf32>
    %swap3A_1064 = arith.constant 48 : index
    %swap3A_1065 = tpu.vector_load %arg6[%swap3A_1064] {strides = array<i32>} : memref<96xf32, #tpu.memory_space<vmem>>, vector<16xf32>,
    tpu.vector_store %arg6[%swap3A_1064], %add3A_1063 {strides = array<i32>} : memref<96xf32, #tpu.memory_space<vmem>>, vector<16xf32>,
    %get3A_1066 = arith.constant 64 : index
    %get3A_1067 = tpu.vector_load %arg5[%get3A_1066] {strides = array<i32>} : memref<1792xf32, #tpu.memory_space<vmem>>, vector<16xf32>,
    %get3A_1068 = arith.constant 176 : index
    %get3A_1069 = tpu.vector_load %arg5[%get3A_1068] {strides = array<i32>} : memref<1792xf32, #tpu.memory_space<vmem>>, vector<16xf32>,
    %add3A_1070 = arith.addf %get3A_1067, %get3A_1069 : vector<16xf32>
    %get3A_1071 = arith.constant 288 : index
    %get3A_1072 = tpu.vector_load %arg5[%get3A_1071] {strides = array<i32>} : memref<1792xf32, #tpu.memory_space<vmem>>, vector<16xf32>,
    %add3A_1073 = arith.addf %add3A_1070, %get3A_1072 : vector<16xf32>
    %get3A_1074 = arith.constant 400 : index
    %get3A_1075 = tpu.vector_load %arg5[%get3A_1074] {strides = array<i32>} : memref<1792xf32, #tpu.memory_space<vmem>>, vector<16xf32>,
    %add3A_1076 = arith.addf %add3A_1073, %get3A_1075 : vector<16xf32>
    %get3A_1077 = arith.constant 512 : index
    %get3A_1078 = tpu.vector_load %arg5[%get3A_1077] {strides = array<i32>} : memref<1792xf32, #tpu.memory_space<vmem>>, vector<16xf32>,
    %add3A_1079 = arith.addf %add3A_1076, %get3A_1078 : vector<16xf32>
    %get3A_1080 = arith.constant 624 : index
    %get3A_1081 = tpu.vector_load %arg5[%get3A_1080] {strides = array<i32>} : memref<1792xf32, #tpu.memory_space<vmem>>, vector<16xf32>,
    %add3A_1082 = arith.addf %add3A_1079, %get3A_1081 : vector<16xf32>
    %get3A_1083 = arith.constant 736 : index
    %get3A_1084 = tpu.vector_load %arg5[%get3A_1083] {strides = array<i32>} : memref<1792xf32, #tpu.memory_space<vmem>>, vector<16xf32>,
    %add3A_1085 = arith.addf %add3A_1082, %get3A_1084 : vector<16xf32>
    %get3A_1086 = arith.constant 848 : index
    %get3A_1087 = tpu.vector_load %arg5[%get3A_1086] {strides = array<i32>} : memref<1792xf32, #tpu.memory_space<vmem>>, vector<16xf32>,
    %add3A_1088 = arith.addf %add3A_1085, %get3A_1087 : vector<16xf32>
    %get3A_1089 = arith.constant 960 : index
    %get3A_1090 = tpu.vector_load %arg5[%get3A_1089] {strides = array<i32>} : memref<1792xf32, #tpu.memory_space<vmem>>, vector<16xf32>,
    %add3A_1091 = arith.addf %add3A_1088, %get3A_1090 : vector<16xf32>
    %get3A_1092 = arith.constant 1072 : index
    %get3A_1093 = tpu.vector_load %arg5[%get3A_1092] {strides = array<i32>} : memref<1792xf32, #tpu.memory_space<vmem>>, vector<16xf32>,
    %add3A_1094 = arith.addf %add3A_1091, %get3A_1093 : vector<16xf32>
    %get3A_1095 = arith.constant 1184 : index
    %get3A_1096 = tpu.vector_load %arg5[%get3A_1095] {strides = array<i32>} : memref<1792xf32, #tpu.memory_space<vmem>>, vector<16xf32>,
    %add3A_1097 = arith.addf %add3A_1094, %get3A_1096 : vector<16xf32>
    %get3A_1098 = arith.constant 1296 : index
    %get3A_1099 = tpu.vector_load %arg5[%get3A_1098] {strides = array<i32>} : memref<1792xf32, #tpu.memory_space<vmem>>, vector<16xf32>,
    %add3A_1100 = arith.addf %add3A_1097, %get3A_1099 : vector<16xf32>
    %get3A_1101 = arith.constant 1408 : index
    %get3A_1102 = tpu.vector_load %arg5[%get3A_1101] {strides = array<i32>} : memref<1792xf32, #tpu.memory_space<vmem>>, vector<16xf32>,
    %add3A_1103 = arith.addf %add3A_1100, %get3A_1102 : vector<16xf32>
    %get3A_1104 = arith.constant 1520 : index
    %get3A_1105 = tpu.vector_load %arg5[%get3A_1104] {strides = array<i32>} : memref<1792xf32, #tpu.memory_space<vmem>>, vector<16xf32>,
    %add3A_1106 = arith.addf %add3A_1103, %get3A_1105 : vector<16xf32>
    %get3A_1107 = arith.constant 1632 : index
    %get3A_1108 = tpu.vector_load %arg5[%get3A_1107] {strides = array<i32>} : memref<1792xf32, #tpu.memory_space<vmem>>, vector<16xf32>,
    %add3A_1109 = arith.addf %add3A_1106, %get3A_1108 : vector<16xf32>
    %get3A_1110 = arith.constant 1744 : index
    %get3A_1111 = tpu.vector_load %arg5[%get3A_1110] {strides = array<i32>} : memref<1792xf32, #tpu.memory_space<vmem>>, vector<16xf32>,
    %add3A_1112 = arith.addf %add3A_1109, %get3A_1111 : vector<16xf32>
    %swap3A_1113 = arith.constant 64 : index
    %swap3A_1114 = tpu.vector_load %arg6[%swap3A_1113] {strides = array<i32>} : memref<96xf32, #tpu.memory_space<vmem>>, vector<16xf32>,
    tpu.vector_store %arg6[%swap3A_1113], %add3A_1112 {strides = array<i32>} : memref<96xf32, #tpu.memory_space<vmem>>, vector<16xf32>,
    %get3A_1115 = arith.constant 80 : index
    %get3A_1116 = tpu.vector_load %arg5[%get3A_1115] {strides = array<i32>} : memref<1792xf32, #tpu.memory_space<vmem>>, vector<16xf32>,
    %get3A_1117 = arith.constant 192 : index
    %get3A_1118 = tpu.vector_load %arg5[%get3A_1117] {strides = array<i32>} : memref<1792xf32, #tpu.memory_space<vmem>>, vector<16xf32>,
    %add3A_1119 = arith.addf %get3A_1116, %get3A_1118 : vector<16xf32>
    %get3A_1120 = arith.constant 304 : index
    %get3A_1121 = tpu.vector_load %arg5[%get3A_1120] {strides = array<i32>} : memref<1792xf32, #tpu.memory_space<vmem>>, vector<16xf32>,
    %add3A_1122 = arith.addf %add3A_1119, %get3A_1121 : vector<16xf32>
    %get3A_1123 = arith.constant 416 : index
    %get3A_1124 = tpu.vector_load %arg5[%get3A_1123] {strides = array<i32>} : memref<1792xf32, #tpu.memory_space<vmem>>, vector<16xf32>,
    %add3A_1125 = arith.addf %add3A_1122, %get3A_1124 : vector<16xf32>
    %get3A_1126 = arith.constant 528 : index
    %get3A_1127 = tpu.vector_load %arg5[%get3A_1126] {strides = array<i32>} : memref<1792xf32, #tpu.memory_space<vmem>>, vector<16xf32>,
    %add3A_1128 = arith.addf %add3A_1125, %get3A_1127 : vector<16xf32>
    %get3A_1129 = arith.constant 640 : index
    %get3A_1130 = tpu.vector_load %arg5[%get3A_1129] {strides = array<i32>} : memref<1792xf32, #tpu.memory_space<vmem>>, vector<16xf32>,
    %add3A_1131 = arith.addf %add3A_1128, %get3A_1130 : vector<16xf32>
    %get3A_1132 = arith.constant 752 : index
    %get3A_1133 = tpu.vector_load %arg5[%get3A_1132] {strides = array<i32>} : memref<1792xf32, #tpu.memory_space<vmem>>, vector<16xf32>,
    %add3A_1134 = arith.addf %add3A_1131, %get3A_1133 : vector<16xf32>
    %get3A_1135 = arith.constant 864 : index
    %get3A_1136 = tpu.vector_load %arg5[%get3A_1135] {strides = array<i32>} : memref<1792xf32, #tpu.memory_space<vmem>>, vector<16xf32>,
    %add3A_1137 = arith.addf %add3A_1134, %get3A_1136 : vector<16xf32>
    %get3A_1138 = arith.constant 976 : index
    %get3A_1139 = tpu.vector_load %arg5[%get3A_1138] {strides = array<i32>} : memref<1792xf32, #tpu.memory_space<vmem>>, vector<16xf32>,
    %add3A_1140 = arith.addf %add3A_1137, %get3A_1139 : vector<16xf32>
    %get3A_1141 = arith.constant 1088 : index
    %get3A_1142 = tpu.vector_load %arg5[%get3A_1141] {strides = array<i32>} : memref<1792xf32, #tpu.memory_space<vmem>>, vector<16xf32>,
    %add3A_1143 = arith.addf %add3A_1140, %get3A_1142 : vector<16xf32>
    %get3A_1144 = arith.constant 1200 : index
    %get3A_1145 = tpu.vector_load %arg5[%get3A_1144] {strides = array<i32>} : memref<1792xf32, #tpu.memory_space<vmem>>, vector<16xf32>,
    %add3A_1146 = arith.addf %add3A_1143, %get3A_1145 : vector<16xf32>
    %get3A_1147 = arith.constant 1312 : index
    %get3A_1148 = tpu.vector_load %arg5[%get3A_1147] {strides = array<i32>} : memref<1792xf32, #tpu.memory_space<vmem>>, vector<16xf32>,
    %add3A_1149 = arith.addf %add3A_1146, %get3A_1148 : vector<16xf32>
    %get3A_1150 = arith.constant 1424 : index
    %get3A_1151 = tpu.vector_load %arg5[%get3A_1150] {strides = array<i32>} : memref<1792xf32, #tpu.memory_space<vmem>>, vector<16xf32>,
    %add3A_1152 = arith.addf %add3A_1149, %get3A_1151 : vector<16xf32>
    %get3A_1153 = arith.constant 1536 : index
    %get3A_1154 = tpu.vector_load %arg5[%get3A_1153] {strides = array<i32>} : memref<1792xf32, #tpu.memory_space<vmem>>, vector<16xf32>,
    %add3A_1155 = arith.addf %add3A_1152, %get3A_1154 : vector<16xf32>
    %get3A_1156 = arith.constant 1648 : index
    %get3A_1157 = tpu.vector_load %arg5[%get3A_1156] {strides = array<i32>} : memref<1792xf32, #tpu.memory_space<vmem>>, vector<16xf32>,
    %add3A_1158 = arith.addf %add3A_1155, %get3A_1157 : vector<16xf32>
    %get3A_1159 = arith.constant 1760 : index
    %get3A_1160 = tpu.vector_load %arg5[%get3A_1159] {strides = array<i32>} : memref<1792xf32, #tpu.memory_space<vmem>>, vector<16xf32>,
    %add3A_1161 = arith.addf %add3A_1158, %get3A_1160 : vector<16xf32>
    %swap3A_1162 = arith.constant 80 : index
    %swap3A_1163 = tpu.vector_load %arg6[%swap3A_1162] {strides = array<i32>} : memref<96xf32, #tpu.memory_space<vmem>>, vector<16xf32>,
    tpu.vector_store %arg6[%swap3A_1162], %add3A_1161 {strides = array<i32>} : memref<96xf32, #tpu.memory_space<vmem>>, vector<16xf32>,
    "tpu.region"() ({
      %run_scoped3A = tpu.sem_alloc : memref<!tpu.dma_semaphore, #tpu.memory_space<semaphore_mem>>
      %dma_start3A = arith.constant 0 : i32
      %dma_start3A_1176 = tpu.memref_slice %arg8[%arg1, %dma_start3A] : memref<16x96xf32, #tpu.memory_space<vmem_shared>> -> memref<1x96xf32, #tpu.memory_space<vmem_shared>>
      %dma_start3A_1177 = tpu.memref_squeeze %dma_start3A_1176 : memref<1x96xf32, #tpu.memory_space<vmem_shared>> -> memref<96xf32, #tpu.memory_space<vmem_shared>>
      %dma_start3A_1178 = arith.constant 0 : i32
      %dma_start3A_1179 = tpu.memref_slice %arg8[%arg1, %dma_start3A_1178] : memref<16x96xf32, #tpu.memory_space<vmem_shared>> -> memref<1x96xf32, #tpu.memory_space<vmem_shared>>
      %dma_start3A_1180 = tpu.memref_squeeze %dma_start3A_1179 : memref<1x96xf32, #tpu.memory_space<vmem_shared>> -> memref<96xf32, #tpu.memory_space<vmem_shared>>
      tpu.enqueue_dma source(%arg6 : memref<96xf32, #tpu.memory_space<vmem>>) target(%dma_start3A_1180 : memref<96xf32, #tpu.memory_space<vmem_shared>>) target_semaphore(%run_scoped3A : memref<!tpu.dma_semaphore, #tpu.memory_space<semaphore_mem>>)
      %dma_wait3A = arith.constant 0 : i32
      %dma_wait3A_1181 = tpu.memref_slice %arg8[%arg1, %dma_wait3A] : memref<16x96xf32, #tpu.memory_space<vmem_shared>> -> memref<1x96xf32, #tpu.memory_space<vmem_shared>>
      %dma_wait3A_1182 = tpu.memref_squeeze %dma_wait3A_1181 : memref<1x96xf32, #tpu.memory_space<vmem_shared>> -> memref<96xf32, #tpu.memory_space<vmem_shared>>
      %dma_wait3A_1183 = arith.constant 0 : i32
      %dma_wait3A_1184 = tpu.memref_slice %arg8[%arg1, %dma_wait3A_1183] : memref<16x96xf32, #tpu.memory_space<vmem_shared>> -> memref<1x96xf32, #tpu.memory_space<vmem_shared>>
      %dma_wait3A_1185 = tpu.memref_squeeze %dma_wait3A_1184 : memref<1x96xf32, #tpu.memory_space<vmem_shared>> -> memref<96xf32, #tpu.memory_space<vmem_shared>>
      tpu.wait_dma2 semaphore(%run_scoped3A : memref<!tpu.dma_semaphore, #tpu.memory_space<semaphore_mem>>) src(%arg6 : memref<96xf32, #tpu.memory_space<vmem>>) dst(%dma_wait3A_1185 : memref<96xf32, #tpu.memory_space<vmem_shared>>)
      tpu.yield
    }) : () -> ()
    %barrier3A = arith.constant 0 : index
    tpu.barrier barrier_id(%barrier3A)
    %jit3A = arith.constant 2 : i32
    %eq3A = arith.constant 0 : i32
    %eq3A_1164 = arith.cmpi eq, %jit3A, %eq3A : i32
    %jit3A_1165 = arith.constant 1 : i32
    %select_n3A = arith.select %eq3A_1164, %jit3A_1165, %jit3A : i32
    %rem3A = arith.remsi %arg1, %select_n3A : i32
    %ne3A = arith.constant 0 : i32
    %ne3A_1166 = arith.cmpi ne, %rem3A, %ne3A : i32
    %lt3A = arith.constant 0 : i32
    %lt3A_1167 = arith.cmpi slt, %rem3A, %lt3A : i32
    %lt3A_1168 = arith.constant 0 : i32
    %lt3A_1169 = arith.cmpi slt, %select_n3A, %lt3A_1168 : i32
    %ne3A_1170 = arith.xori %lt3A_1167, %lt3A_1169 : i1
    %and3A = arith.andi %ne3A_1170, %ne3A_1166 : i1
    %add3A_1171 = arith.addi %rem3A, %select_n3A : i32
    %select_n3A_1172 = arith.select %and3A, %add3A_1171, %rem3A : i32
    %eq3A_1173 = arith.constant 0 : i32
    %eq3A_1174 = arith.cmpi eq, %select_n3A_1172, %eq3A_1173 : i32
    %convert_element_type3A = arith.extui %eq3A_1174 : i1 to i32
    %cond3A = arith.constant 0 : i32
    %cond3A_1175 = arith.cmpi ne, %convert_element_type3A, %cond3A : i32
    scf.if %cond3A_1175 {
      %add3A_1176 = arith.constant 1 : i32
      %add3A_1177 = arith.addi %arg1, %add3A_1176 : i32
      "tpu.region"() ({
        %run_scoped3A = tpu.sem_alloc : memref<!tpu.dma_semaphore, #tpu.memory_space<semaphore_mem>>
        %dma_start3A = arith.constant 0 : i32
        %dma_start3A_1241 = tpu.memref_slice %arg8[%add3A_1177, %dma_start3A] : memref<16x96xf32, #tpu.memory_space<vmem_shared>> -> memref<1x96xf32, #tpu.memory_space<vmem_shared>>
        %dma_start3A_1242 = tpu.memref_squeeze %dma_start3A_1241 : memref<1x96xf32, #tpu.memory_space<vmem_shared>> -> memref<96xf32, #tpu.memory_space<vmem_shared>>
        %dma_start3A_1243 = arith.constant 0 : i32
        %dma_start3A_1244 = tpu.memref_slice %arg8[%add3A_1177, %dma_start3A_1243] : memref<16x96xf32, #tpu.memory_space<vmem_shared>> -> memref<1x96xf32, #tpu.memory_space<vmem_shared>>
        %dma_start3A_1245 = tpu.memref_squeeze %dma_start3A_1244 : memref<1x96xf32, #tpu.memory_space<vmem_shared>> -> memref<96xf32, #tpu.memory_space<vmem_shared>>
        tpu.enqueue_dma source(%dma_start3A_1245 : memref<96xf32, #tpu.memory_space<vmem_shared>>) target(%arg7 : memref<96xf32, #tpu.memory_space<vmem>>) target_semaphore(%run_scoped3A : memref<!tpu.dma_semaphore, #tpu.memory_space<semaphore_mem>>)
        %dma_wait3A = arith.constant 0 : i32
        %dma_wait3A_1246 = tpu.memref_slice %arg8[%add3A_1177, %dma_wait3A] : memref<16x96xf32, #tpu.memory_space<vmem_shared>> -> memref<1x96xf32, #tpu.memory_space<vmem_shared>>
        %dma_wait3A_1247 = tpu.memref_squeeze %dma_wait3A_1246 : memref<1x96xf32, #tpu.memory_space<vmem_shared>> -> memref<96xf32, #tpu.memory_space<vmem_shared>>
        %dma_wait3A_1248 = arith.constant 0 : i32
        %dma_wait3A_1249 = tpu.memref_slice %arg8[%add3A_1177, %dma_wait3A_1248] : memref<16x96xf32, #tpu.memory_space<vmem_shared>> -> memref<1x96xf32, #tpu.memory_space<vmem_shared>>
        %dma_wait3A_1250 = tpu.memref_squeeze %dma_wait3A_1249 : memref<1x96xf32, #tpu.memory_space<vmem_shared>> -> memref<96xf32, #tpu.memory_space<vmem_shared>>
        tpu.wait_dma2 semaphore(%run_scoped3A : memref<!tpu.dma_semaphore, #tpu.memory_space<semaphore_mem>>) src(%dma_wait3A_1250 : memref<96xf32, #tpu.memory_space<vmem_shared>>) dst(%arg7 : memref<96xf32, #tpu.memory_space<vmem>>)
        tpu.yield
      }) : () -> ()
      %get3A_1178 = arith.constant 0 : index
      %get3A_1179 = tpu.vector_load %arg6[%get3A_1178] {strides = array<i32>} : memref<96xf32, #tpu.memory_space<vmem>>, vector<16xf32>,
      %get3A_1180 = arith.constant 0 : index
      %get3A_1181 = tpu.vector_load %arg7[%get3A_1180] {strides = array<i32>} : memref<96xf32, #tpu.memory_space<vmem>>, vector<16xf32>,
      %add3A_1182 = arith.addf %get3A_1179, %get3A_1181 : vector<16xf32>
      %swap3A_1183 = arith.constant 0 : index
      %swap3A_1184 = tpu.vector_load %arg6[%swap3A_1183] {strides = array<i32>} : memref<96xf32, #tpu.memory_space<vmem>>, vector<16xf32>,
      tpu.vector_store %arg6[%swap3A_1183], %add3A_1182 {strides = array<i32>} : memref<96xf32, #tpu.memory_space<vmem>>, vector<16xf32>,
      %get3A_1185 = arith.constant 16 : index
      %get3A_1186 = tpu.vector_load %arg6[%get3A_1185] {strides = array<i32>} : memref<96xf32, #tpu.memory_space<vmem>>, vector<16xf32>,
      %get3A_1187 = arith.constant 16 : index
      %get3A_1188 = tpu.vector_load %arg7[%get3A_1187] {strides = array<i32>} : memref<96xf32, #tpu.memory_space<vmem>>, vector<16xf32>,
      %add3A_1189 = arith.addf %get3A_1186, %get3A_1188 : vector<16xf32>
      %swap3A_1190 = arith.constant 16 : index
      %swap3A_1191 = tpu.vector_load %arg6[%swap3A_1190] {strides = array<i32>} : memref<96xf32, #tpu.memory_space<vmem>>, vector<16xf32>,
      tpu.vector_store %arg6[%swap3A_1190], %add3A_1189 {strides = array<i32>} : memref<96xf32, #tpu.memory_space<vmem>>, vector<16xf32>,
      %get3A_1192 = arith.constant 32 : index
      %get3A_1193 = tpu.vector_load %arg6[%get3A_1192] {strides = array<i32>} : memref<96xf32, #tpu.memory_space<vmem>>, vector<16xf32>,
      %get3A_1194 = arith.constant 32 : index
      %get3A_1195 = tpu.vector_load %arg7[%get3A_1194] {strides = array<i32>} : memref<96xf32, #tpu.memory_space<vmem>>, vector<16xf32>,
      %add3A_1196 = arith.addf %get3A_1193, %get3A_1195 : vector<16xf32>
      %swap3A_1197 = arith.constant 32 : index
      %swap3A_1198 = tpu.vector_load %arg6[%swap3A_1197] {strides = array<i32>} : memref<96xf32, #tpu.memory_space<vmem>>, vector<16xf32>,
      tpu.vector_store %arg6[%swap3A_1197], %add3A_1196 {strides = array<i32>} : memref<96xf32, #tpu.memory_space<vmem>>, vector<16xf32>,
      %get3A_1199 = arith.constant 48 : index
      %get3A_1200 = tpu.vector_load %arg6[%get3A_1199] {strides = array<i32>} : memref<96xf32, #tpu.memory_space<vmem>>, vector<16xf32>,
      %get3A_1201 = arith.constant 48 : index
      %get3A_1202 = tpu.vector_load %arg7[%get3A_1201] {strides = array<i32>} : memref<96xf32, #tpu.memory_space<vmem>>, vector<16xf32>,
      %add3A_1203 = arith.addf %get3A_1200, %get3A_1202 : vector<16xf32>
      %swap3A_1204 = arith.constant 48 : index
      %swap3A_1205 = tpu.vector_load %arg6[%swap3A_1204] {strides = array<i32>} : memref<96xf32, #tpu.memory_space<vmem>>, vector<16xf32>,
      tpu.vector_store %arg6[%swap3A_1204], %add3A_1203 {strides = array<i32>} : memref<96xf32, #tpu.memory_space<vmem>>, vector<16xf32>,
      %get3A_1206 = arith.constant 64 : index
      %get3A_1207 = tpu.vector_load %arg6[%get3A_1206] {strides = array<i32>} : memref<96xf32, #tpu.memory_space<vmem>>, vector<16xf32>,
      %get3A_1208 = arith.constant 64 : index
      %get3A_1209 = tpu.vector_load %arg7[%get3A_1208] {strides = array<i32>} : memref<96xf32, #tpu.memory_space<vmem>>, vector<16xf32>,
      %add3A_1210 = arith.addf %get3A_1207, %get3A_1209 : vector<16xf32>
      %swap3A_1211 = arith.constant 64 : index
      %swap3A_1212 = tpu.vector_load %arg6[%swap3A_1211] {strides = array<i32>} : memref<96xf32, #tpu.memory_space<vmem>>, vector<16xf32>,
      tpu.vector_store %arg6[%swap3A_1211], %add3A_1210 {strides = array<i32>} : memref<96xf32, #tpu.memory_space<vmem>>, vector<16xf32>,
      %get3A_1213 = arith.constant 80 : index
      %get3A_1214 = tpu.vector_load %arg6[%get3A_1213] {strides = array<i32>} : memref<96xf32, #tpu.memory_space<vmem>>, vector<16xf32>,
      %get3A_1215 = arith.constant 80 : index
      %get3A_1216 = tpu.vector_load %arg7[%get3A_1215] {strides = array<i32>} : memref<96xf32, #tpu.memory_space<vmem>>, vector<16xf32>,
      %add3A_1217 = arith.addf %get3A_1214, %get3A_1216 : vector<16xf32>
      %swap3A_1218 = arith.constant 80 : index
      %swap3A_1219 = tpu.vector_load %arg6[%swap3A_1218] {strides = array<i32>} : memref<96xf32, #tpu.memory_space<vmem>>, vector<16xf32>,
      tpu.vector_store %arg6[%swap3A_1218], %add3A_1217 {strides = array<i32>} : memref<96xf32, #tpu.memory_space<vmem>>, vector<16xf32>,
      %jit3A_1220 = arith.constant 2 : i32
      %div3A = arith.divsi %add3A, %jit3A_1220 : i32
      %sign3A = arith.constant 0 : i32
      %sign3A_1221 = arith.cmpi sgt, %add3A, %sign3A : i32
      %sign3A_1222 = arith.extui %sign3A_1221 : i1 to i32
      %sign3A_1223 = arith.constant 0 : i32
      %sign3A_1224 = arith.cmpi slt, %add3A, %sign3A_1223 : i32
      %sign3A_1225 = arith.extui %sign3A_1224 : i1 to i32
      %sign3A_1226 = arith.subi %sign3A_1222, %sign3A_1225 : i32
      %sign3A_1227 = arith.constant 0 : i32
      %sign3A_1228 = arith.cmpi sgt, %jit3A_1220, %sign3A_1227 : i32
      %sign3A_1229 = arith.extui %sign3A_1228 : i1 to i32
      %sign3A_1230 = arith.constant 0 : i32
      %sign3A_1231 = arith.cmpi slt, %jit3A_1220, %sign3A_1230 : i32
      %sign3A_1232 = arith.extui %sign3A_1231 : i1 to i32
      %sign3A_1233 = arith.subi %sign3A_1229, %sign3A_1232 : i32
      %ne3A_1234 = arith.cmpi ne, %sign3A_1226, %sign3A_1233 : i32
      %rem3A_1235 = arith.remsi %add3A, %jit3A_1220 : i32
      %ne3A_1236 = arith.constant 0 : i32
      %ne3A_1237 = arith.cmpi ne, %rem3A_1235, %ne3A_1236 : i32
      %and3A_1238 = arith.andi %ne3A_1234, %ne3A_1237 : i1
      %sub3A = arith.constant 1 : i32
      %sub3A_1239 = arith.subi %div3A, %sub3A : i32
      %select_n3A_1240 = arith.select %and3A_1238, %sub3A_1239, %div3A : i32
      "tpu.region"() ({
        %run_scoped3A = tpu.sem_alloc : memref<!tpu.dma_semaphore, #tpu.memory_space<semaphore_mem>>
        %dma_start3A = arith.constant 0 : i32
        %dma_start3A_1241 = tpu.memref_slice %arg3[%select_n3A_1240, %dma_start3A] : memref<16x96xf32, #tpu.memory_space<hbm>> -> memref<1x96xf32, #tpu.memory_space<hbm>>
        %dma_start3A_1242 = tpu.memref_squeeze %dma_start3A_1241 : memref<1x96xf32, #tpu.memory_space<hbm>> -> memref<96xf32, #tpu.memory_space<hbm>>
        %dma_start3A_1243 = arith.constant 0 : i32
        %dma_start3A_1244 = tpu.memref_slice %arg3[%select_n3A_1240, %dma_start3A_1243] : memref<16x96xf32, #tpu.memory_space<hbm>> -> memref<1x96xf32, #tpu.memory_space<hbm>>
        %dma_start3A_1245 = tpu.memref_squeeze %dma_start3A_1244 : memref<1x96xf32, #tpu.memory_space<hbm>> -> memref<96xf32, #tpu.memory_space<hbm>>
        tpu.enqueue_dma source(%arg6 : memref<96xf32, #tpu.memory_space<vmem>>) target(%dma_start3A_1245 : memref<96xf32, #tpu.memory_space<hbm>>) target_semaphore(%run_scoped3A : memref<!tpu.dma_semaphore, #tpu.memory_space<semaphore_mem>>)
        %dma_wait3A = arith.constant 0 : i32
        %dma_wait3A_1246 = tpu.memref_slice %arg3[%select_n3A_1240, %dma_wait3A] : memref<16x96xf32, #tpu.memory_space<hbm>> -> memref<1x96xf32, #tpu.memory_space<hbm>>
        %dma_wait3A_1247 = tpu.memref_squeeze %dma_wait3A_1246 : memref<1x96xf32, #tpu.memory_space<hbm>> -> memref<96xf32, #tpu.memory_space<hbm>>
        %dma_wait3A_1248 = arith.constant 0 : i32
        %dma_wait3A_1249 = tpu.memref_slice %arg3[%select_n3A_1240, %dma_wait3A_1248] : memref<16x96xf32, #tpu.memory_space<hbm>> -> memref<1x96xf32, #tpu.memory_space<hbm>>
        %dma_wait3A_1250 = tpu.memref_squeeze %dma_wait3A_1249 : memref<1x96xf32, #tpu.memory_space<hbm>> -> memref<96xf32, #tpu.memory_space<hbm>>
        tpu.wait_dma2 semaphore(%run_scoped3A : memref<!tpu.dma_semaphore, #tpu.memory_space<semaphore_mem>>) src(%arg6 : memref<96xf32, #tpu.memory_space<vmem>>) dst(%dma_wait3A_1250 : memref<96xf32, #tpu.memory_space<hbm>>)
        tpu.yield
      }) : () -> ()
    } else {
    }
    return
  }
}

module attributes {stable_mosaic.version = 14 : i64} {
  func.func @_fused_kernel(%arg0: i32, %arg1: memref<1x4096x256xf32, #tpu.memory_space<vmem>>, %arg2: memref<16x4096xi32, #tpu.memory_space<vmem>>, %arg3: memref<256x128xf32, #tpu.memory_space<vmem>>, %arg4: memref<1x128xf32, #tpu.memory_space<vmem>>, %arg5: memref<128x1xf32, #tpu.memory_space<vmem>>, %arg6: memref<1x1xf32, #tpu.memory_space<vmem>>, %arg7: memref<32x96xf32, #tpu.memory_space<vmem>>, %arg8: memref<1x16xi32, #tpu.memory_space<vmem>>, %arg9: memref<256x256xf32, #tpu.memory_space<vmem>>, %arg10: memref<1x256xf32, #tpu.memory_space<vmem>>, %arg11: memref<1x256xf32, #tpu.memory_space<vmem>>, %arg12: memref<1x256xf32, #tpu.memory_space<vmem>>, %arg13: memref<16x96x256xf32, #tpu.memory_space<vmem>>, %arg14: memref<16x96x256xf32, #tpu.memory_space<vmem>>, %arg15: memref<16x96x1xf32, #tpu.memory_space<vmem>>) attributes {dimension_semantics = [#tpu.dimension_semantics<arbitrary>], iteration_bounds = array<i64: 17>, scalar_prefetch = 0 : i64, scratch_operands = 2 : i64, tpu.core_type = #tpu.core_type<tc>, window_params = [{transform_indices = @transform_0, window_bounds = array<i64: 1, 4096, 256>}, {pipeline_mode = #tpu.pipeline_mode<synchronous>, transform_indices = @transform_1, window_bounds = array<i64: 16, 4096>}, {pipeline_mode = #tpu.pipeline_mode<synchronous>, transform_indices = @transform_2, window_bounds = array<i64: 256, 128>}, {pipeline_mode = #tpu.pipeline_mode<synchronous>, transform_indices = @transform_3, window_bounds = array<i64: 1, 128>}, {pipeline_mode = #tpu.pipeline_mode<synchronous>, transform_indices = @transform_4, window_bounds = array<i64: 128, 1>}, {pipeline_mode = #tpu.pipeline_mode<synchronous>, transform_indices = @transform_5, window_bounds = array<i64: 1, 1>}, {pipeline_mode = #tpu.pipeline_mode<synchronous>, transform_indices = @transform_6, window_bounds = array<i64: 32, 96>}, {pipeline_mode = #tpu.pipeline_mode<synchronous>, transform_indices = @transform_7, window_bounds = array<i64: 1, 16>}, {pipeline_mode = #tpu.pipeline_mode<synchronous>, transform_indices = @transform_8, window_bounds = array<i64: 256, 256>}, {pipeline_mode = #tpu.pipeline_mode<synchronous>, transform_indices = @transform_9, window_bounds = array<i64: 1, 256>}, {pipeline_mode = #tpu.pipeline_mode<synchronous>, transform_indices = @transform_10, window_bounds = array<i64: 1, 256>}, {pipeline_mode = #tpu.pipeline_mode<synchronous>, transform_indices = @transform_11, window_bounds = array<i64: 1, 256>}, {pipeline_mode = #tpu.pipeline_mode<synchronous>, transform_indices = @transform_12, window_bounds = array<i64: 16, 96, 256>}]} {
    %lt3A = arith.constant 16 : i32
    %lt3A_0 = arith.cmpi slt, %arg0, %lt3A : i32
    %convert_element_type3A = arith.extui %lt3A_0 : i1 to i32
    %cond3A = arith.constant 0 : i32
    %cond3A_1 = arith.cmpi ne, %convert_element_type3A, %cond3A : i32
    scf.if %cond3A_1 {
      %get3A = arith.constant 0 : index
      %get3A_6 = arith.constant 0 : index
      %get3A_7 = arith.constant 0 : index
      %get3A_8 = vector.load %arg1[%get3A, %get3A_6, %get3A_7] : memref<1x4096x256xf32, #tpu.memory_space<vmem>>, vector<1x4096x256xf32>
      %get3A_9 = vector.shape_cast %get3A_8 : vector<1x4096x256xf32> to vector<4096x256xf32>
      %get3A_10 = arith.constant 0 : index
      %get3A_11 = arith.constant 0 : index
      %get3A_12 = vector.load %arg3[%get3A_10, %get3A_11] : memref<256x128xf32, #tpu.memory_space<vmem>>, vector<256x128xf32>
      %dot_general3A = arith.constant dense<0.000000e+00> : vector<4096x128xf32>
      %dot_general3A_13 = tpu.matmul %get3A_9, %get3A_12, %dot_general3A {dimension_numbers = #tpu.dot_dimension_numbers<[1], [0], [0], [1], [0, 0, 1, 1], [], []>, transpose_lhs_hint = false} : vector<4096x256xf32>, vector<256x128xf32>, vector<4096x128xf32> -> vector<4096x128xf32>
      %get3A_14 = arith.constant 0 : index
      %get3A_15 = arith.constant 0 : index
      %get3A_16 = vector.load %arg4[%get3A_14, %get3A_15] : memref<1x128xf32, #tpu.memory_space<vmem>>, vector<1x128xf32>
      %add3A = vector.broadcast %get3A_16 : vector<1x128xf32> to vector<4096x128xf32>
      %add3A_17 = arith.addf %dot_general3A_13, %add3A : vector<4096x128xf32>
      %tanh3A = math.tanh %add3A_17 : vector<4096x128xf32>
      %get3A_18 = arith.constant 0 : index
      %get3A_19 = arith.constant 0 : index
      %get3A_20 = vector.load %arg5[%get3A_18, %get3A_19] : memref<128x1xf32, #tpu.memory_space<vmem>>, vector<128x1xf32>
      %dot_general3A_21 = arith.constant dense<0.000000e+00> : vector<4096x1xf32>
      %dot_general3A_22 = tpu.matmul %tanh3A, %get3A_20, %dot_general3A_21 {dimension_numbers = #tpu.dot_dimension_numbers<[1], [0], [0], [1], [0, 0, 1, 1], [], []>, transpose_lhs_hint = false} : vector<4096x128xf32>, vector<128x1xf32>, vector<4096x1xf32> -> vector<4096x1xf32>
      %transpose3A = tpu.transpose %dot_general3A_22, [1, 0] : vector<4096x1xf32> -> vector<1x4096xf32>
      %get3A_23 = arith.constant 0 : index
      %get3A_24 = arith.constant 0 : index
      %get3A_25 = vector.load %arg6[%get3A_23, %get3A_24] : memref<1x1xf32, #tpu.memory_space<vmem>>, vector<1x1xf32>
      %add3A_26 = vector.broadcast %get3A_25 : vector<1x1xf32> to vector<1x4096xf32>
      %add3A_27 = arith.addf %transpose3A, %add3A_26 : vector<1x4096xf32>
      %exp3A = math.exp %add3A_27 : vector<1x4096xf32>
      %get3A_28 = arith.index_cast %arg0 : i32 to index
      %get3A_29 = arith.constant 0 : index
      %get3A_30 = vector.load %arg2[%get3A_28, %get3A_29] : memref<16x4096xi32, #tpu.memory_space<vmem>>, vector<1x4096xi32>
      %iota3A = tpu.iota {dimensions = array<i32: 0>} : vector<96x4096xi32>
      %eq3A_31 = vector.broadcast %get3A_30 : vector<1x4096xi32> to vector<96x4096xi32>
      %eq3A_32 = arith.cmpi eq, %iota3A, %eq3A_31 : vector<96x4096xi32>
      %jit3A = arith.constant 0.000000e+00 : f32
      %broadcast_in_dim3A = vector.shape_cast %exp3A : vector<1x4096xf32> to vector<1x4096xf32>
      %broadcast_in_dim3A_33 = vector.broadcast %broadcast_in_dim3A : vector<1x4096xf32> to vector<96x4096xf32>
      %broadcast_in_dim3A_34 = vector.broadcast %jit3A : f32 to vector<96x4096xf32>
      %select_n3A = arith.select %eq3A_32, %broadcast_in_dim3A_33, %broadcast_in_dim3A_34 : vector<96x4096xi1>, vector<96x4096xf32>
      %reduce_sum3A = arith.constant dense<0.000000e+00> : vector<96xf32>
      %reduce_sum3A_35 = vector.multi_reduction <add>, %select_n3A, %reduce_sum3A [1] : vector<96x4096xf32> to vector<96xf32>
      %broadcast_in_dim3A_36 = vector.shape_cast %reduce_sum3A_35 : vector<96xf32> to vector<96x1xf32>
      %swap3A = arith.index_cast %arg0 : i32 to index
      %swap3A_37 = arith.constant 0 : index
      %swap3A_38 = arith.constant 0 : index
      %swap3A_39 = vector.load %arg15[%swap3A, %swap3A_37, %swap3A_38] : memref<16x96x1xf32, #tpu.memory_space<vmem>>, vector<1x96x1xf32>
      %swap3A_40 = vector.shape_cast %swap3A_39 : vector<1x96x1xf32> to vector<96x1xf32>
      %swap3A_41 = vector.shape_cast %broadcast_in_dim3A_36 : vector<96x1xf32> to vector<1x96x1xf32>
      tpu.vector_store %arg15[%swap3A, %swap3A_37, %swap3A_38], %swap3A_41 {strides = array<i32>} : memref<16x96x1xf32, #tpu.memory_space<vmem>>, vector<1x96x1xf32>,
      %dot_general3A_42 = arith.constant dense<0.000000e+00> : vector<96x256xf32>
      %dot_general3A_43 = tpu.matmul %select_n3A, %get3A_9, %dot_general3A_42 {dimension_numbers = #tpu.dot_dimension_numbers<[1], [0], [0], [1], [0, 0, 1, 1], [], []>, transpose_lhs_hint = false} : vector<96x4096xf32>, vector<4096x256xf32>, vector<96x256xf32> -> vector<96x256xf32>
      %swap3A_44 = arith.index_cast %arg0 : i32 to index
      %swap3A_45 = arith.constant 0 : index
      %swap3A_46 = arith.constant 0 : index
      %swap3A_47 = vector.load %arg14[%swap3A_44, %swap3A_45, %swap3A_46] : memref<16x96x256xf32, #tpu.memory_space<vmem>>, vector<1x96x256xf32>
      %swap3A_48 = vector.shape_cast %swap3A_47 : vector<1x96x256xf32> to vector<96x256xf32>
      %swap3A_49 = vector.shape_cast %dot_general3A_43 : vector<96x256xf32> to vector<1x96x256xf32>
      tpu.vector_store %arg14[%swap3A_44, %swap3A_45, %swap3A_46], %swap3A_49 {strides = array<i32>} : memref<16x96x256xf32, #tpu.memory_space<vmem>>, vector<1x96x256xf32>,
    } else {
    }
    %eq3A = arith.constant 16 : i32
    %eq3A_2 = arith.cmpi eq, %arg0, %eq3A : i32
    %convert_element_type3A_3 = arith.extui %eq3A_2 : i1 to i32
    %cond3A_4 = arith.constant 0 : i32
    %cond3A_5 = arith.cmpi ne, %convert_element_type3A_3, %cond3A_4 : i32
    scf.if %cond3A_5 {
      %iota3A = tpu.iota {dimensions = array<i32: 0>} : vector<32x16xi32>
      %get3A = arith.constant 0 : index
      %get3A_6 = arith.constant 0 : index
      %get3A_7 = vector.load %arg8[%get3A, %get3A_6] : memref<1x16xi32, #tpu.memory_space<vmem>>, vector<1x16xi32>
      %eq3A_8 = vector.broadcast %get3A_7 : vector<1x16xi32> to vector<32x16xi32>
      %eq3A_9 = arith.cmpi eq, %iota3A, %eq3A_8 : vector<32x16xi32>
      %convert_element_type3A_10 = arith.extui %eq3A_9 : vector<32x16xi1> to vector<32x16xi32>
      %convert_element_type3A_11 = arith.sitofp %convert_element_type3A_10 : vector<32x16xi32> to vector<32x16xf32>
      %get3A_12 = arith.constant 0 : index
      %get3A_13 = arith.constant 0 : index
      %get3A_14 = vector.load %arg7[%get3A_12, %get3A_13] : memref<32x96xf32, #tpu.memory_space<vmem>>, vector<32x96xf32>
      %dot_general3A = arith.constant dense<0.000000e+00> : vector<96x16xf32>
      %dot_general3A_15 = tpu.matmul %get3A_14, %convert_element_type3A_11, %dot_general3A {dimension_numbers = #tpu.dot_dimension_numbers<[0], [0], [1], [1], [0, 1, 1, 1], [], []>, transpose_lhs_hint = false} : vector<32x96xf32>, vector<32x16xf32>, vector<96x16xf32> -> vector<96x16xf32>
      %get3A_16 = arith.constant 0 : index
      %get3A_17 = arith.constant 0 : index
      %get3A_18 = arith.constant 0 : index
      %get3A_19 = vector.load %arg15[%get3A_16, %get3A_17, %get3A_18] : memref<16x96x1xf32, #tpu.memory_space<vmem>>, vector<1x96x1xf32>
      %get3A_20 = vector.shape_cast %get3A_19 : vector<1x96x1xf32> to vector<96x1xf32>
      %get3A_21 = arith.constant 1 : index
      %get3A_22 = arith.constant 0 : index
      %get3A_23 = arith.constant 0 : index
      %get3A_24 = vector.load %arg15[%get3A_21, %get3A_22, %get3A_23] : memref<16x96x1xf32, #tpu.memory_space<vmem>>, vector<1x96x1xf32>
      %get3A_25 = vector.shape_cast %get3A_24 : vector<1x96x1xf32> to vector<96x1xf32>
      %get3A_26 = arith.constant 2 : index
      %get3A_27 = arith.constant 0 : index
      %get3A_28 = arith.constant 0 : index
      %get3A_29 = vector.load %arg15[%get3A_26, %get3A_27, %get3A_28] : memref<16x96x1xf32, #tpu.memory_space<vmem>>, vector<1x96x1xf32>
      %get3A_30 = vector.shape_cast %get3A_29 : vector<1x96x1xf32> to vector<96x1xf32>
      %get3A_31 = arith.constant 3 : index
      %get3A_32 = arith.constant 0 : index
      %get3A_33 = arith.constant 0 : index
      %get3A_34 = vector.load %arg15[%get3A_31, %get3A_32, %get3A_33] : memref<16x96x1xf32, #tpu.memory_space<vmem>>, vector<1x96x1xf32>
      %get3A_35 = vector.shape_cast %get3A_34 : vector<1x96x1xf32> to vector<96x1xf32>
      %get3A_36 = arith.constant 4 : index
      %get3A_37 = arith.constant 0 : index
      %get3A_38 = arith.constant 0 : index
      %get3A_39 = vector.load %arg15[%get3A_36, %get3A_37, %get3A_38] : memref<16x96x1xf32, #tpu.memory_space<vmem>>, vector<1x96x1xf32>
      %get3A_40 = vector.shape_cast %get3A_39 : vector<1x96x1xf32> to vector<96x1xf32>
      %get3A_41 = arith.constant 5 : index
      %get3A_42 = arith.constant 0 : index
      %get3A_43 = arith.constant 0 : index
      %get3A_44 = vector.load %arg15[%get3A_41, %get3A_42, %get3A_43] : memref<16x96x1xf32, #tpu.memory_space<vmem>>, vector<1x96x1xf32>
      %get3A_45 = vector.shape_cast %get3A_44 : vector<1x96x1xf32> to vector<96x1xf32>
      %get3A_46 = arith.constant 6 : index
      %get3A_47 = arith.constant 0 : index
      %get3A_48 = arith.constant 0 : index
      %get3A_49 = vector.load %arg15[%get3A_46, %get3A_47, %get3A_48] : memref<16x96x1xf32, #tpu.memory_space<vmem>>, vector<1x96x1xf32>
      %get3A_50 = vector.shape_cast %get3A_49 : vector<1x96x1xf32> to vector<96x1xf32>
      %get3A_51 = arith.constant 7 : index
      %get3A_52 = arith.constant 0 : index
      %get3A_53 = arith.constant 0 : index
      %get3A_54 = vector.load %arg15[%get3A_51, %get3A_52, %get3A_53] : memref<16x96x1xf32, #tpu.memory_space<vmem>>, vector<1x96x1xf32>
      %get3A_55 = vector.shape_cast %get3A_54 : vector<1x96x1xf32> to vector<96x1xf32>
      %get3A_56 = arith.constant 8 : index
      %get3A_57 = arith.constant 0 : index
      %get3A_58 = arith.constant 0 : index
      %get3A_59 = vector.load %arg15[%get3A_56, %get3A_57, %get3A_58] : memref<16x96x1xf32, #tpu.memory_space<vmem>>, vector<1x96x1xf32>
      %get3A_60 = vector.shape_cast %get3A_59 : vector<1x96x1xf32> to vector<96x1xf32>
      %get3A_61 = arith.constant 9 : index
      %get3A_62 = arith.constant 0 : index
      %get3A_63 = arith.constant 0 : index
      %get3A_64 = vector.load %arg15[%get3A_61, %get3A_62, %get3A_63] : memref<16x96x1xf32, #tpu.memory_space<vmem>>, vector<1x96x1xf32>
      %get3A_65 = vector.shape_cast %get3A_64 : vector<1x96x1xf32> to vector<96x1xf32>
      %get3A_66 = arith.constant 10 : index
      %get3A_67 = arith.constant 0 : index
      %get3A_68 = arith.constant 0 : index
      %get3A_69 = vector.load %arg15[%get3A_66, %get3A_67, %get3A_68] : memref<16x96x1xf32, #tpu.memory_space<vmem>>, vector<1x96x1xf32>
      %get3A_70 = vector.shape_cast %get3A_69 : vector<1x96x1xf32> to vector<96x1xf32>
      %get3A_71 = arith.constant 11 : index
      %get3A_72 = arith.constant 0 : index
      %get3A_73 = arith.constant 0 : index
      %get3A_74 = vector.load %arg15[%get3A_71, %get3A_72, %get3A_73] : memref<16x96x1xf32, #tpu.memory_space<vmem>>, vector<1x96x1xf32>
      %get3A_75 = vector.shape_cast %get3A_74 : vector<1x96x1xf32> to vector<96x1xf32>
      %get3A_76 = arith.constant 12 : index
      %get3A_77 = arith.constant 0 : index
      %get3A_78 = arith.constant 0 : index
      %get3A_79 = vector.load %arg15[%get3A_76, %get3A_77, %get3A_78] : memref<16x96x1xf32, #tpu.memory_space<vmem>>, vector<1x96x1xf32>
      %get3A_80 = vector.shape_cast %get3A_79 : vector<1x96x1xf32> to vector<96x1xf32>
      %get3A_81 = arith.constant 13 : index
      %get3A_82 = arith.constant 0 : index
      %get3A_83 = arith.constant 0 : index
      %get3A_84 = vector.load %arg15[%get3A_81, %get3A_82, %get3A_83] : memref<16x96x1xf32, #tpu.memory_space<vmem>>, vector<1x96x1xf32>
      %get3A_85 = vector.shape_cast %get3A_84 : vector<1x96x1xf32> to vector<96x1xf32>
      %get3A_86 = arith.constant 14 : index
      %get3A_87 = arith.constant 0 : index
      %get3A_88 = arith.constant 0 : index
      %get3A_89 = vector.load %arg15[%get3A_86, %get3A_87, %get3A_88] : memref<16x96x1xf32, #tpu.memory_space<vmem>>, vector<1x96x1xf32>
      %get3A_90 = vector.shape_cast %get3A_89 : vector<1x96x1xf32> to vector<96x1xf32>
      %get3A_91 = arith.constant 15 : index
      %get3A_92 = arith.constant 0 : index
      %get3A_93 = arith.constant 0 : index
      %get3A_94 = vector.load %arg15[%get3A_91, %get3A_92, %get3A_93] : memref<16x96x1xf32, #tpu.memory_space<vmem>>, vector<1x96x1xf32>
      %get3A_95 = vector.shape_cast %get3A_94 : vector<1x96x1xf32> to vector<96x1xf32>
      %concatenate3A = tpu.concatenate %get3A_20, %get3A_25, %get3A_30, %get3A_35, %get3A_40, %get3A_45, %get3A_50, %get3A_55, %get3A_60, %get3A_65, %get3A_70, %get3A_75, %get3A_80, %get3A_85, %get3A_90, %get3A_95 in 1 : vector<96x1xf32>, vector<96x1xf32>, vector<96x1xf32>, vector<96x1xf32>, vector<96x1xf32>, vector<96x1xf32>, vector<96x1xf32>, vector<96x1xf32>, vector<96x1xf32>, vector<96x1xf32>, vector<96x1xf32>, vector<96x1xf32>, vector<96x1xf32>, vector<96x1xf32>, vector<96x1xf32>, vector<96x1xf32> -> vector<96x16xf32>
      %gt3A = arith.constant 0.000000e+00 : f32
      %gt3A_96 = vector.broadcast %gt3A : f32 to vector<96x16xf32>
      %gt3A_97 = arith.cmpf ogt, %concatenate3A, %gt3A_96 : vector<96x16xf32>
      %mul3A = arith.constant 1.000000e-01 : f32
      %mul3A_98 = vector.broadcast %mul3A : f32 to vector<96x16xf32>
      %mul3A_99 = arith.mulf %mul3A_98, %dot_general3A_15 : vector<96x16xf32>
      %add3A = arith.constant 1.000000e+00 : f32
      %add3A_100 = vector.broadcast %add3A : f32 to vector<96x16xf32>
      %add3A_101 = arith.addf %add3A_100, %mul3A_99 : vector<96x16xf32>
      %jit3A = arith.constant 1.000000e+00 : f32
      %broadcast_in_dim3A = vector.broadcast %jit3A : f32 to vector<96x16xf32>
      %select_n3A = arith.select %gt3A_97, %concatenate3A, %broadcast_in_dim3A : vector<96x16xi1>, vector<96x16xf32>
      %div3A = arith.divf %add3A_101, %select_n3A : vector<96x16xf32>
      %jit3A_102 = arith.constant 0.000000e+00 : f32
      %broadcast_in_dim3A_103 = vector.broadcast %jit3A_102 : f32 to vector<96x16xf32>
      %select_n3A_104 = arith.select %gt3A_97, %div3A, %broadcast_in_dim3A_103 : vector<96x16xi1>, vector<96x16xf32>
      %reduce_sum3A = arith.constant dense<0.000000e+00> : vector<96xf32>
      %reduce_sum3A_105 = vector.multi_reduction <add>, %concatenate3A, %reduce_sum3A [1] : vector<96x16xf32> to vector<96xf32>
      %broadcast_in_dim3A_106 = vector.shape_cast %reduce_sum3A_105 : vector<96xf32> to vector<96x1xf32>
      %gt3A_107 = arith.constant 0.000000e+00 : f32
      %gt3A_108 = vector.broadcast %gt3A_107 : f32 to vector<96x1xf32>
      %gt3A_109 = arith.cmpf ogt, %broadcast_in_dim3A_106, %gt3A_108 : vector<96x1xf32>
      %get3A_110 = arith.constant 0 : index
      %get3A_111 = arith.constant 0 : index
      %get3A_112 = arith.constant 0 : index
      %get3A_113 = vector.load %arg14[%get3A_110, %get3A_111, %get3A_112] : memref<16x96x256xf32, #tpu.memory_space<vmem>>, vector<1x96x256xf32>
      %get3A_114 = vector.shape_cast %get3A_113 : vector<1x96x256xf32> to vector<96x256xf32>
      %slice3A = vector.extract_strided_slice %select_n3A_104 {offsets = [0, 0], sizes = [96, 1], strides = [1, 1]} : vector<96x16xf32> to vector<96x1xf32>
      %mul3A_115 = vector.broadcast %slice3A : vector<96x1xf32> to vector<96x256xf32>
      %mul3A_116 = arith.mulf %get3A_114, %mul3A_115 : vector<96x256xf32>
      %get3A_117 = arith.constant 1 : index
      %get3A_118 = arith.constant 0 : index
      %get3A_119 = arith.constant 0 : index
      %get3A_120 = vector.load %arg14[%get3A_117, %get3A_118, %get3A_119] : memref<16x96x256xf32, #tpu.memory_space<vmem>>, vector<1x96x256xf32>
      %get3A_121 = vector.shape_cast %get3A_120 : vector<1x96x256xf32> to vector<96x256xf32>
      %slice3A_122 = vector.extract_strided_slice %select_n3A_104 {offsets = [0, 1], sizes = [96, 1], strides = [1, 1]} : vector<96x16xf32> to vector<96x1xf32>
      %mul3A_123 = vector.broadcast %slice3A_122 : vector<96x1xf32> to vector<96x256xf32>
      %mul3A_124 = arith.mulf %get3A_121, %mul3A_123 : vector<96x256xf32>
      %get3A_125 = arith.constant 2 : index
      %get3A_126 = arith.constant 0 : index
      %get3A_127 = arith.constant 0 : index
      %get3A_128 = vector.load %arg14[%get3A_125, %get3A_126, %get3A_127] : memref<16x96x256xf32, #tpu.memory_space<vmem>>, vector<1x96x256xf32>
      %get3A_129 = vector.shape_cast %get3A_128 : vector<1x96x256xf32> to vector<96x256xf32>
      %slice3A_130 = vector.extract_strided_slice %select_n3A_104 {offsets = [0, 2], sizes = [96, 1], strides = [1, 1]} : vector<96x16xf32> to vector<96x1xf32>
      %mul3A_131 = vector.broadcast %slice3A_130 : vector<96x1xf32> to vector<96x256xf32>
      %mul3A_132 = arith.mulf %get3A_129, %mul3A_131 : vector<96x256xf32>
      %get3A_133 = arith.constant 3 : index
      %get3A_134 = arith.constant 0 : index
      %get3A_135 = arith.constant 0 : index
      %get3A_136 = vector.load %arg14[%get3A_133, %get3A_134, %get3A_135] : memref<16x96x256xf32, #tpu.memory_space<vmem>>, vector<1x96x256xf32>
      %get3A_137 = vector.shape_cast %get3A_136 : vector<1x96x256xf32> to vector<96x256xf32>
      %slice3A_138 = vector.extract_strided_slice %select_n3A_104 {offsets = [0, 3], sizes = [96, 1], strides = [1, 1]} : vector<96x16xf32> to vector<96x1xf32>
      %mul3A_139 = vector.broadcast %slice3A_138 : vector<96x1xf32> to vector<96x256xf32>
      %mul3A_140 = arith.mulf %get3A_137, %mul3A_139 : vector<96x256xf32>
      %get3A_141 = arith.constant 4 : index
      %get3A_142 = arith.constant 0 : index
      %get3A_143 = arith.constant 0 : index
      %get3A_144 = vector.load %arg14[%get3A_141, %get3A_142, %get3A_143] : memref<16x96x256xf32, #tpu.memory_space<vmem>>, vector<1x96x256xf32>
      %get3A_145 = vector.shape_cast %get3A_144 : vector<1x96x256xf32> to vector<96x256xf32>
      %slice3A_146 = vector.extract_strided_slice %select_n3A_104 {offsets = [0, 4], sizes = [96, 1], strides = [1, 1]} : vector<96x16xf32> to vector<96x1xf32>
      %mul3A_147 = vector.broadcast %slice3A_146 : vector<96x1xf32> to vector<96x256xf32>
      %mul3A_148 = arith.mulf %get3A_145, %mul3A_147 : vector<96x256xf32>
      %get3A_149 = arith.constant 5 : index
      %get3A_150 = arith.constant 0 : index
      %get3A_151 = arith.constant 0 : index
      %get3A_152 = vector.load %arg14[%get3A_149, %get3A_150, %get3A_151] : memref<16x96x256xf32, #tpu.memory_space<vmem>>, vector<1x96x256xf32>
      %get3A_153 = vector.shape_cast %get3A_152 : vector<1x96x256xf32> to vector<96x256xf32>
      %slice3A_154 = vector.extract_strided_slice %select_n3A_104 {offsets = [0, 5], sizes = [96, 1], strides = [1, 1]} : vector<96x16xf32> to vector<96x1xf32>
      %mul3A_155 = vector.broadcast %slice3A_154 : vector<96x1xf32> to vector<96x256xf32>
      %mul3A_156 = arith.mulf %get3A_153, %mul3A_155 : vector<96x256xf32>
      %get3A_157 = arith.constant 6 : index
      %get3A_158 = arith.constant 0 : index
      %get3A_159 = arith.constant 0 : index
      %get3A_160 = vector.load %arg14[%get3A_157, %get3A_158, %get3A_159] : memref<16x96x256xf32, #tpu.memory_space<vmem>>, vector<1x96x256xf32>
      %get3A_161 = vector.shape_cast %get3A_160 : vector<1x96x256xf32> to vector<96x256xf32>
      %slice3A_162 = vector.extract_strided_slice %select_n3A_104 {offsets = [0, 6], sizes = [96, 1], strides = [1, 1]} : vector<96x16xf32> to vector<96x1xf32>
      %mul3A_163 = vector.broadcast %slice3A_162 : vector<96x1xf32> to vector<96x256xf32>
      %mul3A_164 = arith.mulf %get3A_161, %mul3A_163 : vector<96x256xf32>
      %get3A_165 = arith.constant 7 : index
      %get3A_166 = arith.constant 0 : index
      %get3A_167 = arith.constant 0 : index
      %get3A_168 = vector.load %arg14[%get3A_165, %get3A_166, %get3A_167] : memref<16x96x256xf32, #tpu.memory_space<vmem>>, vector<1x96x256xf32>
      %get3A_169 = vector.shape_cast %get3A_168 : vector<1x96x256xf32> to vector<96x256xf32>
      %slice3A_170 = vector.extract_strided_slice %select_n3A_104 {offsets = [0, 7], sizes = [96, 1], strides = [1, 1]} : vector<96x16xf32> to vector<96x1xf32>
      %mul3A_171 = vector.broadcast %slice3A_170 : vector<96x1xf32> to vector<96x256xf32>
      %mul3A_172 = arith.mulf %get3A_169, %mul3A_171 : vector<96x256xf32>
      %get3A_173 = arith.constant 8 : index
      %get3A_174 = arith.constant 0 : index
      %get3A_175 = arith.constant 0 : index
      %get3A_176 = vector.load %arg14[%get3A_173, %get3A_174, %get3A_175] : memref<16x96x256xf32, #tpu.memory_space<vmem>>, vector<1x96x256xf32>
      %get3A_177 = vector.shape_cast %get3A_176 : vector<1x96x256xf32> to vector<96x256xf32>
      %slice3A_178 = vector.extract_strided_slice %select_n3A_104 {offsets = [0, 8], sizes = [96, 1], strides = [1, 1]} : vector<96x16xf32> to vector<96x1xf32>
      %mul3A_179 = vector.broadcast %slice3A_178 : vector<96x1xf32> to vector<96x256xf32>
      %mul3A_180 = arith.mulf %get3A_177, %mul3A_179 : vector<96x256xf32>
      %get3A_181 = arith.constant 9 : index
      %get3A_182 = arith.constant 0 : index
      %get3A_183 = arith.constant 0 : index
      %get3A_184 = vector.load %arg14[%get3A_181, %get3A_182, %get3A_183] : memref<16x96x256xf32, #tpu.memory_space<vmem>>, vector<1x96x256xf32>
      %get3A_185 = vector.shape_cast %get3A_184 : vector<1x96x256xf32> to vector<96x256xf32>
      %slice3A_186 = vector.extract_strided_slice %select_n3A_104 {offsets = [0, 9], sizes = [96, 1], strides = [1, 1]} : vector<96x16xf32> to vector<96x1xf32>
      %mul3A_187 = vector.broadcast %slice3A_186 : vector<96x1xf32> to vector<96x256xf32>
      %mul3A_188 = arith.mulf %get3A_185, %mul3A_187 : vector<96x256xf32>
      %get3A_189 = arith.constant 10 : index
      %get3A_190 = arith.constant 0 : index
      %get3A_191 = arith.constant 0 : index
      %get3A_192 = vector.load %arg14[%get3A_189, %get3A_190, %get3A_191] : memref<16x96x256xf32, #tpu.memory_space<vmem>>, vector<1x96x256xf32>
      %get3A_193 = vector.shape_cast %get3A_192 : vector<1x96x256xf32> to vector<96x256xf32>
      %slice3A_194 = vector.extract_strided_slice %select_n3A_104 {offsets = [0, 10], sizes = [96, 1], strides = [1, 1]} : vector<96x16xf32> to vector<96x1xf32>
      %mul3A_195 = vector.broadcast %slice3A_194 : vector<96x1xf32> to vector<96x256xf32>
      %mul3A_196 = arith.mulf %get3A_193, %mul3A_195 : vector<96x256xf32>
      %get3A_197 = arith.constant 11 : index
      %get3A_198 = arith.constant 0 : index
      %get3A_199 = arith.constant 0 : index
      %get3A_200 = vector.load %arg14[%get3A_197, %get3A_198, %get3A_199] : memref<16x96x256xf32, #tpu.memory_space<vmem>>, vector<1x96x256xf32>
      %get3A_201 = vector.shape_cast %get3A_200 : vector<1x96x256xf32> to vector<96x256xf32>
      %slice3A_202 = vector.extract_strided_slice %select_n3A_104 {offsets = [0, 11], sizes = [96, 1], strides = [1, 1]} : vector<96x16xf32> to vector<96x1xf32>
      %mul3A_203 = vector.broadcast %slice3A_202 : vector<96x1xf32> to vector<96x256xf32>
      %mul3A_204 = arith.mulf %get3A_201, %mul3A_203 : vector<96x256xf32>
      %get3A_205 = arith.constant 12 : index
      %get3A_206 = arith.constant 0 : index
      %get3A_207 = arith.constant 0 : index
      %get3A_208 = vector.load %arg14[%get3A_205, %get3A_206, %get3A_207] : memref<16x96x256xf32, #tpu.memory_space<vmem>>, vector<1x96x256xf32>
      %get3A_209 = vector.shape_cast %get3A_208 : vector<1x96x256xf32> to vector<96x256xf32>
      %slice3A_210 = vector.extract_strided_slice %select_n3A_104 {offsets = [0, 12], sizes = [96, 1], strides = [1, 1]} : vector<96x16xf32> to vector<96x1xf32>
      %mul3A_211 = vector.broadcast %slice3A_210 : vector<96x1xf32> to vector<96x256xf32>
      %mul3A_212 = arith.mulf %get3A_209, %mul3A_211 : vector<96x256xf32>
      %get3A_213 = arith.constant 13 : index
      %get3A_214 = arith.constant 0 : index
      %get3A_215 = arith.constant 0 : index
      %get3A_216 = vector.load %arg14[%get3A_213, %get3A_214, %get3A_215] : memref<16x96x256xf32, #tpu.memory_space<vmem>>, vector<1x96x256xf32>
      %get3A_217 = vector.shape_cast %get3A_216 : vector<1x96x256xf32> to vector<96x256xf32>
      %slice3A_218 = vector.extract_strided_slice %select_n3A_104 {offsets = [0, 13], sizes = [96, 1], strides = [1, 1]} : vector<96x16xf32> to vector<96x1xf32>
      %mul3A_219 = vector.broadcast %slice3A_218 : vector<96x1xf32> to vector<96x256xf32>
      %mul3A_220 = arith.mulf %get3A_217, %mul3A_219 : vector<96x256xf32>
      %get3A_221 = arith.constant 14 : index
      %get3A_222 = arith.constant 0 : index
      %get3A_223 = arith.constant 0 : index
      %get3A_224 = vector.load %arg14[%get3A_221, %get3A_222, %get3A_223] : memref<16x96x256xf32, #tpu.memory_space<vmem>>, vector<1x96x256xf32>
      %get3A_225 = vector.shape_cast %get3A_224 : vector<1x96x256xf32> to vector<96x256xf32>
      %slice3A_226 = vector.extract_strided_slice %select_n3A_104 {offsets = [0, 14], sizes = [96, 1], strides = [1, 1]} : vector<96x16xf32> to vector<96x1xf32>
      %mul3A_227 = vector.broadcast %slice3A_226 : vector<96x1xf32> to vector<96x256xf32>
      %mul3A_228 = arith.mulf %get3A_225, %mul3A_227 : vector<96x256xf32>
      %get3A_229 = arith.constant 15 : index
      %get3A_230 = arith.constant 0 : index
      %get3A_231 = arith.constant 0 : index
      %get3A_232 = vector.load %arg14[%get3A_229, %get3A_230, %get3A_231] : memref<16x96x256xf32, #tpu.memory_space<vmem>>, vector<1x96x256xf32>
      %get3A_233 = vector.shape_cast %get3A_232 : vector<1x96x256xf32> to vector<96x256xf32>
      %slice3A_234 = vector.extract_strided_slice %select_n3A_104 {offsets = [0, 15], sizes = [96, 1], strides = [1, 1]} : vector<96x16xf32> to vector<96x1xf32>
      %mul3A_235 = vector.broadcast %slice3A_234 : vector<96x1xf32> to vector<96x256xf32>
      %mul3A_236 = arith.mulf %get3A_233, %mul3A_235 : vector<96x256xf32>
      %concatenate3A_237 = tpu.concatenate %mul3A_116, %mul3A_124, %mul3A_132, %mul3A_140, %mul3A_148, %mul3A_156, %mul3A_164, %mul3A_172, %mul3A_180, %mul3A_188, %mul3A_196, %mul3A_204, %mul3A_212, %mul3A_220, %mul3A_228, %mul3A_236 in 0 : vector<96x256xf32>, vector<96x256xf32>, vector<96x256xf32>, vector<96x256xf32>, vector<96x256xf32>, vector<96x256xf32>, vector<96x256xf32>, vector<96x256xf32>, vector<96x256xf32>, vector<96x256xf32>, vector<96x256xf32>, vector<96x256xf32>, vector<96x256xf32>, vector<96x256xf32>, vector<96x256xf32>, vector<96x256xf32> -> vector<1536x256xf32>
      %get3A_238 = arith.constant 0 : index
      %get3A_239 = arith.constant 0 : index
      %get3A_240 = vector.load %arg9[%get3A_238, %get3A_239] : memref<256x256xf32, #tpu.memory_space<vmem>>, vector<256x256xf32>
      %dot_general3A_241 = arith.constant dense<0.000000e+00> : vector<1536x256xf32>
      %dot_general3A_242 = tpu.matmul %concatenate3A_237, %get3A_240, %dot_general3A_241 {dimension_numbers = #tpu.dot_dimension_numbers<[1], [0], [0], [1], [0, 0, 1, 1], [], []>, transpose_lhs_hint = false} : vector<1536x256xf32>, vector<256x256xf32>, vector<1536x256xf32> -> vector<1536x256xf32>
      %get3A_243 = arith.constant 0 : index
      %get3A_244 = arith.constant 0 : index
      %get3A_245 = vector.load %arg10[%get3A_243, %get3A_244] : memref<1x256xf32, #tpu.memory_space<vmem>>, vector<1x256xf32>
      %add3A_246 = vector.broadcast %get3A_245 : vector<1x256xf32> to vector<1536x256xf32>
      %add3A_247 = arith.addf %dot_general3A_242, %add3A_246 : vector<1536x256xf32>
      %reduce_sum3A_248 = arith.constant dense<0.000000e+00> : vector<1536xf32>
      %reduce_sum3A_249 = vector.multi_reduction <add>, %add3A_247, %reduce_sum3A_248 [1] : vector<1536x256xf32> to vector<1536xf32>
      %broadcast_in_dim3A_250 = vector.shape_cast %reduce_sum3A_249 : vector<1536xf32> to vector<1536x1xf32>
      %div3A_251 = arith.constant 2.560000e+02 : f32
      %div3A_252 = vector.broadcast %div3A_251 : f32 to vector<1536x1xf32>
      %div3A_253 = arith.divf %broadcast_in_dim3A_250, %div3A_252 : vector<1536x1xf32>
      %sub3A = vector.broadcast %div3A_253 : vector<1536x1xf32> to vector<1536x256xf32>
      %sub3A_254 = arith.subf %add3A_247, %sub3A : vector<1536x256xf32>
      %mul3A_255 = arith.mulf %sub3A_254, %sub3A_254 : vector<1536x256xf32>
      %reduce_sum3A_256 = arith.constant dense<0.000000e+00> : vector<1536xf32>
      %reduce_sum3A_257 = vector.multi_reduction <add>, %mul3A_255, %reduce_sum3A_256 [1] : vector<1536x256xf32> to vector<1536xf32>
      %broadcast_in_dim3A_258 = vector.shape_cast %reduce_sum3A_257 : vector<1536xf32> to vector<1536x1xf32>
      %div3A_259 = arith.constant 2.560000e+02 : f32
      %div3A_260 = vector.broadcast %div3A_259 : f32 to vector<1536x1xf32>
      %div3A_261 = arith.divf %broadcast_in_dim3A_258, %div3A_260 : vector<1536x1xf32>
      %add3A_262 = arith.constant 9.99999974E-6 : f32
      %add3A_263 = vector.broadcast %add3A_262 : f32 to vector<1536x1xf32>
      %add3A_264 = arith.addf %div3A_261, %add3A_263 : vector<1536x1xf32>
      %rsqrt3A = math.rsqrt %add3A_264 : vector<1536x1xf32>
      %mul3A_265 = vector.broadcast %rsqrt3A : vector<1536x1xf32> to vector<1536x256xf32>
      %mul3A_266 = arith.mulf %sub3A_254, %mul3A_265 : vector<1536x256xf32>
      %get3A_267 = arith.constant 0 : index
      %get3A_268 = arith.constant 0 : index
      %get3A_269 = vector.load %arg11[%get3A_267, %get3A_268] : memref<1x256xf32, #tpu.memory_space<vmem>>, vector<1x256xf32>
      %mul3A_270 = vector.broadcast %get3A_269 : vector<1x256xf32> to vector<1536x256xf32>
      %mul3A_271 = arith.mulf %mul3A_266, %mul3A_270 : vector<1536x256xf32>
      %get3A_272 = arith.constant 0 : index
      %get3A_273 = arith.constant 0 : index
      %get3A_274 = vector.load %arg12[%get3A_272, %get3A_273] : memref<1x256xf32, #tpu.memory_space<vmem>>, vector<1x256xf32>
      %add3A_275 = vector.broadcast %get3A_274 : vector<1x256xf32> to vector<1536x256xf32>
      %add3A_276 = arith.addf %mul3A_271, %add3A_275 : vector<1536x256xf32>
      %gt3A_277 = arith.constant 0.000000e+00 : f32
      %gt3A_278 = vector.broadcast %gt3A_277 : f32 to vector<1536x256xf32>
      %gt3A_279 = arith.cmpf ogt, %add3A_276, %gt3A_278 : vector<1536x256xf32>
      %min3A = arith.constant 0.000000e+00 : f32
      %min3A_280 = vector.broadcast %min3A : f32 to vector<1536x256xf32>
      %min3A_281 = arith.minimumf %add3A_276, %min3A_280 : vector<1536x256xf32>
      %exp3A = math.exp %min3A_281 : vector<1536x256xf32>
      %sub3A_282 = arith.constant 1.000000e+00 : f32
      %sub3A_283 = vector.broadcast %sub3A_282 : f32 to vector<1536x256xf32>
      %sub3A_284 = arith.subf %exp3A, %sub3A_283 : vector<1536x256xf32>
      %select_n3A_285 = arith.select %gt3A_279, %add3A_276, %sub3A_284 : vector<1536x256xi1>, vector<1536x256xf32>
      %concatenate3A_286 = tpu.concatenate %gt3A_109, %gt3A_109, %gt3A_109, %gt3A_109, %gt3A_109, %gt3A_109, %gt3A_109, %gt3A_109, %gt3A_109, %gt3A_109, %gt3A_109, %gt3A_109, %gt3A_109, %gt3A_109, %gt3A_109, %gt3A_109 in 0 : vector<96x1xi1>, vector<96x1xi1>, vector<96x1xi1>, vector<96x1xi1>, vector<96x1xi1>, vector<96x1xi1>, vector<96x1xi1>, vector<96x1xi1>, vector<96x1xi1>, vector<96x1xi1>, vector<96x1xi1>, vector<96x1xi1>, vector<96x1xi1>, vector<96x1xi1>, vector<96x1xi1>, vector<96x1xi1> -> vector<1536x1xi1>
      %jit3A_287 = arith.constant 0.000000e+00 : f32
      %broadcast_in_dim3A_288 = vector.shape_cast %concatenate3A_286 : vector<1536x1xi1> to vector<1536x1xi1>
      %broadcast_in_dim3A_289 = vector.broadcast %broadcast_in_dim3A_288 : vector<1536x1xi1> to vector<1536x256xi1>
      %broadcast_in_dim3A_290 = vector.broadcast %jit3A_287 : f32 to vector<1536x256xf32>
      %select_n3A_291 = arith.select %broadcast_in_dim3A_289, %select_n3A_285, %broadcast_in_dim3A_290 : vector<1536x256xi1>, vector<1536x256xf32>
      %reshape3A = vector.shape_cast %select_n3A_291 : vector<1536x256xf32> to vector<16x96x256xf32>
      %swap3A = arith.constant 0 : index
      %swap3A_292 = arith.constant 0 : index
      %swap3A_293 = arith.constant 0 : index
      %swap3A_294 = vector.load %arg13[%swap3A, %swap3A_292, %swap3A_293] : memref<16x96x256xf32, #tpu.memory_space<vmem>>, vector<16x96x256xf32>
      tpu.vector_store %arg13[%swap3A, %swap3A_292, %swap3A_293], %reshape3A {strides = array<i32>} : memref<16x96x256xf32, #tpu.memory_space<vmem>>, vector<16x96x256xf32>,
    } else {
    }
    return
  }
  func.func @transform_0(%arg0: i32) -> (i32, i32, i32) {
    %min3A = arith.constant 15 : i32
    %min3A_0 = arith.minsi %arg0, %min3A : i32
    %c0_i32 = arith.constant 0 : i32
    %c0_i32_1 = arith.constant 0 : i32
    %c0_i32_2 = arith.constant 0 : i32
    return %min3A_0, %c0_i32, %c0_i32_1 : i32, i32, i32
  }
  func.func @transform_1(%arg0: i32) -> (i32, i32) {
    %c0_i32 = arith.constant 0 : i32
    %c0_i32_0 = arith.constant 0 : i32
    %c0_i32_1 = arith.constant 0 : i32
    return %c0_i32, %c0_i32_0 : i32, i32
  }
  func.func @transform_2(%arg0: i32) -> (i32, i32) {
    %c0_i32 = arith.constant 0 : i32
    %c0_i32_0 = arith.constant 0 : i32
    %c0_i32_1 = arith.constant 0 : i32
    return %c0_i32, %c0_i32_0 : i32, i32
  }
  func.func @transform_3(%arg0: i32) -> (i32, i32) {
    %c0_i32 = arith.constant 0 : i32
    %c0_i32_0 = arith.constant 0 : i32
    %c0_i32_1 = arith.constant 0 : i32
    return %c0_i32, %c0_i32_0 : i32, i32
  }
  func.func @transform_4(%arg0: i32) -> (i32, i32) {
    %c0_i32 = arith.constant 0 : i32
    %c0_i32_0 = arith.constant 0 : i32
    %c0_i32_1 = arith.constant 0 : i32
    return %c0_i32, %c0_i32_0 : i32, i32
  }
  func.func @transform_5(%arg0: i32) -> (i32, i32) {
    %c0_i32 = arith.constant 0 : i32
    %c0_i32_0 = arith.constant 0 : i32
    %c0_i32_1 = arith.constant 0 : i32
    return %c0_i32, %c0_i32_0 : i32, i32
  }
  func.func @transform_6(%arg0: i32) -> (i32, i32) {
    %c0_i32 = arith.constant 0 : i32
    %c0_i32_0 = arith.constant 0 : i32
    %c0_i32_1 = arith.constant 0 : i32
    return %c0_i32, %c0_i32_0 : i32, i32
  }
  func.func @transform_7(%arg0: i32) -> (i32, i32) {
    %c0_i32 = arith.constant 0 : i32
    %c0_i32_0 = arith.constant 0 : i32
    %c0_i32_1 = arith.constant 0 : i32
    return %c0_i32, %c0_i32_0 : i32, i32
  }
  func.func @transform_8(%arg0: i32) -> (i32, i32) {
    %c0_i32 = arith.constant 0 : i32
    %c0_i32_0 = arith.constant 0 : i32
    %c0_i32_1 = arith.constant 0 : i32
    return %c0_i32, %c0_i32_0 : i32, i32
  }
  func.func @transform_9(%arg0: i32) -> (i32, i32) {
    %c0_i32 = arith.constant 0 : i32
    %c0_i32_0 = arith.constant 0 : i32
    %c0_i32_1 = arith.constant 0 : i32
    return %c0_i32, %c0_i32_0 : i32, i32
  }
  func.func @transform_10(%arg0: i32) -> (i32, i32) {
    %c0_i32 = arith.constant 0 : i32
    %c0_i32_0 = arith.constant 0 : i32
    %c0_i32_1 = arith.constant 0 : i32
    return %c0_i32, %c0_i32_0 : i32, i32
  }
  func.func @transform_11(%arg0: i32) -> (i32, i32) {
    %c0_i32 = arith.constant 0 : i32
    %c0_i32_0 = arith.constant 0 : i32
    %c0_i32_1 = arith.constant 0 : i32
    return %c0_i32, %c0_i32_0 : i32, i32
  }
  func.func @transform_12(%arg0: i32) -> (i32, i32, i32) {
    %c0_i32 = arith.constant 0 : i32
    %c0_i32_0 = arith.constant 0 : i32
    %c0_i32_1 = arith.constant 0 : i32
    %c0_i32_2 = arith.constant 0 : i32
    return %c0_i32, %c0_i32_0, %c0_i32_1 : i32, i32, i32
  }
}

</mosaic_0001>

<sc_bundles>
// kernel: kernel.4.cloned.1.call-start
scs
__scs_entry_jumppad:
0x0: {  	(pc) =	sbr.rel $0x88, $3  }
0x1: {  	(tag) =	ssettag $0x0;
	lr =	simm.s32 $0x1  }
0x2: {  	[smem:$0x3F94] =	sst lr;
	_ =	strace $0xD0000000  }
0x3: {  	_ = 	snop  }
0x4: {  	_ = 	snop  }
0x5: {  	_ = 	snop  }
0x6: {  	_ = 	snop  }
0x7: {  	_ = 	snop  }
__scs_overlays_trampoline_lowered:
0x8: {  	[smem:$0x3FA3] =	sst s0  }
0x9: {  	[smem:$0x3FA4] =	sst s1  }
0xa: {  	[smem:$0x3FA5] =	sst s2  }
0xb: {  	[smem:$0x3FA6] =	sst s3  }
0xc: {  	[smem:$0x3FA7] =	sst s4  }
0xd: {  	[smem:$0x3FA8] =	sst s5  }
0xe: {  	[smem:$0x3FA9] =	sst s6  }
0xf: {  	[smem:$0x3FAA] =	sst s7  }
0x10: {  	[smem:$0x3FAB] =	sst s8  }
0x11: {  	[smem:$0x3FAC] =	sst s9;
	s0 =	simm.s32 @!p0 $0x0  }
0x12: {  	s1 =	sld [smem:$0x3F92];
	s0 =	simm.s32 @p0 $0x1  }
0x13: {  	[smem:$0x3FAD] =	sst s0;
	s0 =	simm.s32 @!p1 $0x0  }
0x14: {  	s2 =	sld [smem:$0x3F91];
	s0 =	simm.s32 @p1 $0x1  }
0x15: {  	[smem:$0x3FAE] =	sst s0;
	s0 =	simm.s32 @!p2 $0x0  }
0x16: {  	s3 =	sld [smem:$0x3FDB];
	s0 =	simm.s32 @p2 $0x1  }
0x17: {  	s4 =	simm.s32 $0x1BF5;
	[smem:$0x3FB0] =	sst s0  }
0x18: {  	s0 =	sld [smem:$0x3F93];
	_ =	swait.ge [sflag:s4], $0x0  }
0x19: {  	s7 =	sld [smem:$0x3F94]  }
0x1a: {  	s8 =	sadd.s32 $0xFFFFE003, lr  }
0x1b: {  	s9 =	sadd.s32 $0xFFFFFEF7, lr;
	s5 =	simm.s32 $0xFFFFFFFF;
	p2 =	slt.u32 s8, $0xFFFFF086  }
0x1c: {  	p1 =	slt.u32 s9, $0xF7A;
	s5 =	simm.s32 @!p2 $0x0  }
0x1d: {  	s5 =	simm.s32 @p1 $0x1;
	p0 =	seq.s32 s7, s2  }
0x1e: {  	s7 =	smul.u32 @!p0 $0xF7A, s2;
	p2 =	seq.s32 @!p0 s5, $0x0  }
0x1f: {  	s9 =	smul.u32 $0xF7A, s1;
	s8 =	simm.s32 @!p0 $0x1BF5;
	p2 =	por !p2, p0  }
0x20: {  	[sflag:s8] =	ssyncset.s32 @!p0 $0xFFFFF086;
	s6 =	sadd.s32 @!p0 s3, s7;
	s7 =	simm.s32 @!p0 $0x108  }
0x21: {  	s3 =	sadd.s32 s3, s9;
	s6 =	sadd.s32 @!p0 $0x88, s6;
	s7 =	simm.s32 @p2 $0x1082  }
0x22: {  	[simem:s7], [sflag:s8] =	dma.local @!p0 [hbm:s6], $0xF7A  }
0x23: {  	s9 =	sor.u32 $0xD0000000, s2;
	s6 =	simm.s32 $0x108;
	_ =	swait.ge @!p0 [sflag:s8], $0x0  }
0x24: {  	s3 =	sadd.s32 $0x88, s3;
	s6 =	simm.s32 @!p1 $0x1082;
	[sflag:s4] =	ssyncset.s32 $0xFFFFF086  }
0x25: {  	[simem:s6], [sflag:s4] =	dma.local [hbm:s3], $0xF7A  }
0x26: {  	[smem:$0x3F94] =	sst s1;
	(tag) =	ssettag s2;
	_ =	strace s9  }
0x27: {  	s1 =	sld [smem:$0x3FA4]  }
0x28: {  	s2 =	sld [smem:$0x3FA5]  }
0x29: {  	s4 =	sld [smem:$0x3FA7]  }
0x2a: {  	p0 =	seq.s32 s5, $0x0;
	s5 =	sld [smem:$0x3FA8]  }
0x2b: {  	s6 =	sld [smem:$0x3FA9]  }
0x2c: {  	s7 =	sld [smem:$0x3FAA]  }
0x2d: {  	s3 =	simm.s32 $0x108;
	s8 =	sld [smem:$0x3FAB]  }
0x2e: {  	s3 =	simm.s32 @!p0 $0x1082;
	s9 =	sld [smem:$0x3FAC]  }
0x2f: {  	lr =	sadd.s32 s0, s3;
	s0 =	sld [smem:$0x3FA3]  }
0x30: {  	s3 =	sld [smem:$0x3FA6]  }
0x31: {  	[smem:$0x3FAF] =	sst s10  }
0x32: {  	s10 =	sld [smem:$0x3FAD];
	_ =	sdelay $0x3  }
0x33: {  	p0 =	seq.s32 s10, $0x1;
	s10 =	sld [smem:$0x3FAF];
	_ =	sdelay $0x3  }
0x34: {  	[smem:$0x3FAF] =	sst s10  }
0x35: {  	s10 =	sld [smem:$0x3FAE];
	_ =	sdelay $0x3  }
0x36: {  	p1 =	seq.s32 s10, $0x1;
	s10 =	sld [smem:$0x3FAF];
	_ =	sdelay $0x3  }
0x37: {  	[smem:$0x3FAF] =	sst s10  }
0x38: {  	s10 =	sld [smem:$0x3FB0]  }
0x39: {  	_ = 	snop;
	(pc) =	sbr.ind lr, $3  }
0x3a: {  	_ = 	snop  }
0x3b: {  	_ = 	snop  }
0x3c: {  	p2 =	seq.s32 s10, $0x1;
	s10 =	sld [smem:$0x3FAF]  }
0x3d: {  	_ =	shalt  }
0x3e: {  	_ =	shalt  }
0x3f: {  	_ =	shalt  }
0x40: {  	_ =	shalt  }
0x41: {  	_ =	shalt  }
0x42: {  	_ =	shalt  }
0x43: {  	_ =	shalt  }
0x44: {  	_ =	shalt  }
0x45: {  	_ =	shalt  }
0x46: {  	_ =	shalt  }
0x47: {  	_ =	shalt  }
0x48: {  	_ =	shalt  }
0x49: {  	_ =	shalt  }
0x4a: {  	_ =	shalt  }
0x4b: {  	_ =	shalt  }
0x4c: {  	_ =	shalt  }
0x4d: {  	_ =	shalt  }
0x4e: {  	_ =	shalt  }
0x4f: {  	_ =	shalt  }
0x50: {  	_ =	shalt  }
0x51: {  	_ =	shalt  }
0x52: {  	_ =	shalt  }
0x53: {  	_ =	shalt  }
0x54: {  	_ =	shalt  }
0x55: {  	_ =	shalt  }
0x56: {  	_ =	shalt  }
0x57: {  	_ =	shalt  }
0x58: {  	_ =	shalt  }
0x59: {  	_ =	shalt  }
0x5a: {  	_ =	shalt  }
0x5b: {  	_ =	shalt  }
0x5c: {  	_ =	shalt  }
0x5d: {  	_ =	shalt  }
0x5e: {  	_ =	shalt  }
0x5f: {  	_ =	shalt  }
0x60: {  	_ =	shalt  }
0x61: {  	_ =	shalt  }
0x62: {  	_ =	shalt  }
0x63: {  	_ =	shalt  }
0x64: {  	_ =	shalt  }
0x65: {  	_ =	shalt  }
0x66: {  	_ =	shalt  }
0x67: {  	_ =	shalt  }
0x68: {  	_ =	shalt  }
0x69: {  	_ =	shalt  }
0x6a: {  	_ =	shalt  }
0x6b: {  	_ =	shalt  }
0x6c: {  	_ =	shalt  }
0x6d: {  	_ =	shalt  }
0x6e: {  	_ =	shalt  }
0x6f: {  	_ =	shalt  }
0x70: {  	_ =	shalt  }
0x71: {  	_ =	shalt  }
0x72: {  	_ =	shalt  }
0x73: {  	_ =	shalt  }
0x74: {  	_ =	shalt  }
0x75: {  	_ =	shalt  }
0x76: {  	_ =	shalt  }
0x77: {  	_ =	shalt  }
0x78: {  	_ =	shalt  }
0x79: {  	_ =	shalt  }
0x7a: {  	_ =	shalt  }
0x7b: {  	_ =	shalt  }
0x7c: {  	_ =	shalt  }
0x7d: {  	_ =	shalt  }
0x7e: {  	_ =	shalt  }
0x7f: {  	_ =	shalt  }
0x80: {  	_ =	shalt  }
0x81: {  	_ =	shalt  }
0x82: {  	_ =	shalt  }
0x83: {  	_ =	shalt  }
0x84: {  	_ =	shalt  }
0x85: {  	_ =	shalt  }
0x86: {  	_ =	shalt  }
0x87: {  	_ =	shalt  }
.Lfunc_end0:
.L_simem_size_0:
called_computation_lowered:
.L_overlay_start_0:
0x88: {  	s2 =	sld [smem:$0x3FD9]  }
0x89: {  	s3 =	sld [smem:$0x3FFE];
	_ =	sdelay $0x1  }
0x8a: {  	s1 =	srdreg.scid  }
0x8b: {  	s0 =	sand.u32 $0x1, s1  }
0x8c: {  	s16 =	sshll.u32 s0, $0xA;
	s2 =	sadd.s32 s3, s2  }
0x8d: {  	s2 =	sadd.s32 s2, s16  }
0x8e: {  	[smem:$0x3FBB] =	sst s2  }
0x8f: {  	_ = 	snop  }
0x90: {  	(tm) =	ssettm $0x1  }
0x91: {  	s17 =	sld [smem:$0x3FFB];
	_ =	sdelay $0x3  }
0x92: {  	_ =	strace s17  }
0x93: {  	s2 =	sld [smem:$0x3FFC];
	_ =	sdelay $0x3  }
0x94: {  	_ =	strace s2  }
0x95: {  	s2 =	sld [smem:$0x3FFD];
	_ =	sdelay $0x3  }
0x96: {  	_ =	strace s2  }
0x97: {  	_ =	strace $0x8FFFFFFF  }
0x98: {  	s18 =	sld [smem:$0x3FDB];
	_ =	sdelay $0x1  }
0x99: {  	s19 =	simm.s32 $_scs_section_size  }
0x9a: {  	s4 =	simm.s32 $_size__tile_overlayer_lowered;
	s5 =	simm.s32 $_tile_overlayer_lowered  }
0x9b: {  	s22 =	simm.s32 $0x1BFF;
	s21 =	sshll.u32 s5, $0x1;
	s2 =	sadd.s32 s19, s18  }
0x9c: {  	s6 =	simm.s32 $0x0;
	s20 =	sshll.u32 s4, $0x1;
	s4 =	sadd.s32 s21, s2  }
0x9d: {  	[timem:s6], [sflag:s22] =	dma.local [hbm:s4], s20  }
0x9e: {  	_ =	swait.ge [sflag:s22], s20  }
0x9f: {  	s3 =	ssub.s32 $0x0, s20;
	[sflag:s22] =	ssyncset.done $0x0  }
0xa0: {  	[sflag:s22] =	ssyncadd.s32 s3;
	_ =	sdelay $0x1  }
0xa1: {  	s23 =	simm.s32 $0x1B8B  }
0xa2: {  	_ =	swait.ge [sflag:s23], $0x1  }
0xa3: {  	[sflag:s23] =	ssyncset.done $0x0  }
0xa4: {  	s25 =	simm.s32 $0x1B8E;
	s24 =	sld [smem:$0x3FFE];
	[sflag:s23] =	ssyncadd.s32 $0xFFFFFFFF  }
0xa5: {  	s26 =	simm.s32 $execute0_lowered;
	[smem:$0x3FD2] =	sst s25  }
0xa6: {  	s4 =	sshll.u32 s26, $0x1;
	_ =	strace $0x80000046;
	[dreg:$0x1] =	wrdreg $0xFFFFFFFF  }
0xa7: {  	s28 =	simm.s32 $_size_execute0_lowered;
	s2 =	sadd.s32 s2, s4;
	[dreg:$0x0] =	wrdreg $0x0  }
0xa8: {  	s4 =	sshll.u32 s28, $0x1;
	[dreg:$0x2] =	wrdreg s2  }
0xa9: {  	[dreg:$0x3] =	wrdreg s4  }
0xaa: {  	[dreg:$0x4] =	wrdreg $0xC0  }
0xab: {  	_ =	task [dreg:s6], $0x5FFFF  }
0xac: {  	[dreg:$0x1] =	wrdreg $0xFFFFFFFF  }
0xad: {  	[dreg:$0x0] =	wrdreg $0x60  }
0xae: {  	[dreg:$0x2] =	wrdreg s24  }
0xaf: {  	[dreg:$0x3] =	wrdreg $0x10000  }
0xb0: {  	[dreg:$0x4] =	wrdreg $0x9  }
0xb1: {  	_ =	task.clear_ibuf [dreg:s6], $0x5FFFF;
	_ =	strace $0x90000046  }
0xb2: {  	s29 =	simm.s32 $0x9;
	_ =	strace $0x80000048  }
0xb3: {  	_ =	swait.ge [sflag:s29], $0x1  }
0xb4: {  	[sflag:s29] =	ssyncadd.s32 $0xFFFFFFFF  }
0xb5: {  	_ =	strace $0x90000048  }
0xb6: {  	_ =	sfence  }
0xb7: {  	s30 =	sld [smem:$0x0];
	_ =	sdelay $0x2  }
0xb8: {  	s31 =	sshll.u32 s1, $0xD;
	s1 =	sshrl.u32 s1, $0x2  }
0xb9: {  	s3 =	sand.u32 $0x4000, s31;
	s1 =	sadd.s32 s1, s30  }
0xba: {  	s0 =	sor.u32 s3, s0;
	s1 =	sshll.u32 s1, $0x11  }
0xbb: {  	s0 =	sor.u32 s1, s0  }
0xbc: {  	s0 =	sadd.s32 $0x8F2B, s0  }
0xbd: {  	[sflag:s0] =	ssyncadd.remote.s32 $0x1  }
0xbe: {  	_ =	sfence.sel $0xFFFF  }
0xbf: {  	[dreg:$0x0] =	wrdreg $0xFFFFFFFF;
	(pc) =	sbr.abs _section_cstart, $3  }
0xc0: {  	[dreg:$0x1] =	wrdreg $0xFFFFFFFF  }
0xc1: {  	_ =	task.clear_ibuf [dreg:s6], $0x2FFFF;
	_ =	strace $0x9FFFFFFF  }
0xc2: {  	(tm) =	ssettm $0x7FFFFFFF  }
0xc3: {  	_ =	shalt  }
tec
execute0_lowered:
.L_overlay_start_1:
0x0: {  	(tag) =	ssettag $0x1  }
0x1: {  	s3 =	rddreg [dreg:$0x0]  }
0x2: {  	s4 =	rddreg [dreg:$0x1]  }
0x3: {  	s0 =	rddreg [dreg:$0x2];
	s5 =	srdreg.scid  }
0x4: {  	s2 =	simm.s32 $0x0;
	s1 =	stileid.u32;
	s10 =	simm.s32 $0xF00  }
0x5: {  	s5 =	sand.u32 $0x1, s5;
	[smem:$0x7FF] =	sst s2;
	s7 =	sshll.u32 s1, $0x8  }
0x6: {  	s8 =	sshll.u32 s1, $0x3;
	s29 =	sshll.u32 s1, $0x7;
	s31 =	sand.u32 $0x1, s1  }
0x7: {  	s6 =	sshll.u32 s5, $0xC;
	_ =	strace $0x80000047;
	s28 =	ssub.s32 $0x2, s5  }
0x8: {  	s8 =	sadd.s32 s8, s3;
	s4 =	sadd.s32 s29, s4;
	s30 =	sshll.u32 s5, $0x7  }
0x9: {  	p0 =	sne.s32 s31, $0x0;
	s6 =	sor.u32 s7, s6;
	s9 =	sshrl.u32 s28, $0x1  }
0xa: {  	s5 =	sadd.s32 $0x80, s4;
	s6 =	sadd.s32 s6, s3;
	s7 =	ssub.s32 s28, s9  }
0xb: {  	v1 =	vlaneseq.u32;
	s9 =	simm.s32 $0x800;
	s3 =	sadd.s32 $0x1400, s6;
	s6 =	sadd.s32 s30, s8  }
0xc: {  	v0 =	vimm.f32 $0.0e+00;
	v1 =	vmul.u32 $0x70, v1;
	s7 =	smax.u32 s7, $0x1;
	s8 =	simm.s32 $0x1;
	s6 =	sadd.s32 $0x3400, s6  }
.LBB2_1:
0xd: {  	[tilespmem:s2], [sflag:$0x1] =	stream.linear.gather [hbm4b:s3+s2], $0x800, $0x38;
	[tilespmem:$0x1060] =	vst v63  }
0xe: {  	_ =	swait.ge [sflag:s8], $0x800  }
0xf: {  	[sflag:s8] =	ssyncset.done $0x0  }
0x10: {  	[sflag:s8] =	ssyncadd.s32 $0xFFFFF800  }
0x11: {  	[tilespmem:$0x800] =	vst v0  }
0x12: {  	[tilespmem:$0x810] =	vst v0  }
0x13: {  	[tilespmem:$0x820] =	vst v0  }
0x14: {  	[tilespmem:$0x830] =	vst v0  }
0x15: {  	[tilespmem:$0x840] =	vst v0  }
0x16: {  	[tilespmem:$0x850] =	vst v0  }
0x17: {  	[tilespmem:$0x860] =	vst v0  }
0x18: {  	[tilespmem:$0x870] =	vst v0  }
0x19: {  	[tilespmem:$0x880] =	vst v0  }
0x1a: {  	[tilespmem:$0x890] =	vst v0  }
0x1b: {  	[tilespmem:$0x8A0] =	vst v0  }
0x1c: {  	[tilespmem:$0x8B0] =	vst v0  }
0x1d: {  	[tilespmem:$0x8C0] =	vst v0  }
0x1e: {  	[tilespmem:$0x8D0] =	vst v0  }
0x1f: {  	[tilespmem:$0x8E0] =	vst v0  }
0x20: {  	[tilespmem:$0x8F0] =	vst v0  }
0x21: {  	[tilespmem:$0x900] =	vst v0  }
0x22: {  	[tilespmem:$0x910] =	vst v0  }
0x23: {  	[tilespmem:$0x920] =	vst v0  }
0x24: {  	[tilespmem:$0x930] =	vst v0  }
0x25: {  	[tilespmem:$0x940] =	vst v0  }
0x26: {  	[tilespmem:$0x950] =	vst v0  }
0x27: {  	[tilespmem:$0x960] =	vst v0  }
0x28: {  	[tilespmem:$0x970] =	vst v0  }
0x29: {  	[tilespmem:$0x980] =	vst v0  }
0x2a: {  	[tilespmem:$0x990] =	vst v0  }
0x2b: {  	[tilespmem:$0x9A0] =	vst v0  }
0x2c: {  	[tilespmem:$0x9B0] =	vst v0  }
0x2d: {  	[tilespmem:$0x9C0] =	vst v0  }
0x2e: {  	[tilespmem:$0x9D0] =	vst v0  }
0x2f: {  	[tilespmem:$0x9E0] =	vst v0  }
0x30: {  	[tilespmem:$0x9F0] =	vst v0  }
0x31: {  	[tilespmem:$0xA00] =	vst v0  }
0x32: {  	[tilespmem:$0xA10] =	vst v0  }
0x33: {  	[tilespmem:$0xA20] =	vst v0  }
0x34: {  	[tilespmem:$0xA30] =	vst v0  }
0x35: {  	[tilespmem:$0xA40] =	vst v0  }
0x36: {  	[tilespmem:$0xA50] =	vst v0  }
0x37: {  	[tilespmem:$0xA60] =	vst v0  }
0x38: {  	[tilespmem:$0xA70] =	vst v0  }
0x39: {  	[tilespmem:$0xA80] =	vst v0  }
0x3a: {  	[tilespmem:$0xA90] =	vst v0  }
0x3b: {  	[tilespmem:$0xAA0] =	vst v0  }
0x3c: {  	[tilespmem:$0xAB0] =	vst v0  }
0x3d: {  	[tilespmem:$0xAC0] =	vst v0  }
0x3e: {  	[tilespmem:$0xAD0] =	vst v0  }
0x3f: {  	[tilespmem:$0xAE0] =	vst v0  }
0x40: {  	[tilespmem:$0xAF0] =	vst v0  }
0x41: {  	[tilespmem:$0xB00] =	vst v0  }
0x42: {  	[tilespmem:$0xB10] =	vst v0  }
0x43: {  	[tilespmem:$0xB20] =	vst v0  }
0x44: {  	[tilespmem:$0xB30] =	vst v0  }
0x45: {  	[tilespmem:$0xB40] =	vst v0  }
0x46: {  	[tilespmem:$0xB50] =	vst v0  }
0x47: {  	[tilespmem:$0xB60] =	vst v0  }
0x48: {  	[tilespmem:$0xB70] =	vst v0  }
0x49: {  	[tilespmem:$0xB80] =	vst v0  }
0x4a: {  	[tilespmem:$0xB90] =	vst v0  }
0x4b: {  	[tilespmem:$0xBA0] =	vst v0  }
0x4c: {  	[tilespmem:$0xBB0] =	vst v0  }
0x4d: {  	[tilespmem:$0xBC0] =	vst v0  }
0x4e: {  	[tilespmem:$0xBD0] =	vst v0  }
0x4f: {  	[tilespmem:$0xBE0] =	vst v0  }
0x50: {  	[tilespmem:$0xBF0] =	vst v0  }
0x51: {  	[tilespmem:$0xC00] =	vst v0  }
0x52: {  	[tilespmem:$0xC10] =	vst v0  }
0x53: {  	[tilespmem:$0xC20] =	vst v0  }
0x54: {  	[tilespmem:$0xC30] =	vst v0  }
0x55: {  	[tilespmem:$0xC40] =	vst v0  }
0x56: {  	[tilespmem:$0xC50] =	vst v0  }
0x57: {  	[tilespmem:$0xC60] =	vst v0  }
0x58: {  	[tilespmem:$0xC70] =	vst v0  }
0x59: {  	[tilespmem:$0xC80] =	vst v0  }
0x5a: {  	[tilespmem:$0xC90] =	vst v0  }
0x5b: {  	[tilespmem:$0xCA0] =	vst v0  }
0x5c: {  	[tilespmem:$0xCB0] =	vst v0  }
0x5d: {  	[tilespmem:$0xCC0] =	vst v0  }
0x5e: {  	[tilespmem:$0xCD0] =	vst v0  }
0x5f: {  	[tilespmem:$0xCE0] =	vst v0  }
0x60: {  	[tilespmem:$0xCF0] =	vst v0  }
0x61: {  	[tilespmem:$0xD00] =	vst v0  }
0x62: {  	[tilespmem:$0xD10] =	vst v0  }
0x63: {  	[tilespmem:$0xD20] =	vst v0  }
0x64: {  	[tilespmem:$0xD30] =	vst v0  }
0x65: {  	[tilespmem:$0xD40] =	vst v0  }
0x66: {  	[tilespmem:$0xD50] =	vst v0  }
0x67: {  	[tilespmem:$0xD60] =	vst v0  }
0x68: {  	[tilespmem:$0xD70] =	vst v0  }
0x69: {  	[tilespmem:$0xD80] =	vst v0  }
0x6a: {  	[tilespmem:$0xD90] =	vst v0  }
0x6b: {  	[tilespmem:$0xDA0] =	vst v0  }
0x6c: {  	[tilespmem:$0xDB0] =	vst v0  }
0x6d: {  	[tilespmem:$0xDC0] =	vst v0  }
0x6e: {  	[tilespmem:$0xDD0] =	vst v0  }
0x6f: {  	[tilespmem:$0xDE0] =	vst v0  }
0x70: {  	[tilespmem:$0xDF0] =	vst v0  }
0x71: {  	[tilespmem:$0xE00] =	vst v0  }
0x72: {  	[tilespmem:$0xE10] =	vst v0  }
0x73: {  	[tilespmem:$0xE20] =	vst v0  }
0x74: {  	[tilespmem:$0xE30] =	vst v0  }
0x75: {  	[tilespmem:$0xE40] =	vst v0  }
0x76: {  	[tilespmem:$0xE50] =	vst v0  }
0x77: {  	[tilespmem:$0xE60] =	vst v0;
	v2 =	vld [tilespmem:$0x0]  }
0x78: {  	[tilespmem:$0xE70] =	vst v0  }
0x79: {  	[tilespmem:$0xE80] =	vst v0  }
0x7a: {  	[tilespmem:$0xE90] =	vst v0  }
0x7b: {  	[tilespmem:$0xEA0] =	vst v0  }
0x7c: {  	[tilespmem:$0xEB0] =	vst v0;
	v2 =	vadd.s32 v1, v2  }
0x7d: {  	[tilespmem:$0xEC0] =	vst v0  }
0x7e: {  	[tilespmem:$0xED0] =	vst v0  }
0x7f: {  	[tilespmem:$0xEE0] =	vst v0  }
0x80: {  	[tilespmem:$0xEF0] =	vst v0  }
0x81: {  	v3 =	vld.idx.msk [tilespmem:v2+s9+$0x0], $0xffff;
	_ =	sdelay $0x4  }
0x82: {  	v3 =	vadd.f32 $1.000000000e+00, v3;
	_ =	sdelay $0x1  }
0x83: {  	[tilespmem:v2+s9+$0x0] =	vst.idx.msk $0xffff, v3  }
0x84: {  	v2 =	vld [tilespmem:$0x10];
	_ =	sdelay $0x4  }
0x85: {  	v2 =	vadd.s32 v1, v2;
	_ =	sdelay $0x4  }
0x86: {  	v3 =	vld.idx.msk [tilespmem:v2+s9+$0x0], $0xffff;
	_ =	sdelay $0x4  }
0x87: {  	v3 =	vadd.f32 $1.000000000e+00, v3;
	_ =	sdelay $0x1  }
0x88: {  	[tilespmem:v2+s9+$0x0] =	vst.idx.msk $0xffff, v3  }
0x89: {  	v2 =	vld [tilespmem:$0x20];
	_ =	sdelay $0x4  }
0x8a: {  	v2 =	vadd.s32 v1, v2;
	_ =	sdelay $0x4  }
0x8b: {  	v3 =	vld.idx.msk [tilespmem:v2+s9+$0x0], $0xffff;
	_ =	sdelay $0x4  }
0x8c: {  	v3 =	vadd.f32 $1.000000000e+00, v3;
	_ =	sdelay $0x1  }
0x8d: {  	[tilespmem:v2+s9+$0x0] =	vst.idx.msk $0xffff, v3  }
0x8e: {  	v2 =	vld [tilespmem:$0x30];
	_ =	sdelay $0x4  }
0x8f: {  	v2 =	vadd.s32 v1, v2;
	_ =	sdelay $0x4  }
0x90: {  	v3 =	vld.idx.msk [tilespmem:v2+s9+$0x0], $0xffff;
	_ =	sdelay $0x4  }
0x91: {  	v3 =	vadd.f32 $1.000000000e+00, v3;
	_ =	sdelay $0x1  }
0x92: {  	[tilespmem:v2+s9+$0x0] =	vst.idx.msk $0xffff, v3  }
0x93: {  	v2 =	vld [tilespmem:$0x40];
	_ =	sdelay $0x4  }
0x94: {  	v2 =	vadd.s32 v1, v2;
	_ =	sdelay $0x4  }
0x95: {  	v3 =	vld.idx.msk [tilespmem:v2+s9+$0x0], $0xffff;
	_ =	sdelay $0x4  }
0x96: {  	v3 =	vadd.f32 $1.000000000e+00, v3;
	_ =	sdelay $0x1  }
0x97: {  	[tilespmem:v2+s9+$0x0] =	vst.idx.msk $0xffff, v3  }
0x98: {  	v2 =	vld [tilespmem:$0x50];
	_ =	sdelay $0x4  }
0x99: {  	v2 =	vadd.s32 v1, v2;
	_ =	sdelay $0x4  }
0x9a: {  	v3 =	vld.idx.msk [tilespmem:v2+s9+$0x0], $0xffff;
	_ =	sdelay $0x4  }
0x9b: {  	v3 =	vadd.f32 $1.000000000e+00, v3;
	_ =	sdelay $0x1  }
0x9c: {  	[tilespmem:v2+s9+$0x0] =	vst.idx.msk $0xffff, v3  }
0x9d: {  	v2 =	vld [tilespmem:$0x60];
	_ =	sdelay $0x4  }
0x9e: {  	v2 =	vadd.s32 v1, v2;
	_ =	sdelay $0x4  }
0x9f: {  	v3 =	vld.idx.msk [tilespmem:v2+s9+$0x0], $0xffff;
	_ =	sdelay $0x4  }
0xa0: {  	v3 =	vadd.f32 $1.000000000e+00, v3;
	_ =	sdelay $0x1  }
0xa1: {  	[tilespmem:v2+s9+$0x0] =	vst.idx.msk $0xffff, v3  }
0xa2: {  	v2 =	vld [tilespmem:$0x70];
	_ =	sdelay $0x4  }
0xa3: {  	v2 =	vadd.s32 v1, v2;
	_ =	sdelay $0x4  }
0xa4: {  	v3 =	vld.idx.msk [tilespmem:v2+s9+$0x0], $0xffff;
	_ =	sdelay $0x4  }
0xa5: {  	v3 =	vadd.f32 $1.000000000e+00, v3;
	_ =	sdelay $0x1  }
0xa6: {  	[tilespmem:v2+s9+$0x0] =	vst.idx.msk $0xffff, v3  }
0xa7: {  	v2 =	vld [tilespmem:$0x80];
	_ =	sdelay $0x4  }
0xa8: {  	v2 =	vadd.s32 v1, v2;
	_ =	sdelay $0x4  }
0xa9: {  	v3 =	vld.idx.msk [tilespmem:v2+s9+$0x0], $0xffff;
	_ =	sdelay $0x4  }
0xaa: {  	v3 =	vadd.f32 $1.000000000e+00, v3;
	_ =	sdelay $0x1  }
0xab: {  	[tilespmem:v2+s9+$0x0] =	vst.idx.msk $0xffff, v3  }
0xac: {  	v2 =	vld [tilespmem:$0x90];
	_ =	sdelay $0x4  }
0xad: {  	v2 =	vadd.s32 v1, v2;
	_ =	sdelay $0x4  }
0xae: {  	v3 =	vld.idx.msk [tilespmem:v2+s9+$0x0], $0xffff;
	_ =	sdelay $0x4  }
0xaf: {  	v3 =	vadd.f32 $1.000000000e+00, v3;
	_ =	sdelay $0x1  }
0xb0: {  	[tilespmem:v2+s9+$0x0] =	vst.idx.msk $0xffff, v3  }
0xb1: {  	v2 =	vld [tilespmem:$0xA0];
	_ =	sdelay $0x4  }
0xb2: {  	v2 =	vadd.s32 v1, v2;
	_ =	sdelay $0x4  }
0xb3: {  	v3 =	vld.idx.msk [tilespmem:v2+s9+$0x0], $0xffff;
	_ =	sdelay $0x4  }
0xb4: {  	v3 =	vadd.f32 $1.000000000e+00, v3;
	_ =	sdelay $0x1  }
0xb5: {  	[tilespmem:v2+s9+$0x0] =	vst.idx.msk $0xffff, v3  }
0xb6: {  	v2 =	vld [tilespmem:$0xB0];
	_ =	sdelay $0x4  }
0xb7: {  	v2 =	vadd.s32 v1, v2;
	_ =	sdelay $0x4  }
0xb8: {  	v3 =	vld.idx.msk [tilespmem:v2+s9+$0x0], $0xffff;
	_ =	sdelay $0x4  }
0xb9: {  	v3 =	vadd.f32 $1.000000000e+00, v3;
	_ =	sdelay $0x1  }
0xba: {  	[tilespmem:v2+s9+$0x0] =	vst.idx.msk $0xffff, v3  }
0xbb: {  	v2 =	vld [tilespmem:$0xC0];
	_ =	sdelay $0x4  }
0xbc: {  	v2 =	vadd.s32 v1, v2;
	_ =	sdelay $0x4  }
0xbd: {  	v3 =	vld.idx.msk [tilespmem:v2+s9+$0x0], $0xffff;
	_ =	sdelay $0x4  }
0xbe: {  	v3 =	vadd.f32 $1.000000000e+00, v3;
	_ =	sdelay $0x1  }
0xbf: {  	[tilespmem:v2+s9+$0x0] =	vst.idx.msk $0xffff, v3  }
0xc0: {  	v2 =	vld [tilespmem:$0xD0];
	_ =	sdelay $0x4  }
0xc1: {  	v2 =	vadd.s32 v1, v2;
	_ =	sdelay $0x4  }
0xc2: {  	v3 =	vld.idx.msk [tilespmem:v2+s9+$0x0], $0xffff;
	_ =	sdelay $0x4  }
0xc3: {  	v3 =	vadd.f32 $1.000000000e+00, v3;
	_ =	sdelay $0x1  }
0xc4: {  	[tilespmem:v2+s9+$0x0] =	vst.idx.msk $0xffff, v3  }
0xc5: {  	v2 =	vld [tilespmem:$0xE0];
	_ =	sdelay $0x4  }
0xc6: {  	v2 =	vadd.s32 v1, v2;
	_ =	sdelay $0x4  }
0xc7: {  	v3 =	vld.idx.msk [tilespmem:v2+s9+$0x0], $0xffff;
	_ =	sdelay $0x4  }
0xc8: {  	v3 =	vadd.f32 $1.000000000e+00, v3;
	_ =	sdelay $0x1  }
0xc9: {  	[tilespmem:v2+s9+$0x0] =	vst.idx.msk $0xffff, v3  }
0xca: {  	v2 =	vld [tilespmem:$0xF0];
	_ =	sdelay $0x4  }
0xcb: {  	v2 =	vadd.s32 v1, v2;
	_ =	sdelay $0x4  }
0xcc: {  	v3 =	vld.idx.msk [tilespmem:v2+s9+$0x0], $0xffff;
	_ =	sdelay $0x4  }
0xcd: {  	v3 =	vadd.f32 $1.000000000e+00, v3;
	_ =	sdelay $0x1  }
0xce: {  	[tilespmem:v2+s9+$0x0] =	vst.idx.msk $0xffff, v3  }
0xcf: {  	v2 =	vld [tilespmem:$0x100];
	_ =	sdelay $0x4  }
0xd0: {  	v2 =	vadd.s32 v1, v2;
	_ =	sdelay $0x4  }
0xd1: {  	v3 =	vld.idx.msk [tilespmem:v2+s9+$0x0], $0xffff;
	_ =	sdelay $0x4  }
0xd2: {  	v3 =	vadd.f32 $1.000000000e+00, v3;
	_ =	sdelay $0x1  }
0xd3: {  	[tilespmem:v2+s9+$0x0] =	vst.idx.msk $0xffff, v3  }
0xd4: {  	v2 =	vld [tilespmem:$0x110];
	_ =	sdelay $0x4  }
0xd5: {  	v2 =	vadd.s32 v1, v2;
	_ =	sdelay $0x4  }
0xd6: {  	v3 =	vld.idx.msk [tilespmem:v2+s9+$0x0], $0xffff;
	_ =	sdelay $0x4  }
0xd7: {  	v3 =	vadd.f32 $1.000000000e+00, v3;
	_ =	sdelay $0x1  }
0xd8: {  	[tilespmem:v2+s9+$0x0] =	vst.idx.msk $0xffff, v3  }
0xd9: {  	v2 =	vld [tilespmem:$0x120];
	_ =	sdelay $0x4  }
0xda: {  	v2 =	vadd.s32 v1, v2;
	_ =	sdelay $0x4  }
0xdb: {  	v3 =	vld.idx.msk [tilespmem:v2+s9+$0x0], $0xffff;
	_ =	sdelay $0x4  }
0xdc: {  	v3 =	vadd.f32 $1.000000000e+00, v3;
	_ =	sdelay $0x1  }
0xdd: {  	[tilespmem:v2+s9+$0x0] =	vst.idx.msk $0xffff, v3  }
0xde: {  	v2 =	vld [tilespmem:$0x130];
	_ =	sdelay $0x4  }
0xdf: {  	v2 =	vadd.s32 v1, v2;
	_ =	sdelay $0x4  }
0xe0: {  	v3 =	vld.idx.msk [tilespmem:v2+s9+$0x0], $0xffff;
	_ =	sdelay $0x4  }
0xe1: {  	v3 =	vadd.f32 $1.000000000e+00, v3;
	_ =	sdelay $0x1  }
0xe2: {  	[tilespmem:v2+s9+$0x0] =	vst.idx.msk $0xffff, v3  }
0xe3: {  	v2 =	vld [tilespmem:$0x140];
	_ =	sdelay $0x4  }
0xe4: {  	v2 =	vadd.s32 v1, v2;
	_ =	sdelay $0x4  }
0xe5: {  	v3 =	vld.idx.msk [tilespmem:v2+s9+$0x0], $0xffff;
	_ =	sdelay $0x4  }
0xe6: {  	v3 =	vadd.f32 $1.000000000e+00, v3;
	_ =	sdelay $0x1  }
0xe7: {  	[tilespmem:v2+s9+$0x0] =	vst.idx.msk $0xffff, v3  }
0xe8: {  	v2 =	vld [tilespmem:$0x150];
	_ =	sdelay $0x4  }
0xe9: {  	v2 =	vadd.s32 v1, v2;
	_ =	sdelay $0x4  }
0xea: {  	v3 =	vld.idx.msk [tilespmem:v2+s9+$0x0], $0xffff;
	_ =	sdelay $0x4  }
0xeb: {  	v3 =	vadd.f32 $1.000000000e+00, v3;
	_ =	sdelay $0x1  }
0xec: {  	[tilespmem:v2+s9+$0x0] =	vst.idx.msk $0xffff, v3  }
0xed: {  	v2 =	vld [tilespmem:$0x160];
	_ =	sdelay $0x4  }
0xee: {  	v2 =	vadd.s32 v1, v2;
	_ =	sdelay $0x4  }
0xef: {  	v3 =	vld.idx.msk [tilespmem:v2+s9+$0x0], $0xffff;
	_ =	sdelay $0x4  }
0xf0: {  	v3 =	vadd.f32 $1.000000000e+00, v3;
	_ =	sdelay $0x1  }
0xf1: {  	[tilespmem:v2+s9+$0x0] =	vst.idx.msk $0xffff, v3  }
0xf2: {  	v2 =	vld [tilespmem:$0x170];
	_ =	sdelay $0x4  }
0xf3: {  	v2 =	vadd.s32 v1, v2;
	_ =	sdelay $0x4  }
0xf4: {  	v3 =	vld.idx.msk [tilespmem:v2+s9+$0x0], $0xffff;
	_ =	sdelay $0x4  }
0xf5: {  	v3 =	vadd.f32 $1.000000000e+00, v3;
	_ =	sdelay $0x1  }
0xf6: {  	[tilespmem:v2+s9+$0x0] =	vst.idx.msk $0xffff, v3  }
0xf7: {  	v2 =	vld [tilespmem:$0x180];
	_ =	sdelay $0x4  }
0xf8: {  	v2 =	vadd.s32 v1, v2;
	_ =	sdelay $0x4  }
0xf9: {  	v3 =	vld.idx.msk [tilespmem:v2+s9+$0x0], $0xffff;
	_ =	sdelay $0x4  }
0xfa: {  	v3 =	vadd.f32 $1.000000000e+00, v3;
	_ =	sdelay $0x1  }
0xfb: {  	[tilespmem:v2+s9+$0x0] =	vst.idx.msk $0xffff, v3  }
0xfc: {  	v2 =	vld [tilespmem:$0x190];
	_ =	sdelay $0x4  }
0xfd: {  	v2 =	vadd.s32 v1, v2;
	_ =	sdelay $0x4  }
0xfe: {  	v3 =	vld.idx.msk [tilespmem:v2+s9+$0x0], $0xffff;
	_ =	sdelay $0x4  }
0xff: {  	v3 =	vadd.f32 $1.000000000e+00, v3;
	_ =	sdelay $0x1  }
0x100: {  	[tilespmem:v2+s9+$0x0] =	vst.idx.msk $0xffff, v3  }
0x101: {  	v2 =	vld [tilespmem:$0x1A0];
	_ =	sdelay $0x4  }
0x102: {  	v2 =	vadd.s32 v1, v2;
	_ =	sdelay $0x4  }
0x103: {  	v3 =	vld.idx.msk [tilespmem:v2+s9+$0x0], $0xffff;
	_ =	sdelay $0x4  }
0x104: {  	v3 =	vadd.f32 $1.000000000e+00, v3;
	_ =	sdelay $0x1  }
0x105: {  	[tilespmem:v2+s9+$0x0] =	vst.idx.msk $0xffff, v3  }
0x106: {  	v2 =	vld [tilespmem:$0x1B0];
	_ =	sdelay $0x4  }
0x107: {  	v2 =	vadd.s32 v1, v2;
	_ =	sdelay $0x4  }
0x108: {  	v3 =	vld.idx.msk [tilespmem:v2+s9+$0x0], $0xffff;
	_ =	sdelay $0x4  }
0x109: {  	v3 =	vadd.f32 $1.000000000e+00, v3;
	_ =	sdelay $0x1  }
0x10a: {  	[tilespmem:v2+s9+$0x0] =	vst.idx.msk $0xffff, v3  }
0x10b: {  	v2 =	vld [tilespmem:$0x1C0];
	_ =	sdelay $0x4  }
0x10c: {  	v2 =	vadd.s32 v1, v2;
	_ =	sdelay $0x4  }
0x10d: {  	v3 =	vld.idx.msk [tilespmem:v2+s9+$0x0], $0xffff;
	_ =	sdelay $0x4  }
0x10e: {  	v3 =	vadd.f32 $1.000000000e+00, v3;
	_ =	sdelay $0x1  }
0x10f: {  	[tilespmem:v2+s9+$0x0] =	vst.idx.msk $0xffff, v3  }
0x110: {  	v2 =	vld [tilespmem:$0x1D0];
	_ =	sdelay $0x4  }
0x111: {  	v2 =	vadd.s32 v1, v2;
	_ =	sdelay $0x4  }
0x112: {  	v3 =	vld.idx.msk [tilespmem:v2+s9+$0x0], $0xffff;
	_ =	sdelay $0x4  }
0x113: {  	v3 =	vadd.f32 $1.000000000e+00, v3;
	_ =	sdelay $0x1  }
0x114: {  	[tilespmem:v2+s9+$0x0] =	vst.idx.msk $0xffff, v3  }
0x115: {  	v2 =	vld [tilespmem:$0x1E0];
	_ =	sdelay $0x4  }
0x116: {  	v2 =	vadd.s32 v1, v2;
	_ =	sdelay $0x4  }
0x117: {  	v3 =	vld.idx.msk [tilespmem:v2+s9+$0x0], $0xffff;
	_ =	sdelay $0x4  }
0x118: {  	v3 =	vadd.f32 $1.000000000e+00, v3;
	_ =	sdelay $0x1  }
0x119: {  	[tilespmem:v2+s9+$0x0] =	vst.idx.msk $0xffff, v3  }
0x11a: {  	v2 =	vld [tilespmem:$0x1F0];
	_ =	sdelay $0x4  }
0x11b: {  	v2 =	vadd.s32 v1, v2;
	_ =	sdelay $0x4  }
0x11c: {  	v3 =	vld.idx.msk [tilespmem:v2+s9+$0x0], $0xffff;
	_ =	sdelay $0x4  }
0x11d: {  	v3 =	vadd.f32 $1.000000000e+00, v3;
	_ =	sdelay $0x1  }
0x11e: {  	[tilespmem:v2+s9+$0x0] =	vst.idx.msk $0xffff, v3  }
0x11f: {  	v2 =	vld [tilespmem:$0x200];
	_ =	sdelay $0x4  }
0x120: {  	v2 =	vadd.s32 v1, v2;
	_ =	sdelay $0x4  }
0x121: {  	v3 =	vld.idx.msk [tilespmem:v2+s9+$0x0], $0xffff;
	_ =	sdelay $0x4  }
0x122: {  	v3 =	vadd.f32 $1.000000000e+00, v3;
	_ =	sdelay $0x1  }
0x123: {  	[tilespmem:v2+s9+$0x0] =	vst.idx.msk $0xffff, v3  }
0x124: {  	v2 =	vld [tilespmem:$0x210];
	_ =	sdelay $0x4  }
0x125: {  	v2 =	vadd.s32 v1, v2;
	_ =	sdelay $0x4  }
0x126: {  	v3 =	vld.idx.msk [tilespmem:v2+s9+$0x0], $0xffff;
	_ =	sdelay $0x4  }
0x127: {  	v3 =	vadd.f32 $1.000000000e+00, v3;
	_ =	sdelay $0x1  }
0x128: {  	[tilespmem:v2+s9+$0x0] =	vst.idx.msk $0xffff, v3  }
0x129: {  	v2 =	vld [tilespmem:$0x220];
	_ =	sdelay $0x4  }
0x12a: {  	v2 =	vadd.s32 v1, v2;
	_ =	sdelay $0x4  }
0x12b: {  	v3 =	vld.idx.msk [tilespmem:v2+s9+$0x0], $0xffff;
	_ =	sdelay $0x4  }
0x12c: {  	v3 =	vadd.f32 $1.000000000e+00, v3;
	_ =	sdelay $0x1  }
0x12d: {  	[tilespmem:v2+s9+$0x0] =	vst.idx.msk $0xffff, v3  }
0x12e: {  	v2 =	vld [tilespmem:$0x230];
	_ =	sdelay $0x4  }
0x12f: {  	v2 =	vadd.s32 v1, v2;
	_ =	sdelay $0x4  }
0x130: {  	v3 =	vld.idx.msk [tilespmem:v2+s9+$0x0], $0xffff;
	_ =	sdelay $0x4  }
0x131: {  	v3 =	vadd.f32 $1.000000000e+00, v3;
	_ =	sdelay $0x1  }
0x132: {  	[tilespmem:v2+s9+$0x0] =	vst.idx.msk $0xffff, v3  }
0x133: {  	v2 =	vld [tilespmem:$0x240];
	_ =	sdelay $0x4  }
0x134: {  	v2 =	vadd.s32 v1, v2;
	_ =	sdelay $0x4  }
0x135: {  	v3 =	vld.idx.msk [tilespmem:v2+s9+$0x0], $0xffff;
	_ =	sdelay $0x4  }
0x136: {  	v3 =	vadd.f32 $1.000000000e+00, v3;
	_ =	sdelay $0x1  }
0x137: {  	[tilespmem:v2+s9+$0x0] =	vst.idx.msk $0xffff, v3  }
0x138: {  	v2 =	vld [tilespmem:$0x250];
	_ =	sdelay $0x4  }
0x139: {  	v2 =	vadd.s32 v1, v2;
	_ =	sdelay $0x4  }
0x13a: {  	v3 =	vld.idx.msk [tilespmem:v2+s9+$0x0], $0xffff;
	_ =	sdelay $0x4  }
0x13b: {  	v3 =	vadd.f32 $1.000000000e+00, v3;
	_ =	sdelay $0x1  }
0x13c: {  	[tilespmem:v2+s9+$0x0] =	vst.idx.msk $0xffff, v3  }
0x13d: {  	v2 =	vld [tilespmem:$0x260];
	_ =	sdelay $0x4  }
0x13e: {  	v2 =	vadd.s32 v1, v2;
	_ =	sdelay $0x4  }
0x13f: {  	v3 =	vld.idx.msk [tilespmem:v2+s9+$0x0], $0xffff;
	_ =	sdelay $0x4  }
0x140: {  	v3 =	vadd.f32 $1.000000000e+00, v3;
	_ =	sdelay $0x1  }
0x141: {  	[tilespmem:v2+s9+$0x0] =	vst.idx.msk $0xffff, v3  }
0x142: {  	v2 =	vld [tilespmem:$0x270];
	_ =	sdelay $0x4  }
0x143: {  	v2 =	vadd.s32 v1, v2;
	_ =	sdelay $0x4  }
0x144: {  	v3 =	vld.idx.msk [tilespmem:v2+s9+$0x0], $0xffff;
	_ =	sdelay $0x4  }
0x145: {  	v3 =	vadd.f32 $1.000000000e+00, v3;
	_ =	sdelay $0x1  }
0x146: {  	[tilespmem:v2+s9+$0x0] =	vst.idx.msk $0xffff, v3  }
0x147: {  	v2 =	vld [tilespmem:$0x280];
	_ =	sdelay $0x4  }
0x148: {  	v2 =	vadd.s32 v1, v2;
	_ =	sdelay $0x4  }
0x149: {  	v3 =	vld.idx.msk [tilespmem:v2+s9+$0x0], $0xffff;
	_ =	sdelay $0x4  }
0x14a: {  	v3 =	vadd.f32 $1.000000000e+00, v3;
	_ =	sdelay $0x1  }
0x14b: {  	[tilespmem:v2+s9+$0x0] =	vst.idx.msk $0xffff, v3  }
0x14c: {  	v2 =	vld [tilespmem:$0x290];
	_ =	sdelay $0x4  }
0x14d: {  	v2 =	vadd.s32 v1, v2;
	_ =	sdelay $0x4  }
0x14e: {  	v3 =	vld.idx.msk [tilespmem:v2+s9+$0x0], $0xffff;
	_ =	sdelay $0x4  }
0x14f: {  	v3 =	vadd.f32 $1.000000000e+00, v3;
	_ =	sdelay $0x1  }
0x150: {  	[tilespmem:v2+s9+$0x0] =	vst.idx.msk $0xffff, v3  }
0x151: {  	v2 =	vld [tilespmem:$0x2A0];
	_ =	sdelay $0x4  }
0x152: {  	v2 =	vadd.s32 v1, v2;
	_ =	sdelay $0x4  }
0x153: {  	v3 =	vld.idx.msk [tilespmem:v2+s9+$0x0], $0xffff;
	_ =	sdelay $0x4  }
0x154: {  	v3 =	vadd.f32 $1.000000000e+00, v3;
	_ =	sdelay $0x1  }
0x155: {  	[tilespmem:v2+s9+$0x0] =	vst.idx.msk $0xffff, v3  }
0x156: {  	v2 =	vld [tilespmem:$0x2B0];
	_ =	sdelay $0x4  }
0x157: {  	v2 =	vadd.s32 v1, v2;
	_ =	sdelay $0x4  }
0x158: {  	v3 =	vld.idx.msk [tilespmem:v2+s9+$0x0], $0xffff;
	_ =	sdelay $0x4  }
0x159: {  	v3 =	vadd.f32 $1.000000000e+00, v3;
	_ =	sdelay $0x1  }
0x15a: {  	[tilespmem:v2+s9+$0x0] =	vst.idx.msk $0xffff, v3  }
0x15b: {  	v2 =	vld [tilespmem:$0x2C0];
	_ =	sdelay $0x4  }
0x15c: {  	v2 =	vadd.s32 v1, v2;
	_ =	sdelay $0x4  }
0x15d: {  	v3 =	vld.idx.msk [tilespmem:v2+s9+$0x0], $0xffff;
	_ =	sdelay $0x4  }
0x15e: {  	v3 =	vadd.f32 $1.000000000e+00, v3;
	_ =	sdelay $0x1  }
0x15f: {  	[tilespmem:v2+s9+$0x0] =	vst.idx.msk $0xffff, v3  }
0x160: {  	v2 =	vld [tilespmem:$0x2D0];
	_ =	sdelay $0x4  }
0x161: {  	v2 =	vadd.s32 v1, v2;
	_ =	sdelay $0x4  }
0x162: {  	v3 =	vld.idx.msk [tilespmem:v2+s9+$0x0], $0xffff;
	_ =	sdelay $0x4  }
0x163: {  	v3 =	vadd.f32 $1.000000000e+00, v3;
	_ =	sdelay $0x1  }
0x164: {  	[tilespmem:v2+s9+$0x0] =	vst.idx.msk $0xffff, v3  }
0x165: {  	v2 =	vld [tilespmem:$0x2E0];
	_ =	sdelay $0x4  }
0x166: {  	v2 =	vadd.s32 v1, v2;
	_ =	sdelay $0x4  }
0x167: {  	v3 =	vld.idx.msk [tilespmem:v2+s9+$0x0], $0xffff;
	_ =	sdelay $0x4  }
0x168: {  	v3 =	vadd.f32 $1.000000000e+00, v3;
	_ =	sdelay $0x1  }
0x169: {  	[tilespmem:v2+s9+$0x0] =	vst.idx.msk $0xffff, v3  }
0x16a: {  	v2 =	vld [tilespmem:$0x2F0];
	_ =	sdelay $0x4  }
0x16b: {  	v2 =	vadd.s32 v1, v2;
	_ =	sdelay $0x4  }
0x16c: {  	v3 =	vld.idx.msk [tilespmem:v2+s9+$0x0], $0xffff;
	_ =	sdelay $0x4  }
0x16d: {  	v3 =	vadd.f32 $1.000000000e+00, v3;
	_ =	sdelay $0x1  }
0x16e: {  	[tilespmem:v2+s9+$0x0] =	vst.idx.msk $0xffff, v3  }
0x16f: {  	v2 =	vld [tilespmem:$0x300];
	_ =	sdelay $0x4  }
0x170: {  	v2 =	vadd.s32 v1, v2;
	_ =	sdelay $0x4  }
0x171: {  	v3 =	vld.idx.msk [tilespmem:v2+s9+$0x0], $0xffff;
	_ =	sdelay $0x4  }
0x172: {  	v3 =	vadd.f32 $1.000000000e+00, v3;
	_ =	sdelay $0x1  }
0x173: {  	[tilespmem:v2+s9+$0x0] =	vst.idx.msk $0xffff, v3  }
0x174: {  	v2 =	vld [tilespmem:$0x310];
	_ =	sdelay $0x4  }
0x175: {  	v2 =	vadd.s32 v1, v2;
	_ =	sdelay $0x4  }
0x176: {  	v3 =	vld.idx.msk [tilespmem:v2+s9+$0x0], $0xffff;
	_ =	sdelay $0x4  }
0x177: {  	v3 =	vadd.f32 $1.000000000e+00, v3;
	_ =	sdelay $0x1  }
0x178: {  	[tilespmem:v2+s9+$0x0] =	vst.idx.msk $0xffff, v3  }
0x179: {  	v2 =	vld [tilespmem:$0x320];
	_ =	sdelay $0x4  }
0x17a: {  	v2 =	vadd.s32 v1, v2;
	_ =	sdelay $0x4  }
0x17b: {  	v3 =	vld.idx.msk [tilespmem:v2+s9+$0x0], $0xffff;
	_ =	sdelay $0x4  }
0x17c: {  	v3 =	vadd.f32 $1.000000000e+00, v3;
	_ =	sdelay $0x1  }
0x17d: {  	[tilespmem:v2+s9+$0x0] =	vst.idx.msk $0xffff, v3  }
0x17e: {  	v2 =	vld [tilespmem:$0x330];
	_ =	sdelay $0x4  }
0x17f: {  	v2 =	vadd.s32 v1, v2;
	_ =	sdelay $0x4  }
0x180: {  	v3 =	vld.idx.msk [tilespmem:v2+s9+$0x0], $0xffff;
	_ =	sdelay $0x4  }
0x181: {  	v3 =	vadd.f32 $1.000000000e+00, v3;
	_ =	sdelay $0x1  }
0x182: {  	[tilespmem:v2+s9+$0x0] =	vst.idx.msk $0xffff, v3  }
0x183: {  	v2 =	vld [tilespmem:$0x340];
	_ =	sdelay $0x4  }
0x184: {  	v2 =	vadd.s32 v1, v2;
	_ =	sdelay $0x4  }
0x185: {  	v3 =	vld.idx.msk [tilespmem:v2+s9+$0x0], $0xffff;
	_ =	sdelay $0x4  }
0x186: {  	v3 =	vadd.f32 $1.000000000e+00, v3;
	_ =	sdelay $0x1  }
0x187: {  	[tilespmem:v2+s9+$0x0] =	vst.idx.msk $0xffff, v3  }
0x188: {  	v2 =	vld [tilespmem:$0x350];
	_ =	sdelay $0x4  }
0x189: {  	v2 =	vadd.s32 v1, v2;
	_ =	sdelay $0x4  }
0x18a: {  	v3 =	vld.idx.msk [tilespmem:v2+s9+$0x0], $0xffff;
	_ =	sdelay $0x4  }
0x18b: {  	v3 =	vadd.f32 $1.000000000e+00, v3;
	_ =	sdelay $0x1  }
0x18c: {  	[tilespmem:v2+s9+$0x0] =	vst.idx.msk $0xffff, v3  }
0x18d: {  	v2 =	vld [tilespmem:$0x360];
	_ =	sdelay $0x4  }
0x18e: {  	v2 =	vadd.s32 v1, v2;
	_ =	sdelay $0x4  }
0x18f: {  	v3 =	vld.idx.msk [tilespmem:v2+s9+$0x0], $0xffff;
	_ =	sdelay $0x4  }
0x190: {  	v3 =	vadd.f32 $1.000000000e+00, v3;
	_ =	sdelay $0x1  }
0x191: {  	[tilespmem:v2+s9+$0x0] =	vst.idx.msk $0xffff, v3  }
0x192: {  	v2 =	vld [tilespmem:$0x370];
	_ =	sdelay $0x4  }
0x193: {  	v2 =	vadd.s32 v1, v2;
	_ =	sdelay $0x4  }
0x194: {  	v3 =	vld.idx.msk [tilespmem:v2+s9+$0x0], $0xffff;
	_ =	sdelay $0x4  }
0x195: {  	v3 =	vadd.f32 $1.000000000e+00, v3;
	_ =	sdelay $0x1  }
0x196: {  	[tilespmem:v2+s9+$0x0] =	vst.idx.msk $0xffff, v3  }
0x197: {  	v2 =	vld [tilespmem:$0x380];
	_ =	sdelay $0x4  }
0x198: {  	v2 =	vadd.s32 v1, v2;
	_ =	sdelay $0x4  }
0x199: {  	v3 =	vld.idx.msk [tilespmem:v2+s9+$0x0], $0xffff;
	_ =	sdelay $0x4  }
0x19a: {  	v3 =	vadd.f32 $1.000000000e+00, v3;
	_ =	sdelay $0x1  }
0x19b: {  	[tilespmem:v2+s9+$0x0] =	vst.idx.msk $0xffff, v3  }
0x19c: {  	v2 =	vld [tilespmem:$0x390];
	_ =	sdelay $0x4  }
0x19d: {  	v2 =	vadd.s32 v1, v2;
	_ =	sdelay $0x4  }
0x19e: {  	v3 =	vld.idx.msk [tilespmem:v2+s9+$0x0], $0xffff;
	_ =	sdelay $0x4  }
0x19f: {  	v3 =	vadd.f32 $1.000000000e+00, v3;
	_ =	sdelay $0x1  }
0x1a0: {  	[tilespmem:v2+s9+$0x0] =	vst.idx.msk $0xffff, v3  }
0x1a1: {  	v2 =	vld [tilespmem:$0x3A0];
	_ =	sdelay $0x4  }
0x1a2: {  	v2 =	vadd.s32 v1, v2;
	_ =	sdelay $0x4  }
0x1a3: {  	v3 =	vld.idx.msk [tilespmem:v2+s9+$0x0], $0xffff;
	_ =	sdelay $0x4  }
0x1a4: {  	v3 =	vadd.f32 $1.000000000e+00, v3;
	_ =	sdelay $0x1  }
0x1a5: {  	[tilespmem:v2+s9+$0x0] =	vst.idx.msk $0xffff, v3  }
0x1a6: {  	v2 =	vld [tilespmem:$0x3B0];
	_ =	sdelay $0x4  }
0x1a7: {  	v2 =	vadd.s32 v1, v2;
	_ =	sdelay $0x4  }
0x1a8: {  	v3 =	vld.idx.msk [tilespmem:v2+s9+$0x0], $0xffff;
	_ =	sdelay $0x4  }
0x1a9: {  	v3 =	vadd.f32 $1.000000000e+00, v3;
	_ =	sdelay $0x1  }
0x1aa: {  	[tilespmem:v2+s9+$0x0] =	vst.idx.msk $0xffff, v3  }
0x1ab: {  	v2 =	vld [tilespmem:$0x3C0];
	_ =	sdelay $0x4  }
0x1ac: {  	v2 =	vadd.s32 v1, v2;
	_ =	sdelay $0x4  }
0x1ad: {  	v3 =	vld.idx.msk [tilespmem:v2+s9+$0x0], $0xffff;
	_ =	sdelay $0x4  }
0x1ae: {  	v3 =	vadd.f32 $1.000000000e+00, v3;
	_ =	sdelay $0x1  }
0x1af: {  	[tilespmem:v2+s9+$0x0] =	vst.idx.msk $0xffff, v3  }
0x1b0: {  	v2 =	vld [tilespmem:$0x3D0];
	_ =	sdelay $0x4  }
0x1b1: {  	v2 =	vadd.s32 v1, v2;
	_ =	sdelay $0x4  }
0x1b2: {  	v3 =	vld.idx.msk [tilespmem:v2+s9+$0x0], $0xffff;
	_ =	sdelay $0x4  }
0x1b3: {  	v3 =	vadd.f32 $1.000000000e+00, v3;
	_ =	sdelay $0x1  }
0x1b4: {  	[tilespmem:v2+s9+$0x0] =	vst.idx.msk $0xffff, v3  }
0x1b5: {  	v2 =	vld [tilespmem:$0x3E0];
	_ =	sdelay $0x4  }
0x1b6: {  	v2 =	vadd.s32 v1, v2;
	_ =	sdelay $0x4  }
0x1b7: {  	v3 =	vld.idx.msk [tilespmem:v2+s9+$0x0], $0xffff;
	_ =	sdelay $0x4  }
0x1b8: {  	v3 =	vadd.f32 $1.000000000e+00, v3;
	_ =	sdelay $0x1  }
0x1b9: {  	[tilespmem:v2+s9+$0x0] =	vst.idx.msk $0xffff, v3  }
0x1ba: {  	v2 =	vld [tilespmem:$0x3F0];
	_ =	sdelay $0x4  }
0x1bb: {  	v2 =	vadd.s32 v1, v2;
	_ =	sdelay $0x4  }
0x1bc: {  	v3 =	vld.idx.msk [tilespmem:v2+s9+$0x0], $0xffff;
	_ =	sdelay $0x4  }
0x1bd: {  	v3 =	vadd.f32 $1.000000000e+00, v3;
	_ =	sdelay $0x1  }
0x1be: {  	[tilespmem:v2+s9+$0x0] =	vst.idx.msk $0xffff, v3  }
0x1bf: {  	v2 =	vld [tilespmem:$0x400];
	_ =	sdelay $0x4  }
0x1c0: {  	v2 =	vadd.s32 v1, v2;
	_ =	sdelay $0x4  }
0x1c1: {  	v3 =	vld.idx.msk [tilespmem:v2+s9+$0x0], $0xffff;
	_ =	sdelay $0x4  }
0x1c2: {  	v3 =	vadd.f32 $1.000000000e+00, v3;
	_ =	sdelay $0x1  }
0x1c3: {  	[tilespmem:v2+s9+$0x0] =	vst.idx.msk $0xffff, v3  }
0x1c4: {  	v2 =	vld [tilespmem:$0x410];
	_ =	sdelay $0x4  }
0x1c5: {  	v2 =	vadd.s32 v1, v2;
	_ =	sdelay $0x4  }
0x1c6: {  	v3 =	vld.idx.msk [tilespmem:v2+s9+$0x0], $0xffff;
	_ =	sdelay $0x4  }
0x1c7: {  	v3 =	vadd.f32 $1.000000000e+00, v3;
	_ =	sdelay $0x1  }
0x1c8: {  	[tilespmem:v2+s9+$0x0] =	vst.idx.msk $0xffff, v3  }
0x1c9: {  	v2 =	vld [tilespmem:$0x420];
	_ =	sdelay $0x4  }
0x1ca: {  	v2 =	vadd.s32 v1, v2;
	_ =	sdelay $0x4  }
0x1cb: {  	v3 =	vld.idx.msk [tilespmem:v2+s9+$0x0], $0xffff;
	_ =	sdelay $0x4  }
0x1cc: {  	v3 =	vadd.f32 $1.000000000e+00, v3;
	_ =	sdelay $0x1  }
0x1cd: {  	[tilespmem:v2+s9+$0x0] =	vst.idx.msk $0xffff, v3  }
0x1ce: {  	v2 =	vld [tilespmem:$0x430];
	_ =	sdelay $0x4  }
0x1cf: {  	v2 =	vadd.s32 v1, v2;
	_ =	sdelay $0x4  }
0x1d0: {  	v3 =	vld.idx.msk [tilespmem:v2+s9+$0x0], $0xffff;
	_ =	sdelay $0x4  }
0x1d1: {  	v3 =	vadd.f32 $1.000000000e+00, v3;
	_ =	sdelay $0x1  }
0x1d2: {  	[tilespmem:v2+s9+$0x0] =	vst.idx.msk $0xffff, v3  }
0x1d3: {  	v2 =	vld [tilespmem:$0x440];
	_ =	sdelay $0x4  }
0x1d4: {  	v2 =	vadd.s32 v1, v2;
	_ =	sdelay $0x4  }
0x1d5: {  	v3 =	vld.idx.msk [tilespmem:v2+s9+$0x0], $0xffff;
	_ =	sdelay $0x4  }
0x1d6: {  	v3 =	vadd.f32 $1.000000000e+00, v3;
	_ =	sdelay $0x1  }
0x1d7: {  	[tilespmem:v2+s9+$0x0] =	vst.idx.msk $0xffff, v3  }
0x1d8: {  	v2 =	vld [tilespmem:$0x450];
	_ =	sdelay $0x4  }
0x1d9: {  	v2 =	vadd.s32 v1, v2;
	_ =	sdelay $0x4  }
0x1da: {  	v3 =	vld.idx.msk [tilespmem:v2+s9+$0x0], $0xffff;
	_ =	sdelay $0x4  }
0x1db: {  	v3 =	vadd.f32 $1.000000000e+00, v3;
	_ =	sdelay $0x1  }
0x1dc: {  	[tilespmem:v2+s9+$0x0] =	vst.idx.msk $0xffff, v3  }
0x1dd: {  	v2 =	vld [tilespmem:$0x460];
	_ =	sdelay $0x4  }
0x1de: {  	v2 =	vadd.s32 v1, v2;
	_ =	sdelay $0x4  }
0x1df: {  	v3 =	vld.idx.msk [tilespmem:v2+s9+$0x0], $0xffff;
	_ =	sdelay $0x4  }
0x1e0: {  	v3 =	vadd.f32 $1.000000000e+00, v3;
	_ =	sdelay $0x1  }
0x1e1: {  	[tilespmem:v2+s9+$0x0] =	vst.idx.msk $0xffff, v3  }
0x1e2: {  	v2 =	vld [tilespmem:$0x470];
	_ =	sdelay $0x4  }
0x1e3: {  	v2 =	vadd.s32 v1, v2;
	_ =	sdelay $0x4  }
0x1e4: {  	v3 =	vld.idx.msk [tilespmem:v2+s9+$0x0], $0xffff;
	_ =	sdelay $0x4  }
0x1e5: {  	v3 =	vadd.f32 $1.000000000e+00, v3;
	_ =	sdelay $0x1  }
0x1e6: {  	[tilespmem:v2+s9+$0x0] =	vst.idx.msk $0xffff, v3  }
0x1e7: {  	v2 =	vld [tilespmem:$0x480];
	_ =	sdelay $0x4  }
0x1e8: {  	v2 =	vadd.s32 v1, v2;
	_ =	sdelay $0x4  }
0x1e9: {  	v3 =	vld.idx.msk [tilespmem:v2+s9+$0x0], $0xffff;
	_ =	sdelay $0x4  }
0x1ea: {  	v3 =	vadd.f32 $1.000000000e+00, v3;
	_ =	sdelay $0x1  }
0x1eb: {  	[tilespmem:v2+s9+$0x0] =	vst.idx.msk $0xffff, v3  }
0x1ec: {  	v2 =	vld [tilespmem:$0x490];
	_ =	sdelay $0x4  }
0x1ed: {  	v2 =	vadd.s32 v1, v2;
	_ =	sdelay $0x4  }
0x1ee: {  	v3 =	vld.idx.msk [tilespmem:v2+s9+$0x0], $0xffff;
	_ =	sdelay $0x4  }
0x1ef: {  	v3 =	vadd.f32 $1.000000000e+00, v3;
	_ =	sdelay $0x1  }
0x1f0: {  	[tilespmem:v2+s9+$0x0] =	vst.idx.msk $0xffff, v3  }
0x1f1: {  	v2 =	vld [tilespmem:$0x4A0];
	_ =	sdelay $0x4  }
0x1f2: {  	v2 =	vadd.s32 v1, v2;
	_ =	sdelay $0x4  }
0x1f3: {  	v3 =	vld.idx.msk [tilespmem:v2+s9+$0x0], $0xffff;
	_ =	sdelay $0x4  }
0x1f4: {  	v3 =	vadd.f32 $1.000000000e+00, v3;
	_ =	sdelay $0x1  }
0x1f5: {  	[tilespmem:v2+s9+$0x0] =	vst.idx.msk $0xffff, v3  }
0x1f6: {  	v2 =	vld [tilespmem:$0x4B0];
	_ =	sdelay $0x4  }
0x1f7: {  	v2 =	vadd.s32 v1, v2;
	_ =	sdelay $0x4  }
0x1f8: {  	v3 =	vld.idx.msk [tilespmem:v2+s9+$0x0], $0xffff;
	_ =	sdelay $0x4  }
0x1f9: {  	v3 =	vadd.f32 $1.000000000e+00, v3;
	_ =	sdelay $0x1  }
0x1fa: {  	[tilespmem:v2+s9+$0x0] =	vst.idx.msk $0xffff, v3  }
0x1fb: {  	v2 =	vld [tilespmem:$0x4C0];
	_ =	sdelay $0x4  }
0x1fc: {  	v2 =	vadd.s32 v1, v2;
	_ =	sdelay $0x4  }
0x1fd: {  	v3 =	vld.idx.msk [tilespmem:v2+s9+$0x0], $0xffff;
	_ =	sdelay $0x4  }
0x1fe: {  	v3 =	vadd.f32 $1.000000000e+00, v3;
	_ =	sdelay $0x1  }
0x1ff: {  	[tilespmem:v2+s9+$0x0] =	vst.idx.msk $0xffff, v3  }
0x200: {  	v2 =	vld [tilespmem:$0x4D0];
	_ =	sdelay $0x4  }
0x201: {  	v2 =	vadd.s32 v1, v2;
	_ =	sdelay $0x4  }
0x202: {  	v3 =	vld.idx.msk [tilespmem:v2+s9+$0x0], $0xffff;
	_ =	sdelay $0x4  }
0x203: {  	v3 =	vadd.f32 $1.000000000e+00, v3;
	_ =	sdelay $0x1  }
0x204: {  	[tilespmem:v2+s9+$0x0] =	vst.idx.msk $0xffff, v3  }
0x205: {  	v2 =	vld [tilespmem:$0x4E0];
	_ =	sdelay $0x4  }
0x206: {  	v2 =	vadd.s32 v1, v2;
	_ =	sdelay $0x4  }
0x207: {  	v3 =	vld.idx.msk [tilespmem:v2+s9+$0x0], $0xffff;
	_ =	sdelay $0x4  }
0x208: {  	v3 =	vadd.f32 $1.000000000e+00, v3;
	_ =	sdelay $0x1  }
0x209: {  	[tilespmem:v2+s9+$0x0] =	vst.idx.msk $0xffff, v3  }
0x20a: {  	v2 =	vld [tilespmem:$0x4F0];
	_ =	sdelay $0x4  }
0x20b: {  	v2 =	vadd.s32 v1, v2;
	_ =	sdelay $0x4  }
0x20c: {  	v3 =	vld.idx.msk [tilespmem:v2+s9+$0x0], $0xffff;
	_ =	sdelay $0x4  }
0x20d: {  	v3 =	vadd.f32 $1.000000000e+00, v3;
	_ =	sdelay $0x1  }
0x20e: {  	[tilespmem:v2+s9+$0x0] =	vst.idx.msk $0xffff, v3  }
0x20f: {  	v2 =	vld [tilespmem:$0x500];
	_ =	sdelay $0x4  }
0x210: {  	v2 =	vadd.s32 v1, v2;
	_ =	sdelay $0x4  }
0x211: {  	v3 =	vld.idx.msk [tilespmem:v2+s9+$0x0], $0xffff;
	_ =	sdelay $0x4  }
0x212: {  	v3 =	vadd.f32 $1.000000000e+00, v3;
	_ =	sdelay $0x1  }
0x213: {  	[tilespmem:v2+s9+$0x0] =	vst.idx.msk $0xffff, v3  }
0x214: {  	v2 =	vld [tilespmem:$0x510];
	_ =	sdelay $0x4  }
0x215: {  	v2 =	vadd.s32 v1, v2;
	_ =	sdelay $0x4  }
0x216: {  	v3 =	vld.idx.msk [tilespmem:v2+s9+$0x0], $0xffff;
	_ =	sdelay $0x4  }
0x217: {  	v3 =	vadd.f32 $1.000000000e+00, v3;
	_ =	sdelay $0x1  }
0x218: {  	[tilespmem:v2+s9+$0x0] =	vst.idx.msk $0xffff, v3  }
0x219: {  	v2 =	vld [tilespmem:$0x520];
	_ =	sdelay $0x4  }
0x21a: {  	v2 =	vadd.s32 v1, v2;
	_ =	sdelay $0x4  }
0x21b: {  	v3 =	vld.idx.msk [tilespmem:v2+s9+$0x0], $0xffff;
	_ =	sdelay $0x4  }
0x21c: {  	v3 =	vadd.f32 $1.000000000e+00, v3;
	_ =	sdelay $0x1  }
0x21d: {  	[tilespmem:v2+s9+$0x0] =	vst.idx.msk $0xffff, v3  }
0x21e: {  	v2 =	vld [tilespmem:$0x530];
	_ =	sdelay $0x4  }
0x21f: {  	v2 =	vadd.s32 v1, v2;
	_ =	sdelay $0x4  }
0x220: {  	v3 =	vld.idx.msk [tilespmem:v2+s9+$0x0], $0xffff;
	_ =	sdelay $0x4  }
0x221: {  	v3 =	vadd.f32 $1.000000000e+00, v3;
	_ =	sdelay $0x1  }
0x222: {  	[tilespmem:v2+s9+$0x0] =	vst.idx.msk $0xffff, v3  }
0x223: {  	v2 =	vld [tilespmem:$0x540];
	_ =	sdelay $0x4  }
0x224: {  	v2 =	vadd.s32 v1, v2;
	_ =	sdelay $0x4  }
0x225: {  	v3 =	vld.idx.msk [tilespmem:v2+s9+$0x0], $0xffff;
	_ =	sdelay $0x4  }
0x226: {  	v3 =	vadd.f32 $1.000000000e+00, v3;
	_ =	sdelay $0x1  }
0x227: {  	[tilespmem:v2+s9+$0x0] =	vst.idx.msk $0xffff, v3  }
0x228: {  	v2 =	vld [tilespmem:$0x550];
	_ =	sdelay $0x4  }
0x229: {  	v2 =	vadd.s32 v1, v2;
	_ =	sdelay $0x4  }
0x22a: {  	v3 =	vld.idx.msk [tilespmem:v2+s9+$0x0], $0xffff;
	_ =	sdelay $0x4  }
0x22b: {  	v3 =	vadd.f32 $1.000000000e+00, v3;
	_ =	sdelay $0x1  }
0x22c: {  	[tilespmem:v2+s9+$0x0] =	vst.idx.msk $0xffff, v3  }
0x22d: {  	v2 =	vld [tilespmem:$0x560];
	_ =	sdelay $0x4  }
0x22e: {  	v2 =	vadd.s32 v1, v2;
	_ =	sdelay $0x4  }
0x22f: {  	v3 =	vld.idx.msk [tilespmem:v2+s9+$0x0], $0xffff;
	_ =	sdelay $0x4  }
0x230: {  	v3 =	vadd.f32 $1.000000000e+00, v3;
	_ =	sdelay $0x1  }
0x231: {  	[tilespmem:v2+s9+$0x0] =	vst.idx.msk $0xffff, v3  }
0x232: {  	v2 =	vld [tilespmem:$0x570];
	_ =	sdelay $0x4  }
0x233: {  	v2 =	vadd.s32 v1, v2;
	_ =	sdelay $0x4  }
0x234: {  	v3 =	vld.idx.msk [tilespmem:v2+s9+$0x0], $0xffff;
	_ =	sdelay $0x4  }
0x235: {  	v3 =	vadd.f32 $1.000000000e+00, v3;
	_ =	sdelay $0x1  }
0x236: {  	[tilespmem:v2+s9+$0x0] =	vst.idx.msk $0xffff, v3  }
0x237: {  	v2 =	vld [tilespmem:$0x580];
	_ =	sdelay $0x4  }
0x238: {  	v2 =	vadd.s32 v1, v2;
	_ =	sdelay $0x4  }
0x239: {  	v3 =	vld.idx.msk [tilespmem:v2+s9+$0x0], $0xffff;
	_ =	sdelay $0x4  }
0x23a: {  	v3 =	vadd.f32 $1.000000000e+00, v3;
	_ =	sdelay $0x1  }
0x23b: {  	[tilespmem:v2+s9+$0x0] =	vst.idx.msk $0xffff, v3  }
0x23c: {  	v2 =	vld [tilespmem:$0x590];
	_ =	sdelay $0x4  }
0x23d: {  	v2 =	vadd.s32 v1, v2;
	_ =	sdelay $0x4  }
0x23e: {  	v3 =	vld.idx.msk [tilespmem:v2+s9+$0x0], $0xffff;
	_ =	sdelay $0x4  }
0x23f: {  	v3 =	vadd.f32 $1.000000000e+00, v3;
	_ =	sdelay $0x1  }
0x240: {  	[tilespmem:v2+s9+$0x0] =	vst.idx.msk $0xffff, v3  }
0x241: {  	v2 =	vld [tilespmem:$0x5A0];
	_ =	sdelay $0x4  }
0x242: {  	v2 =	vadd.s32 v1, v2;
	_ =	sdelay $0x4  }
0x243: {  	v3 =	vld.idx.msk [tilespmem:v2+s9+$0x0], $0xffff;
	_ =	sdelay $0x4  }
0x244: {  	v3 =	vadd.f32 $1.000000000e+00, v3;
	_ =	sdelay $0x1  }
0x245: {  	[tilespmem:v2+s9+$0x0] =	vst.idx.msk $0xffff, v3  }
0x246: {  	v2 =	vld [tilespmem:$0x5B0];
	_ =	sdelay $0x4  }
0x247: {  	v2 =	vadd.s32 v1, v2;
	_ =	sdelay $0x4  }
0x248: {  	v3 =	vld.idx.msk [tilespmem:v2+s9+$0x0], $0xffff;
	_ =	sdelay $0x4  }
0x249: {  	v3 =	vadd.f32 $1.000000000e+00, v3;
	_ =	sdelay $0x1  }
0x24a: {  	[tilespmem:v2+s9+$0x0] =	vst.idx.msk $0xffff, v3  }
0x24b: {  	v2 =	vld [tilespmem:$0x5C0];
	_ =	sdelay $0x4  }
0x24c: {  	v2 =	vadd.s32 v1, v2;
	_ =	sdelay $0x4  }
0x24d: {  	v3 =	vld.idx.msk [tilespmem:v2+s9+$0x0], $0xffff;
	_ =	sdelay $0x4  }
0x24e: {  	v3 =	vadd.f32 $1.000000000e+00, v3;
	_ =	sdelay $0x1  }
0x24f: {  	[tilespmem:v2+s9+$0x0] =	vst.idx.msk $0xffff, v3  }
0x250: {  	v2 =	vld [tilespmem:$0x5D0];
	_ =	sdelay $0x4  }
0x251: {  	v2 =	vadd.s32 v1, v2;
	_ =	sdelay $0x4  }
0x252: {  	v3 =	vld.idx.msk [tilespmem:v2+s9+$0x0], $0xffff;
	_ =	sdelay $0x4  }
0x253: {  	v3 =	vadd.f32 $1.000000000e+00, v3;
	_ =	sdelay $0x1  }
0x254: {  	[tilespmem:v2+s9+$0x0] =	vst.idx.msk $0xffff, v3  }
0x255: {  	v2 =	vld [tilespmem:$0x5E0];
	_ =	sdelay $0x4  }
0x256: {  	v2 =	vadd.s32 v1, v2;
	_ =	sdelay $0x4  }
0x257: {  	v3 =	vld.idx.msk [tilespmem:v2+s9+$0x0], $0xffff;
	_ =	sdelay $0x4  }
0x258: {  	v3 =	vadd.f32 $1.000000000e+00, v3;
	_ =	sdelay $0x1  }
0x259: {  	[tilespmem:v2+s9+$0x0] =	vst.idx.msk $0xffff, v3  }
0x25a: {  	v2 =	vld [tilespmem:$0x5F0];
	_ =	sdelay $0x4  }
0x25b: {  	v2 =	vadd.s32 v1, v2;
	_ =	sdelay $0x4  }
0x25c: {  	v3 =	vld.idx.msk [tilespmem:v2+s9+$0x0], $0xffff;
	_ =	sdelay $0x4  }
0x25d: {  	v3 =	vadd.f32 $1.000000000e+00, v3;
	_ =	sdelay $0x1  }
0x25e: {  	[tilespmem:v2+s9+$0x0] =	vst.idx.msk $0xffff, v3  }
0x25f: {  	v2 =	vld [tilespmem:$0x600];
	_ =	sdelay $0x4  }
0x260: {  	v2 =	vadd.s32 v1, v2;
	_ =	sdelay $0x4  }
0x261: {  	v3 =	vld.idx.msk [tilespmem:v2+s9+$0x0], $0xffff;
	_ =	sdelay $0x4  }
0x262: {  	v3 =	vadd.f32 $1.000000000e+00, v3;
	_ =	sdelay $0x1  }
0x263: {  	[tilespmem:v2+s9+$0x0] =	vst.idx.msk $0xffff, v3  }
0x264: {  	v2 =	vld [tilespmem:$0x610];
	_ =	sdelay $0x4  }
0x265: {  	v2 =	vadd.s32 v1, v2;
	_ =	sdelay $0x4  }
0x266: {  	v3 =	vld.idx.msk [tilespmem:v2+s9+$0x0], $0xffff;
	_ =	sdelay $0x4  }
0x267: {  	v3 =	vadd.f32 $1.000000000e+00, v3;
	_ =	sdelay $0x1  }
0x268: {  	[tilespmem:v2+s9+$0x0] =	vst.idx.msk $0xffff, v3  }
0x269: {  	v2 =	vld [tilespmem:$0x620];
	_ =	sdelay $0x4  }
0x26a: {  	v2 =	vadd.s32 v1, v2;
	_ =	sdelay $0x4  }
0x26b: {  	v3 =	vld.idx.msk [tilespmem:v2+s9+$0x0], $0xffff;
	_ =	sdelay $0x4  }
0x26c: {  	v3 =	vadd.f32 $1.000000000e+00, v3;
	_ =	sdelay $0x1  }
0x26d: {  	[tilespmem:v2+s9+$0x0] =	vst.idx.msk $0xffff, v3  }
0x26e: {  	v2 =	vld [tilespmem:$0x630];
	_ =	sdelay $0x4  }
0x26f: {  	v2 =	vadd.s32 v1, v2;
	_ =	sdelay $0x4  }
0x270: {  	v3 =	vld.idx.msk [tilespmem:v2+s9+$0x0], $0xffff;
	_ =	sdelay $0x4  }
0x271: {  	v3 =	vadd.f32 $1.000000000e+00, v3;
	_ =	sdelay $0x1  }
0x272: {  	[tilespmem:v2+s9+$0x0] =	vst.idx.msk $0xffff, v3  }
0x273: {  	v2 =	vld [tilespmem:$0x640];
	_ =	sdelay $0x4  }
0x274: {  	v2 =	vadd.s32 v1, v2;
	_ =	sdelay $0x4  }
0x275: {  	v3 =	vld.idx.msk [tilespmem:v2+s9+$0x0], $0xffff;
	_ =	sdelay $0x4  }
0x276: {  	v3 =	vadd.f32 $1.000000000e+00, v3;
	_ =	sdelay $0x1  }
0x277: {  	[tilespmem:v2+s9+$0x0] =	vst.idx.msk $0xffff, v3  }
0x278: {  	v2 =	vld [tilespmem:$0x650];
	_ =	sdelay $0x4  }
0x279: {  	v2 =	vadd.s32 v1, v2;
	_ =	sdelay $0x4  }
0x27a: {  	v3 =	vld.idx.msk [tilespmem:v2+s9+$0x0], $0xffff;
	_ =	sdelay $0x4  }
0x27b: {  	v3 =	vadd.f32 $1.000000000e+00, v3;
	_ =	sdelay $0x1  }
0x27c: {  	[tilespmem:v2+s9+$0x0] =	vst.idx.msk $0xffff, v3  }
0x27d: {  	v2 =	vld [tilespmem:$0x660];
	_ =	sdelay $0x4  }
0x27e: {  	v2 =	vadd.s32 v1, v2;
	_ =	sdelay $0x4  }
0x27f: {  	v3 =	vld.idx.msk [tilespmem:v2+s9+$0x0], $0xffff;
	_ =	sdelay $0x4  }
0x280: {  	v3 =	vadd.f32 $1.000000000e+00, v3;
	_ =	sdelay $0x1  }
0x281: {  	[tilespmem:v2+s9+$0x0] =	vst.idx.msk $0xffff, v3  }
0x282: {  	v2 =	vld [tilespmem:$0x670];
	_ =	sdelay $0x4  }
0x283: {  	v2 =	vadd.s32 v1, v2;
	_ =	sdelay $0x4  }
0x284: {  	v3 =	vld.idx.msk [tilespmem:v2+s9+$0x0], $0xffff;
	_ =	sdelay $0x4  }
0x285: {  	v3 =	vadd.f32 $1.000000000e+00, v3;
	_ =	sdelay $0x1  }
0x286: {  	[tilespmem:v2+s9+$0x0] =	vst.idx.msk $0xffff, v3  }
0x287: {  	v2 =	vld [tilespmem:$0x680];
	_ =	sdelay $0x4  }
0x288: {  	v2 =	vadd.s32 v1, v2;
	_ =	sdelay $0x4  }
0x289: {  	v3 =	vld.idx.msk [tilespmem:v2+s9+$0x0], $0xffff;
	_ =	sdelay $0x4  }
0x28a: {  	v3 =	vadd.f32 $1.000000000e+00, v3;
	_ =	sdelay $0x1  }
0x28b: {  	[tilespmem:v2+s9+$0x0] =	vst.idx.msk $0xffff, v3  }
0x28c: {  	v2 =	vld [tilespmem:$0x690];
	_ =	sdelay $0x4  }
0x28d: {  	v2 =	vadd.s32 v1, v2;
	_ =	sdelay $0x4  }
0x28e: {  	v3 =	vld.idx.msk [tilespmem:v2+s9+$0x0], $0xffff;
	_ =	sdelay $0x4  }
0x28f: {  	v3 =	vadd.f32 $1.000000000e+00, v3;
	_ =	sdelay $0x1  }
0x290: {  	[tilespmem:v2+s9+$0x0] =	vst.idx.msk $0xffff, v3  }
0x291: {  	v2 =	vld [tilespmem:$0x6A0];
	_ =	sdelay $0x4  }
0x292: {  	v2 =	vadd.s32 v1, v2;
	_ =	sdelay $0x4  }
0x293: {  	v3 =	vld.idx.msk [tilespmem:v2+s9+$0x0], $0xffff;
	_ =	sdelay $0x4  }
0x294: {  	v3 =	vadd.f32 $1.000000000e+00, v3;
	_ =	sdelay $0x1  }
0x295: {  	[tilespmem:v2+s9+$0x0] =	vst.idx.msk $0xffff, v3  }
0x296: {  	v2 =	vld [tilespmem:$0x6B0];
	_ =	sdelay $0x4  }
0x297: {  	v2 =	vadd.s32 v1, v2;
	_ =	sdelay $0x4  }
0x298: {  	v3 =	vld.idx.msk [tilespmem:v2+s9+$0x0], $0xffff;
	_ =	sdelay $0x4  }
0x299: {  	v3 =	vadd.f32 $1.000000000e+00, v3;
	_ =	sdelay $0x1  }
0x29a: {  	[tilespmem:v2+s9+$0x0] =	vst.idx.msk $0xffff, v3  }
0x29b: {  	v2 =	vld [tilespmem:$0x6C0];
	_ =	sdelay $0x4  }
0x29c: {  	v2 =	vadd.s32 v1, v2;
	_ =	sdelay $0x4  }
0x29d: {  	v3 =	vld.idx.msk [tilespmem:v2+s9+$0x0], $0xffff;
	_ =	sdelay $0x4  }
0x29e: {  	v3 =	vadd.f32 $1.000000000e+00, v3;
	_ =	sdelay $0x1  }
0x29f: {  	[tilespmem:v2+s9+$0x0] =	vst.idx.msk $0xffff, v3  }
0x2a0: {  	v2 =	vld [tilespmem:$0x6D0];
	_ =	sdelay $0x4  }
0x2a1: {  	v2 =	vadd.s32 v1, v2;
	_ =	sdelay $0x4  }
0x2a2: {  	v3 =	vld.idx.msk [tilespmem:v2+s9+$0x0], $0xffff;
	_ =	sdelay $0x4  }
0x2a3: {  	v3 =	vadd.f32 $1.000000000e+00, v3;
	_ =	sdelay $0x1  }
0x2a4: {  	[tilespmem:v2+s9+$0x0] =	vst.idx.msk $0xffff, v3  }
0x2a5: {  	v2 =	vld [tilespmem:$0x6E0];
	_ =	sdelay $0x4  }
0x2a6: {  	v2 =	vadd.s32 v1, v2;
	_ =	sdelay $0x4  }
0x2a7: {  	v3 =	vld.idx.msk [tilespmem:v2+s9+$0x0], $0xffff;
	_ =	sdelay $0x4  }
0x2a8: {  	v3 =	vadd.f32 $1.000000000e+00, v3;
	_ =	sdelay $0x1  }
0x2a9: {  	[tilespmem:v2+s9+$0x0] =	vst.idx.msk $0xffff, v3  }
0x2aa: {  	v2 =	vld [tilespmem:$0x6F0];
	_ =	sdelay $0x4  }
0x2ab: {  	v2 =	vadd.s32 v1, v2;
	_ =	sdelay $0x4  }
0x2ac: {  	v3 =	vld.idx.msk [tilespmem:v2+s9+$0x0], $0xffff;
	_ =	sdelay $0x4  }
0x2ad: {  	v3 =	vadd.f32 $1.000000000e+00, v3;
	_ =	sdelay $0x1  }
0x2ae: {  	[tilespmem:v2+s9+$0x0] =	vst.idx.msk $0xffff, v3  }
0x2af: {  	v2 =	vld [tilespmem:$0x700];
	_ =	sdelay $0x4  }
0x2b0: {  	v2 =	vadd.s32 v1, v2;
	_ =	sdelay $0x4  }
0x2b1: {  	v3 =	vld.idx.msk [tilespmem:v2+s9+$0x0], $0xffff;
	_ =	sdelay $0x4  }
0x2b2: {  	v3 =	vadd.f32 $1.000000000e+00, v3;
	_ =	sdelay $0x1  }
0x2b3: {  	[tilespmem:v2+s9+$0x0] =	vst.idx.msk $0xffff, v3  }
0x2b4: {  	v2 =	vld [tilespmem:$0x710];
	_ =	sdelay $0x4  }
0x2b5: {  	v2 =	vadd.s32 v1, v2;
	_ =	sdelay $0x4  }
0x2b6: {  	v3 =	vld.idx.msk [tilespmem:v2+s9+$0x0], $0xffff;
	_ =	sdelay $0x4  }
0x2b7: {  	v3 =	vadd.f32 $1.000000000e+00, v3;
	_ =	sdelay $0x1  }
0x2b8: {  	[tilespmem:v2+s9+$0x0] =	vst.idx.msk $0xffff, v3  }
0x2b9: {  	v2 =	vld [tilespmem:$0x720];
	_ =	sdelay $0x4  }
0x2ba: {  	v2 =	vadd.s32 v1, v2;
	_ =	sdelay $0x4  }
0x2bb: {  	v3 =	vld.idx.msk [tilespmem:v2+s9+$0x0], $0xffff;
	_ =	sdelay $0x4  }
0x2bc: {  	v3 =	vadd.f32 $1.000000000e+00, v3;
	_ =	sdelay $0x1  }
0x2bd: {  	[tilespmem:v2+s9+$0x0] =	vst.idx.msk $0xffff, v3  }
0x2be: {  	v2 =	vld [tilespmem:$0x730];
	_ =	sdelay $0x4  }
0x2bf: {  	v2 =	vadd.s32 v1, v2;
	_ =	sdelay $0x4  }
0x2c0: {  	v3 =	vld.idx.msk [tilespmem:v2+s9+$0x0], $0xffff;
	_ =	sdelay $0x4  }
0x2c1: {  	v3 =	vadd.f32 $1.000000000e+00, v3;
	_ =	sdelay $0x1  }
0x2c2: {  	[tilespmem:v2+s9+$0x0] =	vst.idx.msk $0xffff, v3  }
0x2c3: {  	v2 =	vld [tilespmem:$0x740];
	_ =	sdelay $0x4  }
0x2c4: {  	v2 =	vadd.s32 v1, v2;
	_ =	sdelay $0x4  }
0x2c5: {  	v3 =	vld.idx.msk [tilespmem:v2+s9+$0x0], $0xffff;
	_ =	sdelay $0x4  }
0x2c6: {  	v3 =	vadd.f32 $1.000000000e+00, v3;
	_ =	sdelay $0x1  }
0x2c7: {  	[tilespmem:v2+s9+$0x0] =	vst.idx.msk $0xffff, v3  }
0x2c8: {  	v2 =	vld [tilespmem:$0x750];
	_ =	sdelay $0x4  }
0x2c9: {  	v2 =	vadd.s32 v1, v2;
	_ =	sdelay $0x4  }
0x2ca: {  	v3 =	vld.idx.msk [tilespmem:v2+s9+$0x0], $0xffff;
	_ =	sdelay $0x4  }
0x2cb: {  	v3 =	vadd.f32 $1.000000000e+00, v3;
	_ =	sdelay $0x1  }
0x2cc: {  	[tilespmem:v2+s9+$0x0] =	vst.idx.msk $0xffff, v3  }
0x2cd: {  	v2 =	vld [tilespmem:$0x760];
	_ =	sdelay $0x4  }
0x2ce: {  	v2 =	vadd.s32 v1, v2;
	_ =	sdelay $0x4  }
0x2cf: {  	v3 =	vld.idx.msk [tilespmem:v2+s9+$0x0], $0xffff;
	_ =	sdelay $0x4  }
0x2d0: {  	v3 =	vadd.f32 $1.000000000e+00, v3;
	_ =	sdelay $0x1  }
0x2d1: {  	[tilespmem:v2+s9+$0x0] =	vst.idx.msk $0xffff, v3  }
0x2d2: {  	v2 =	vld [tilespmem:$0x770];
	_ =	sdelay $0x4  }
0x2d3: {  	v2 =	vadd.s32 v1, v2;
	_ =	sdelay $0x4  }
0x2d4: {  	v3 =	vld.idx.msk [tilespmem:v2+s9+$0x0], $0xffff;
	_ =	sdelay $0x4  }
0x2d5: {  	v3 =	vadd.f32 $1.000000000e+00, v3;
	_ =	sdelay $0x1  }
0x2d6: {  	[tilespmem:v2+s9+$0x0] =	vst.idx.msk $0xffff, v3  }
0x2d7: {  	v2 =	vld [tilespmem:$0x780];
	_ =	sdelay $0x4  }
0x2d8: {  	v2 =	vadd.s32 v1, v2;
	_ =	sdelay $0x4  }
0x2d9: {  	v3 =	vld.idx.msk [tilespmem:v2+s9+$0x0], $0xffff;
	_ =	sdelay $0x4  }
0x2da: {  	v3 =	vadd.f32 $1.000000000e+00, v3;
	_ =	sdelay $0x1  }
0x2db: {  	[tilespmem:v2+s9+$0x0] =	vst.idx.msk $0xffff, v3  }
0x2dc: {  	v2 =	vld [tilespmem:$0x790];
	_ =	sdelay $0x4  }
0x2dd: {  	v2 =	vadd.s32 v1, v2;
	_ =	sdelay $0x4  }
0x2de: {  	v3 =	vld.idx.msk [tilespmem:v2+s9+$0x0], $0xffff;
	_ =	sdelay $0x4  }
0x2df: {  	v3 =	vadd.f32 $1.000000000e+00, v3;
	_ =	sdelay $0x1  }
0x2e0: {  	[tilespmem:v2+s9+$0x0] =	vst.idx.msk $0xffff, v3  }
0x2e1: {  	v2 =	vld [tilespmem:$0x7A0];
	_ =	sdelay $0x4  }
0x2e2: {  	v2 =	vadd.s32 v1, v2;
	_ =	sdelay $0x4  }
0x2e3: {  	v3 =	vld.idx.msk [tilespmem:v2+s9+$0x0], $0xffff;
	_ =	sdelay $0x4  }
0x2e4: {  	v3 =	vadd.f32 $1.000000000e+00, v3;
	_ =	sdelay $0x1  }
0x2e5: {  	[tilespmem:v2+s9+$0x0] =	vst.idx.msk $0xffff, v3  }
0x2e6: {  	v2 =	vld [tilespmem:$0x7B0];
	_ =	sdelay $0x4  }
0x2e7: {  	v2 =	vadd.s32 v1, v2;
	_ =	sdelay $0x4  }
0x2e8: {  	v3 =	vld.idx.msk [tilespmem:v2+s9+$0x0], $0xffff;
	_ =	sdelay $0x4  }
0x2e9: {  	v3 =	vadd.f32 $1.000000000e+00, v3;
	_ =	sdelay $0x1  }
0x2ea: {  	[tilespmem:v2+s9+$0x0] =	vst.idx.msk $0xffff, v3  }
0x2eb: {  	v2 =	vld [tilespmem:$0x7C0];
	_ =	sdelay $0x4  }
0x2ec: {  	v2 =	vadd.s32 v1, v2;
	_ =	sdelay $0x4  }
0x2ed: {  	v3 =	vld.idx.msk [tilespmem:v2+s9+$0x0], $0xffff;
	_ =	sdelay $0x4  }
0x2ee: {  	v3 =	vadd.f32 $1.000000000e+00, v3;
	_ =	sdelay $0x1  }
0x2ef: {  	[tilespmem:v2+s9+$0x0] =	vst.idx.msk $0xffff, v3  }
0x2f0: {  	v2 =	vld [tilespmem:$0x7D0];
	_ =	sdelay $0x4  }
0x2f1: {  	v2 =	vadd.s32 v1, v2;
	_ =	sdelay $0x4  }
0x2f2: {  	v3 =	vld.idx.msk [tilespmem:v2+s9+$0x0], $0xffff;
	_ =	sdelay $0x4  }
0x2f3: {  	v3 =	vadd.f32 $1.000000000e+00, v3;
	_ =	sdelay $0x1  }
0x2f4: {  	[tilespmem:v2+s9+$0x0] =	vst.idx.msk $0xffff, v3  }
0x2f5: {  	v2 =	vld [tilespmem:$0x7E0];
	_ =	sdelay $0x4  }
0x2f6: {  	v2 =	vadd.s32 v1, v2;
	_ =	sdelay $0x4  }
0x2f7: {  	v3 =	vld.idx.msk [tilespmem:v2+s9+$0x0], $0xffff;
	_ =	sdelay $0x4  }
0x2f8: {  	v3 =	vadd.f32 $1.000000000e+00, v3;
	_ =	sdelay $0x1  }
0x2f9: {  	[tilespmem:v2+s9+$0x0] =	vst.idx.msk $0xffff, v3  }
0x2fa: {  	v2 =	vld [tilespmem:$0x7F0];
	_ =	sdelay $0x4  }
0x2fb: {  	v2 =	vadd.s32 v1, v2;
	_ =	sdelay $0x4  }
0x2fc: {  	v3 =	vld.idx.msk [tilespmem:v2+s9+$0x0], $0xffff;
	_ =	sdelay $0x4  }
0x2fd: {  	v3 =	vadd.f32 $1.000000000e+00, v3;
	_ =	sdelay $0x1  }
0x2fe: {  	[tilespmem:v2+s9+$0x0] =	vst.idx.msk $0xffff, v3  }
0x2ff: {  	v2 =	vld [tilespmem:$0x800]  }
0x300: {  	v3 =	vld [tilespmem:$0x870]  }
0x301: {  	v4 =	vld [tilespmem:$0x8E0]  }
0x302: {  	v5 =	vld [tilespmem:$0x950]  }
0x303: {  	v6 =	vld [tilespmem:$0x9C0]  }
0x304: {  	v7 =	vld [tilespmem:$0xA30]  }
0x305: {  	v8 =	vld [tilespmem:$0xAA0]  }
0x306: {  	v9 =	vld [tilespmem:$0xB10]  }
0x307: {  	v10 =	vld [tilespmem:$0xB80]  }
0x308: {  	v11 =	vld [tilespmem:$0xBF0]  }
0x309: {  	v12 =	vld [tilespmem:$0xC60]  }
0x30a: {  	v13 =	vld [tilespmem:$0xCD0]  }
0x30b: {  	v14 =	vld [tilespmem:$0xD40]  }
0x30c: {  	v15 =	vld [tilespmem:$0xDB0]  }
0x30d: {  	v16 =	vld [tilespmem:$0xE20]  }
0x30e: {  	v17 =	vld [tilespmem:$0xE90]  }
0x30f: {  	v18 =	vld [tilespmem:$0x810]  }
0x310: {  	v19 =	vld [tilespmem:$0x880]  }
0x311: {  	v20 =	vld [tilespmem:$0x8F0]  }
0x312: {  	v21 =	vld [tilespmem:$0x960]  }
0x313: {  	v22 =	vld [tilespmem:$0x9D0]  }
0x314: {  	v23 =	vld [tilespmem:$0xA40]  }
0x315: {  	v24 =	vld [tilespmem:$0xAB0]  }
0x316: {  	v25 =	vld [tilespmem:$0xB20]  }
0x317: {  	v26 =	vld [tilespmem:$0xB90]  }
0x318: {  	v27 =	vld [tilespmem:$0xC00]  }
0x319: {  	v28 =	vld [tilespmem:$0xC70]  }
0x31a: {  	v29 =	vld [tilespmem:$0xCE0]  }
0x31b: {  	v30 =	vld [tilespmem:$0xD50]  }
0x31c: {  	v31 =	vld [tilespmem:$0xDC0]  }
0x31d: {  	v32 =	vld [tilespmem:$0xE30]  }
0x31e: {  	v33 =	vld [tilespmem:$0xEA0]  }
0x31f: {  	v34 =	vld [tilespmem:$0x820]  }
0x320: {  	v35 =	vld [tilespmem:$0x890]  }
0x321: {  	v36 =	vld [tilespmem:$0x900]  }
0x322: {  	v37 =	vld [tilespmem:$0x970]  }
0x323: {  	v38 =	vld [tilespmem:$0x9E0]  }
0x324: {  	v39 =	vld [tilespmem:$0xA50]  }
0x325: {  	v40 =	vld [tilespmem:$0xAC0]  }
0x326: {  	v41 =	vld [tilespmem:$0xB30]  }
0x327: {  	v42 =	vld [tilespmem:$0xBA0]  }
0x328: {  	v44 =	vld [tilespmem:$0x830]  }
0x329: {  	v45 =	vld [tilespmem:$0x8A0]  }
0x32a: {  	v46 =	vld [tilespmem:$0x910];
	v2 =	vadd.f32 v3, v2  }
0x32b: {  	v47 =	vld [tilespmem:$0x980];
	v18 =	vadd.f32 v19, v18  }
0x32c: {  	v48 =	vld [tilespmem:$0x9F0];
	v2 =	vadd.f32 v4, v2  }
0x32d: {  	v49 =	vld [tilespmem:$0xA60];
	v18 =	vadd.f32 v20, v18  }
0x32e: {  	v50 =	vld [tilespmem:$0xAD0];
	v2 =	vadd.f32 v5, v2  }
0x32f: {  	v51 =	vld [tilespmem:$0xB40];
	v18 =	vadd.f32 v21, v18  }
0x330: {  	v52 =	vld [tilespmem:$0xBB0];
	v2 =	vadd.f32 v6, v2  }
0x331: {  	v53 =	vld [tilespmem:$0xC20];
	v18 =	vadd.f32 v22, v18  }
0x332: {  	v54 =	vld [tilespmem:$0x840];
	v2 =	vadd.f32 v7, v2  }
0x333: {  	v55 =	vld [tilespmem:$0x8B0];
	v18 =	vadd.f32 v23, v18  }
0x334: {  	v56 =	vld [tilespmem:$0x850];
	v2 =	vadd.f32 v8, v2  }
0x335: {  	v57 =	vld [tilespmem:$0x8C0];
	v18 =	vadd.f32 v24, v18  }
0x336: {  	v58 =	vld [tilespmem:$0x920];
	v2 =	vadd.f32 v9, v2  }
0x337: {  	v60 =	vld [tilespmem:$0x930];
	v18 =	vadd.f32 v25, v18  }
0x338: {  	v61 =	vld [tilespmem:$0x990];
	v2 =	vadd.f32 v10, v2  }
0x339: {  	v62 =	vld [tilespmem:$0x9A0];
	v18 =	vadd.f32 v26, v18  }
0x33a: {  	v63 =	vld [tilespmem:$0xA00];
	v2 =	vadd.f32 v11, v2  }
0x33b: {  	v43 =	vld [tilespmem:$0xAF0];
	v18 =	vadd.f32 v27, v18  }
0x33c: {  	v3 =	vld [tilespmem:$0xC10];
	v2 =	vadd.f32 v12, v2  }
0x33d: {  	v19 =	vld [tilespmem:$0xC80];
	v18 =	vadd.f32 v28, v18  }
0x33e: {  	v4 =	vld [tilespmem:$0xCF0];
	v7 =	vadd.f32 v45, v44;
	v2 =	vadd.f32 v13, v2  }
0x33f: {  	v20 =	vld [tilespmem:$0xD60];
	v18 =	vadd.f32 v29, v18  }
0x340: {  	v5 =	vld [tilespmem:$0xDD0];
	v7 =	vadd.f32 v46, v7;
	v2 =	vadd.f32 v14, v2  }
0x341: {  	v21 =	vld [tilespmem:$0xE40];
	v18 =	vadd.f32 v30, v18  }
0x342: {  	v6 =	vld [tilespmem:$0xEB0];
	v7 =	vadd.f32 v47, v7;
	v2 =	vadd.f32 v15, v2  }
0x343: {  	v59 =	vadd.f32 v35, v34;
	v44 =	vld [tilespmem:$0xB50];
	v18 =	vadd.f32 v31, v18  }
0x344: {  	v45 =	vld [tilespmem:$0xB60];
	v7 =	vadd.f32 v48, v7;
	v2 =	vadd.f32 v16, v2  }
0x345: {  	v46 =	vld [tilespmem:$0xBC0];
	v15 =	vadd.f32 v55, v54;
	v18 =	vadd.f32 v32, v18  }
0x346: {  	v47 =	vld [tilespmem:$0xBD0];
	v2 =	vadd.f32 v17, v2;
	v17 =	vadd.f32 v36, v59  }
0x347: {  	v48 =	vld [tilespmem:$0xC30];
	v16 =	vadd.f32 v57, v56;
	v15 =	vadd.f32 v58, v15  }
0x348: {  	v18 =	vadd.f32 v33, v18;
	v33 =	vld [tilespmem:$0xA10];
	v17 =	vadd.f32 v37, v17  }
0x349: {  	v35 =	vadd.f32 v60, v16;
	v36 =	vld [tilespmem:$0xA70]  }
0x34a: {  	v15 =	vadd.f32 v61, v15;
	v37 =	vld [tilespmem:$0xA80];
	v17 =	vadd.f32 v38, v17  }
0x34b: {  	v8 =	vadd.f32 v62, v35;
	v38 =	vld [tilespmem:$0xAE0]  }
0x34c: {  	v27 =	vld [tilespmem:$0xC90];
	v15 =	vadd.f32 v63, v15;
	v17 =	vadd.f32 v39, v17  }
0x34d: {  	v7 =	vadd.f32 v49, v7;
	v49 =	vld [tilespmem:$0xC40];
	v8 =	vadd.f32 v33, v8  }
0x34e: {  	v12 =	vld [tilespmem:$0xD00];
	v15 =	vadd.f32 v36, v15;
	v17 =	vadd.f32 v40, v17  }
0x34f: {  	v28 =	vld [tilespmem:$0xD70];
	v7 =	vadd.f32 v50, v7;
	v8 =	vadd.f32 v37, v8  }
0x350: {  	v50 =	vld [tilespmem:$0xCA0];
	v15 =	vadd.f32 v38, v15;
	v17 =	vadd.f32 v41, v17  }
0x351: {  	v13 =	vld [tilespmem:$0xDE0];
	v7 =	vadd.f32 v51, v7;
	v8 =	vadd.f32 v43, v8  }
0x352: {  	v29 =	vld [tilespmem:$0xE50];
	v9 =	vadd.f32 v44, v15;
	v17 =	vadd.f32 v42, v17  }
0x353: {  	v51 =	vld [tilespmem:$0xCB0];
	v7 =	vadd.f32 v52, v7;
	v8 =	vadd.f32 v45, v8  }
0x354: {  	v14 =	vld [tilespmem:$0xEC0];
	v9 =	vadd.f32 v46, v9;
	v3 =	vadd.f32 v3, v17  }
0x355: {  	v52 =	vld [tilespmem:$0xD10];
	v7 =	vadd.f32 v53, v7;
	v8 =	vadd.f32 v47, v8  }
0x356: {  	v53 =	vld [tilespmem:$0xD20];
	v9 =	vadd.f32 v48, v9;
	v3 =	vadd.f32 v19, v3  }
0x357: {  	v54 =	vld [tilespmem:$0xD80];
	v7 =	vadd.f32 v27, v7;
	v8 =	vadd.f32 v49, v8  }
0x358: {  	v56 =	vld [tilespmem:$0xD90];
	v55 =	vadd.f32 v50, v9;
	v3 =	vadd.f32 v4, v3  }
0x359: {  	v57 =	vld [tilespmem:$0xDF0];
	v7 =	vadd.f32 v12, v7;
	v8 =	vadd.f32 v51, v8  }
0x35a: {  	v58 =	vld [tilespmem:$0xE00];
	v4 =	vadd.f32 v52, v55;
	v3 =	vadd.f32 v20, v3  }
0x35b: {  	v59 =	vld [tilespmem:$0xE60];
	v7 =	vadd.f32 v28, v7;
	v8 =	vadd.f32 v53, v8  }
0x35c: {  	v60 =	vld [tilespmem:$0xE70];
	v4 =	vadd.f32 v54, v4;
	v3 =	vadd.f32 v5, v3  }
0x35d: {  	v61 =	vld [tilespmem:$0xED0];
	v7 =	vadd.f32 v13, v7;
	v8 =	vadd.f32 v56, v8  }
0x35e: {  	v62 =	vld [tilespmem:$0xEE0];
	v4 =	vadd.f32 v57, v4;
	v3 =	vadd.f32 v21, v3  }
0x35f: {  	v7 =	vadd.f32 v29, v7;
	v8 =	vadd.f32 v58, v8  }
0x360: {  	[tilespmem:$0xF00] =	vst v2;
	v2 =	vadd.f32 v6, v3;
	v3 =	vadd.f32 v59, v4  }
0x361: {  	[tilespmem:$0xF10] =	vst v18;
	v63 =	vadd.f32 v14, v7;
	v5 =	vadd.f32 v60, v8  }
0x362: {  	[tilespmem:$0xF20] =	vst v2;
	v2 =	vadd.f32 v61, v3  }
0x363: {  	[tilespmem:$0xF30] =	vst v63;
	v3 =	vadd.f32 v62, v5  }
0x364: {  	[tilespmem:$0xF40] =	vst v2  }
0x365: {  	[tilespmem:$0xF50] =	vst v3  }
0x366: {  	[spmem:s4] =	stream.linear.scatter [tilespmem:s10], [sflag:$0x1], $0x80, $0x38;
	[tilespmem:$0x1060] =	vst v63  }
0x367: {  	_ =	swait.ge [sflag:s8], $0x80  }
0x368: {  	[sflag:s8] =	ssyncset.done $0x0  }
0x369: {  	[sflag:s8] =	ssyncadd.s32 $0xFFFFFF80  }
0x36a: {  	s11 =	simm.s32 @!p0 $0xF80;
	[bflag:$0x0] =	sbarrier.arrive $0xFFFF  }
0x36b: {  	[tilespmem:s11], [sflag:$0x1] =	stream.linear.gather @!p0 [spmem:s5], $0x80, $0x38;
	[tilespmem:$0x1060] =	vst v63  }
0x36c: {  	s11 =	simm.s32 @!p0 $0x1  }
0x36d: {  	_ =	swait.ge @!p0 [sflag:s11], $0x80  }
0x36e: {  	[sflag:s11] =	ssyncset.done @!p0 $0x0  }
0x36f: {  	[sflag:s11] =	ssyncadd.s32 @!p0 $0xFFFFFF80  }
0x370: {  	v2 =	vld @!p0 [tilespmem:$0xF00]  }
0x371: {  	v3 =	vld @!p0 [tilespmem:$0xF80]  }
0x372: {  	v4 =	vld @!p0 [tilespmem:$0xF10]  }
0x373: {  	v5 =	vld @!p0 [tilespmem:$0xF90]  }
0x374: {  	v6 =	vld @!p0 [tilespmem:$0xF20]  }
0x375: {  	v7 =	vld @!p0 [tilespmem:$0xFA0]  }
0x376: {  	v8 =	vld @!p0 [tilespmem:$0xF30]  }
0x377: {  	v9 =	vld @!p0 [tilespmem:$0xFB0]  }
0x378: {  	v10 =	vld @!p0 [tilespmem:$0xF40]  }
0x379: {  	v11 =	vld @!p0 [tilespmem:$0xFC0]  }
0x37a: {  	v12 =	vld @!p0 [tilespmem:$0xF50]  }
0x37b: {  	v2 =	vadd.f32 @!p0 v3, v2;
	v3 =	vld @!p0 [tilespmem:$0xFD0]  }
0x37c: {  	v4 =	vadd.f32 @!p0 v5, v4  }
0x37d: {  	[tilespmem:$0xF00] =	vst @!p0 v2;
	v2 =	vadd.f32 @!p0 v7, v6  }
0x37e: {  	[tilespmem:$0xF10] =	vst @!p0 v4;
	v4 =	vadd.f32 @!p0 v9, v8  }
0x37f: {  	[tilespmem:$0xF20] =	vst @!p0 v2;
	v2 =	vadd.f32 @!p0 v11, v10  }
0x380: {  	s7 =	sadd.s32 $0xFFFFFFFF, s7;
	[tilespmem:$0xF30] =	vst @!p0 v4;
	v3 =	vadd.f32 @!p0 v3, v12  }
0x381: {  	p1 =	sne.s32 s7, $0x0;
	[tilespmem:$0xF40] =	vst @!p0 v2  }
.Ltmp0:
0x382: {  	s12 =	simm.s32 @!p0 $0x0;
	s13 =	simm.s32 @!p0 $0xF00;
	[tilespmem:$0xF50] =	vst @!p0 v3;
	(pc) =	sbr.rel @p1 .LBB2_1-.Ltmp0, $4  }
0x383: {  	[hbm4b:s6+s12] =	stream.linear.scatter @!p0 [tilespmem:s13], [sflag:$0x1], $0x80, $0x38;
	[tilespmem:$0x1060] =	vst v63  }
0x384: {  	_ =	swait.ge @!p0 [sflag:s11], $0x80  }
0x385: {  	[sflag:s11] =	ssyncset.done @!p0 $0x0  }
0x386: {  	[sflag:s11] =	ssyncadd.s32 @!p0 $0xFFFFFF80  }
0x387: {  	_ =	sfence.sel $0x180000  }
0x388: {  	[bflag:$0x0] =	sbarrier.arrive $0xFFFF  }
0x389: {  	p0 =	sne.s32 s1, $0x0;
	_ =	strace $0x90000047  }
0x38a: {  	s0 =	sadd.s32 @!p0 $0x100000, s0;
	[bflag:$0x2] =	sbarrier.arrive $0xFFFF  }
0x38b: {  	[sflag:s0] =	ssyncadd.tile.s32 @!p0 $0x1;
	_ =	shalt  }
.Lfunc_end2:
_tile_overlayer_lowered:
.L_overlay_start_2:
0x38c: {  	(tag) =	ssettag $0x2  }
0x38d: {  	s0 =	rddreg [dreg:$0x0];
	s2 =	stileid.u32  }
0x38e: {  	s1 =	rddreg [dreg:$0x1];
	p0 =	sne.s32 s2, $0x0  }
0x38f: {  	s3 =	rddreg [dreg:$0x2];
	[bflag:$0x3] =	sbarrier.arrive $0xFFFF;
	s2 =	simm.s32 @!p0 $0x1C01  }
0x390: {  	[timem:s3], [sflag:s2] =	dma.local @!p0 [hbm:s0], s1  }
0x391: {  	s0 =	simm.s32 @!p0 $0x1  }
0x392: {  	_ =	swait.ge @!p0 [sflag:s0], s1  }
0x393: {  	s1 =	ssub.s32 @!p0 $0x0, s1;
	[sflag:s0] =	ssyncset.done @!p0 $0x0  }
0x394: {  	[sflag:s0] =	ssyncadd.s32 @!p0 s1  }
0x395: {  	[bflag:$0x3] =	sbarrier.arrive $0xFFFF  }
0x396: {  	_ =	shalt  }

</sc_bundles>
